<compile_context>
chip_gen: v7x
topology: tpu7x:2x2x1
jax: 0.10.2.dev20260603
libtpu: 0.0.44.dev20260713+nightly
codegen_flags: <defaults>
</compile_context>

<pallas_src>
import functools

import jax
import jax.numpy as jnp
from jax import lax
from jax.experimental import pallas as pl
from jax.experimental.pallas import tpu as pltpu
from jax.experimental.pallas import tpu_sc as plsc

N_TOKENS = 8192
D_MODEL = 4096
N_EXPERTS = 64

N_CHUNKS = 1
CHUNK = N_TOKENS // N_CHUNKS

L = 16
NW = 32
TPW = CHUNK // NW

TOK_BLK = 512


def _logits_body(x_ref, w_ref, b_ref, out_ref):
    dn = (((1,), (0,)), ((), ()))
    kc = 256
    acc = None
    for c in range(D_MODEL // kc):
        p = lax.dot_general(
            x_ref[:, c * kc:(c + 1) * kc],
            w_ref[c * kc:(c + 1) * kc, :],
            dn,
            preferred_element_type=jnp.float32,
        )
        acc = p if acc is None else acc + p
    out_ref[...] = (acc + b_ref[...]).T


def _logits_tc(x, gate_w, gate_b2d, c):
    off = c * (CHUNK // TOK_BLK)
    return pl.pallas_call(
        _logits_body,
        grid=(CHUNK // TOK_BLK,),
        in_specs=[
            pl.BlockSpec((TOK_BLK, D_MODEL), lambda i: (off + i, 0)),
            pl.BlockSpec((D_MODEL, N_EXPERTS), lambda i: (0, 0)),
            pl.BlockSpec((1, N_EXPERTS), lambda i: (0, 0)),
        ],
        out_specs=pl.BlockSpec((N_EXPERTS, TOK_BLK), lambda i: (0, i)),
        out_shape=jax.ShapeDtypeStruct((N_EXPERTS, CHUNK), jnp.float32),
    )(x, gate_w, gate_b2d)


@functools.partial(
    pl.kernel,
    out_type=(
        jax.ShapeDtypeStruct((CHUNK * N_EXPERTS,), jnp.float32),
        jax.ShapeDtypeStruct((CHUNK,), jnp.int32),
        jax.ShapeDtypeStruct((CHUNK,), jnp.int32),
    ),
    mesh=plsc.VectorSubcoreMesh(core_axis_name="c", subcore_axis_name="s"),
    compiler_params=pltpu.CompilerParams(needs_layout_passes=False),
    scratch_types=[
        pltpu.VMEM((N_EXPERTS, TPW), jnp.float32),
        pltpu.VMEM((TPW * N_EXPERTS,), jnp.float32),
        pltpu.VMEM((TPW,), jnp.int32),
        pltpu.VMEM((TPW,), jnp.int32),
    ],
)
def _route_sc(lgt_hbm, outr_hbm, i1_hbm, i2_hbm, lg_v, rout_v, i1_v, i2_v):
    nc = 2
    wid = lax.axis_index("s") * nc + lax.axis_index("c")
    base = wid * TPW
    pltpu.sync_copy(lgt_hbm.at[:, pl.ds(base, TPW)], lg_v)

    iota = lax.iota(jnp.int32, L)
    neg = jnp.full((L,), -jnp.inf, jnp.float32)
    zidx = jnp.zeros((L,), jnp.int32)
    zeros16 = jnp.zeros((L,), jnp.float32)

    def gbody(g, carry):
        t0 = g * L
        for j in range(L * N_EXPERTS // L):
            rout_v[pl.ds(t0 * N_EXPERTS + j * L, L)] = zeros16

        tbase = (t0 + iota) * N_EXPERTS
        m1, m2, i1, i2 = neg, neg, zidx, zidx
        for e in range(N_EXPERTS):
            v = lg_v[e, pl.ds(t0, L)]
            ev = jnp.full((L,), e, jnp.int32)
            gt1 = v > m1
            gt2 = jnp.logical_and(v > m2, jnp.logical_not(gt1))
            i2 = jnp.where(gt1, i1, jnp.where(gt2, ev, i2))
            m2 = jnp.where(gt1, m1, jnp.where(gt2, v, m2))
            i1 = jnp.where(gt1, ev, i1)
            m1 = jnp.where(gt1, v, m1)

        e2 = jnp.exp(m2 - m1)
        den = e2 + 1.0
        p1 = 1.0 / den
        p2 = e2 / den
        plsc.store_scatter(rout_v, [tbase + i1], p1)
        plsc.store_scatter(rout_v, [tbase + i2], p2)
        i1_v[pl.ds(t0, L)] = i1
        i2_v[pl.ds(t0, L)] = i2
        return carry

    lax.fori_loop(0, TPW // L, gbody, 0)

    pltpu.sync_copy(rout_v, outr_hbm.at[pl.ds(base * N_EXPERTS, TPW * N_EXPERTS)])
    pltpu.sync_copy(i1_v, i1_hbm.at[pl.ds(base, TPW)])
    pltpu.sync_copy(i2_v, i2_hbm.at[pl.ds(base, TPW)])


def kernel(x, gate_w, gate_b, noise_w, noise_b):
    gate_b2d = gate_b.reshape(1, N_EXPERTS)
    routs, i1s, i2s = [], [], []
    for c in range(N_CHUNKS):
        logits_t = _logits_tc(x, gate_w, gate_b2d, c)
        rout_flat, i1, i2 = _route_sc(logits_t)
        routs.append(rout_flat.reshape(CHUNK, N_EXPERTS))
        i1s.append(i1)
        i2s.append(i2)
    router_output = jnp.concatenate(routs, axis=0)
    indices = jnp.stack(
        [jnp.concatenate(i1s, axis=0), jnp.concatenate(i2s, axis=0)], axis=-1
    )
    return (router_output, indices)

# --- scband reference (transcript-rebuilt; emitter-appended) ---
"""Pipeline reference for scband-router-2362232013165 (READ-ONLY COPY).

The authoritative reference and input builder live on the scoring server;
editing this copy changes nothing except your own understanding.
"""

import jax, jax.numpy as jnp
import numpy as np

N_TOKENS = 8192
D_MODEL = 4096
N_EXPERTS = 64
TOP_K = 2


def setup_inputs(seed: int = 0) -> dict:
    key = jax.random.key(seed)
    k1, k2, k3, k4, k5 = jax.random.split(key, 5)
    x = jax.random.normal(k1, (N_TOKENS, D_MODEL), dtype=jnp.float32)
    bound = 1.0 / np.sqrt(D_MODEL)
    gate_w = jax.random.uniform(k2, (D_MODEL, N_EXPERTS), jnp.float32, -bound, bound)
    gate_b = jax.random.uniform(k3, (N_EXPERTS,), jnp.float32, -bound, bound)
    noise_w = jax.random.uniform(k4, (D_MODEL, N_EXPERTS), jnp.float32, -bound, bound)
    noise_b = jax.random.uniform(k5, (N_EXPERTS,), jnp.float32, -bound, bound)
    return {"x": x, "gate_w": gate_w, "gate_b": gate_b, "noise_w": noise_w, "noise_b": noise_b}


def reference(x, gate_w, gate_b, noise_w, noise_b):
    # eval-mode path: no noise injection (training=False)
    logits = x @ gate_w + gate_b
    noisy_logits = logits
    top_k_logits, indices = jax.lax.top_k(noisy_logits, TOP_K)
    rows = jnp.arange(noisy_logits.shape[0])[:, None]
    sparse_logits = jnp.full_like(noisy_logits, -jnp.inf).at[rows, indices].set(top_k_logits)
    router_output = jax.nn.softmax(sparse_logits, axis=-1)
    return (router_output, indices)

if __name__ == "__main__":
    import jax
    _d = setup_inputs()
    print(jax.jit(kernel)(*tuple(_d.values())))

</pallas_src>

<mosaic_0001>
#map = affine_map<(d0, d1) -> (0, 0)>
#map1 = affine_map<(d0, d1) -> (0)>
module attributes {stable_mosaic.version = 14 : i64} {
  func.func @_route_sc(%arg0: i32, %arg1: i32, %arg2: memref<64x8192xf32, #tpu.memory_space<hbm>>, %arg3: memref<524288xf32, #tpu.memory_space<hbm>>, %arg4: memref<8192xi32, #tpu.memory_space<hbm>>, %arg5: memref<8192xi32, #tpu.memory_space<hbm>>, %arg6: memref<64x256xf32, #tpu.memory_space<vmem>>, %arg7: memref<16384xf32, #tpu.memory_space<vmem>>, %arg8: memref<256xi32, #tpu.memory_space<vmem>>, %arg9: memref<256xi32, #tpu.memory_space<vmem>>) attributes {dimension_semantics = [#tpu.dimension_semantics<core_parallel>, #tpu.dimension_semantics<subcore_parallel>], iteration_bounds = array<i64: 2, 16>, scalar_prefetch = 0 : i64, scratch_operands = 4 : i64, tpu.core_type = #tpu.core_type<sc_vector_subcore>, window_params = [{transform_indices = #map}, {transform_indices = #map1}, {transform_indices = #map1}, {transform_indices = #map1}]} {
    %mul3A = arith.constant 2 : i32
    %mul3A_0 = arith.muli %arg1, %mul3A : i32
    %add3A = arith.addi %mul3A_0, %arg0 : i32
    %mul3A_1 = arith.constant 256 : i32
    %mul3A_2 = arith.muli %add3A, %mul3A_1 : i32
    "tpu.region"() ({
      %run_scoped3A = tpu.sem_alloc : memref<!tpu.dma_semaphore, #tpu.memory_space<semaphore_mem>>
      %dma_start3A = arith.constant 0 : i32
      %dma_start3A_15 = tpu.memref_slice %arg2[%dma_start3A, %mul3A_2] : memref<64x8192xf32, #tpu.memory_space<hbm>> -> memref<64x256xf32, #tpu.memory_space<hbm>>
      %dma_start3A_16 = arith.constant 0 : i32
      %dma_start3A_17 = tpu.memref_slice %arg2[%dma_start3A_16, %mul3A_2] : memref<64x8192xf32, #tpu.memory_space<hbm>> -> memref<64x256xf32, #tpu.memory_space<hbm>>
      tpu.enqueue_dma source(%dma_start3A_17 : memref<64x256xf32, #tpu.memory_space<hbm>>) target(%arg6 : memref<64x256xf32, #tpu.memory_space<vmem>>) target_semaphore(%run_scoped3A : memref<!tpu.dma_semaphore, #tpu.memory_space<semaphore_mem>>)
      %dma_wait3A = arith.constant 0 : i32
      %dma_wait3A_18 = tpu.memref_slice %arg2[%dma_wait3A, %mul3A_2] : memref<64x8192xf32, #tpu.memory_space<hbm>> -> memref<64x256xf32, #tpu.memory_space<hbm>>
      %dma_wait3A_19 = arith.constant 0 : i32
      %dma_wait3A_20 = tpu.memref_slice %arg2[%dma_wait3A_19, %mul3A_2] : memref<64x8192xf32, #tpu.memory_space<hbm>> -> memref<64x256xf32, #tpu.memory_space<hbm>>
      tpu.wait_dma2 semaphore(%run_scoped3A : memref<!tpu.dma_semaphore, #tpu.memory_space<semaphore_mem>>) src(%dma_wait3A_20 : memref<64x256xf32, #tpu.memory_space<hbm>>) dst(%arg6 : memref<64x256xf32, #tpu.memory_space<vmem>>)
      tpu.yield
    }) : () -> ()
    %iota3A = tpu.iota {dimensions = array<i32: 0>} : vector<16xi32>
    %broadcast_in_dim3A = arith.constant 0xFF800000 : f32
    %broadcast_in_dim3A_3 = vector.broadcast %broadcast_in_dim3A : f32 to vector<16xf32>
    %broadcast_in_dim3A_4 = arith.constant 0 : i32
    %broadcast_in_dim3A_5 = vector.broadcast %broadcast_in_dim3A_4 : i32 to vector<16xi32>
    %broadcast_in_dim3A_6 = arith.constant 0.000000e+00 : f32
    %broadcast_in_dim3A_7 = vector.broadcast %broadcast_in_dim3A_6 : f32 to vector<16xf32>
    %scan3A = arith.constant 0 : i32
    %scan3A_8 = arith.constant 0 : i32
    %scan3A_9 = arith.constant 16 : i32
    %scan3A_10 = arith.addi %scan3A_8, %scan3A_9 : i32
    %scan3A_11 = arith.constant 1 : i32
    scf.for %scan3A_15 = %scan3A_8 to %scan3A_10 step %scan3A_11  : i32 {
      %mul3A_16 = arith.constant 16 : i32
      %mul3A_17 = arith.muli %scan3A_15, %mul3A_16 : i32
      %mul3A_18 = arith.constant 64 : i32
      %mul3A_19 = arith.muli %mul3A_17, %mul3A_18 : i32
      %add3A_20 = arith.constant 0 : i32
      %add3A_21 = arith.addi %mul3A_19, %add3A_20 : i32
      %swap3A = arith.index_cast %add3A_21 : i32 to index
      %swap3A_22 = tpu.vector_load %arg7[%swap3A] {strides = array<i32>} : memref<16384xf32, #tpu.memory_space<vmem>>, vector<16xf32>,
      tpu.vector_store %arg7[%swap3A], %broadcast_in_dim3A_7 {strides = array<i32>} : memref<16384xf32, #tpu.memory_space<vmem>>, vector<16xf32>,
      %mul3A_23 = arith.constant 64 : i32
      %mul3A_24 = arith.muli %mul3A_17, %mul3A_23 : i32
      %add3A_25 = arith.constant 16 : i32
      %add3A_26 = arith.addi %mul3A_24, %add3A_25 : i32
      %swap3A_27 = arith.index_cast %add3A_26 : i32 to index
      %swap3A_28 = tpu.vector_load %arg7[%swap3A_27] {strides = array<i32>} : memref<16384xf32, #tpu.memory_space<vmem>>, vector<16xf32>,
      tpu.vector_store %arg7[%swap3A_27], %broadcast_in_dim3A_7 {strides = array<i32>} : memref<16384xf32, #tpu.memory_space<vmem>>, vector<16xf32>,
      %mul3A_29 = arith.constant 64 : i32
      %mul3A_30 = arith.muli %mul3A_17, %mul3A_29 : i32
      %add3A_31 = arith.constant 32 : i32
      %add3A_32 = arith.addi %mul3A_30, %add3A_31 : i32
      %swap3A_33 = arith.index_cast %add3A_32 : i32 to index
      %swap3A_34 = tpu.vector_load %arg7[%swap3A_33] {strides = array<i32>} : memref<16384xf32, #tpu.memory_space<vmem>>, vector<16xf32>,
      tpu.vector_store %arg7[%swap3A_33], %broadcast_in_dim3A_7 {strides = array<i32>} : memref<16384xf32, #tpu.memory_space<vmem>>, vector<16xf32>,
      %mul3A_35 = arith.constant 64 : i32
      %mul3A_36 = arith.muli %mul3A_17, %mul3A_35 : i32
      %add3A_37 = arith.constant 48 : i32
      %add3A_38 = arith.addi %mul3A_36, %add3A_37 : i32
      %swap3A_39 = arith.index_cast %add3A_38 : i32 to index
      %swap3A_40 = tpu.vector_load %arg7[%swap3A_39] {strides = array<i32>} : memref<16384xf32, #tpu.memory_space<vmem>>, vector<16xf32>,
      tpu.vector_store %arg7[%swap3A_39], %broadcast_in_dim3A_7 {strides = array<i32>} : memref<16384xf32, #tpu.memory_space<vmem>>, vector<16xf32>,
      %mul3A_41 = arith.constant 64 : i32
      %mul3A_42 = arith.muli %mul3A_17, %mul3A_41 : i32
      %add3A_43 = arith.constant 64 : i32
      %add3A_44 = arith.addi %mul3A_42, %add3A_43 : i32
      %swap3A_45 = arith.index_cast %add3A_44 : i32 to index
      %swap3A_46 = tpu.vector_load %arg7[%swap3A_45] {strides = array<i32>} : memref<16384xf32, #tpu.memory_space<vmem>>, vector<16xf32>,
      tpu.vector_store %arg7[%swap3A_45], %broadcast_in_dim3A_7 {strides = array<i32>} : memref<16384xf32, #tpu.memory_space<vmem>>, vector<16xf32>,
      %mul3A_47 = arith.constant 64 : i32
      %mul3A_48 = arith.muli %mul3A_17, %mul3A_47 : i32
      %add3A_49 = arith.constant 80 : i32
      %add3A_50 = arith.addi %mul3A_48, %add3A_49 : i32
      %swap3A_51 = arith.index_cast %add3A_50 : i32 to index
      %swap3A_52 = tpu.vector_load %arg7[%swap3A_51] {strides = array<i32>} : memref<16384xf32, #tpu.memory_space<vmem>>, vector<16xf32>,
      tpu.vector_store %arg7[%swap3A_51], %broadcast_in_dim3A_7 {strides = array<i32>} : memref<16384xf32, #tpu.memory_space<vmem>>, vector<16xf32>,
      %mul3A_53 = arith.constant 64 : i32
      %mul3A_54 = arith.muli %mul3A_17, %mul3A_53 : i32
      %add3A_55 = arith.constant 96 : i32
      %add3A_56 = arith.addi %mul3A_54, %add3A_55 : i32
      %swap3A_57 = arith.index_cast %add3A_56 : i32 to index
      %swap3A_58 = tpu.vector_load %arg7[%swap3A_57] {strides = array<i32>} : memref<16384xf32, #tpu.memory_space<vmem>>, vector<16xf32>,
      tpu.vector_store %arg7[%swap3A_57], %broadcast_in_dim3A_7 {strides = array<i32>} : memref<16384xf32, #tpu.memory_space<vmem>>, vector<16xf32>,
      %mul3A_59 = arith.constant 64 : i32
      %mul3A_60 = arith.muli %mul3A_17, %mul3A_59 : i32
      %add3A_61 = arith.constant 112 : i32
      %add3A_62 = arith.addi %mul3A_60, %add3A_61 : i32
      %swap3A_63 = arith.index_cast %add3A_62 : i32 to index
      %swap3A_64 = tpu.vector_load %arg7[%swap3A_63] {strides = array<i32>} : memref<16384xf32, #tpu.memory_space<vmem>>, vector<16xf32>,
      tpu.vector_store %arg7[%swap3A_63], %broadcast_in_dim3A_7 {strides = array<i32>} : memref<16384xf32, #tpu.memory_space<vmem>>, vector<16xf32>,
      %mul3A_65 = arith.constant 64 : i32
      %mul3A_66 = arith.muli %mul3A_17, %mul3A_65 : i32
      %add3A_67 = arith.constant 128 : i32
      %add3A_68 = arith.addi %mul3A_66, %add3A_67 : i32
      %swap3A_69 = arith.index_cast %add3A_68 : i32 to index
      %swap3A_70 = tpu.vector_load %arg7[%swap3A_69] {strides = array<i32>} : memref<16384xf32, #tpu.memory_space<vmem>>, vector<16xf32>,
      tpu.vector_store %arg7[%swap3A_69], %broadcast_in_dim3A_7 {strides = array<i32>} : memref<16384xf32, #tpu.memory_space<vmem>>, vector<16xf32>,
      %mul3A_71 = arith.constant 64 : i32
      %mul3A_72 = arith.muli %mul3A_17, %mul3A_71 : i32
      %add3A_73 = arith.constant 144 : i32
      %add3A_74 = arith.addi %mul3A_72, %add3A_73 : i32
      %swap3A_75 = arith.index_cast %add3A_74 : i32 to index
      %swap3A_76 = tpu.vector_load %arg7[%swap3A_75] {strides = array<i32>} : memref<16384xf32, #tpu.memory_space<vmem>>, vector<16xf32>,
      tpu.vector_store %arg7[%swap3A_75], %broadcast_in_dim3A_7 {strides = array<i32>} : memref<16384xf32, #tpu.memory_space<vmem>>, vector<16xf32>,
      %mul3A_77 = arith.constant 64 : i32
      %mul3A_78 = arith.muli %mul3A_17, %mul3A_77 : i32
      %add3A_79 = arith.constant 160 : i32
      %add3A_80 = arith.addi %mul3A_78, %add3A_79 : i32
      %swap3A_81 = arith.index_cast %add3A_80 : i32 to index
      %swap3A_82 = tpu.vector_load %arg7[%swap3A_81] {strides = array<i32>} : memref<16384xf32, #tpu.memory_space<vmem>>, vector<16xf32>,
      tpu.vector_store %arg7[%swap3A_81], %broadcast_in_dim3A_7 {strides = array<i32>} : memref<16384xf32, #tpu.memory_space<vmem>>, vector<16xf32>,
      %mul3A_83 = arith.constant 64 : i32
      %mul3A_84 = arith.muli %mul3A_17, %mul3A_83 : i32
      %add3A_85 = arith.constant 176 : i32
      %add3A_86 = arith.addi %mul3A_84, %add3A_85 : i32
      %swap3A_87 = arith.index_cast %add3A_86 : i32 to index
      %swap3A_88 = tpu.vector_load %arg7[%swap3A_87] {strides = array<i32>} : memref<16384xf32, #tpu.memory_space<vmem>>, vector<16xf32>,
      tpu.vector_store %arg7[%swap3A_87], %broadcast_in_dim3A_7 {strides = array<i32>} : memref<16384xf32, #tpu.memory_space<vmem>>, vector<16xf32>,
      %mul3A_89 = arith.constant 64 : i32
      %mul3A_90 = arith.muli %mul3A_17, %mul3A_89 : i32
      %add3A_91 = arith.constant 192 : i32
      %add3A_92 = arith.addi %mul3A_90, %add3A_91 : i32
      %swap3A_93 = arith.index_cast %add3A_92 : i32 to index
      %swap3A_94 = tpu.vector_load %arg7[%swap3A_93] {strides = array<i32>} : memref<16384xf32, #tpu.memory_space<vmem>>, vector<16xf32>,
      tpu.vector_store %arg7[%swap3A_93], %broadcast_in_dim3A_7 {strides = array<i32>} : memref<16384xf32, #tpu.memory_space<vmem>>, vector<16xf32>,
      %mul3A_95 = arith.constant 64 : i32
      %mul3A_96 = arith.muli %mul3A_17, %mul3A_95 : i32
      %add3A_97 = arith.constant 208 : i32
      %add3A_98 = arith.addi %mul3A_96, %add3A_97 : i32
      %swap3A_99 = arith.index_cast %add3A_98 : i32 to index
      %swap3A_100 = tpu.vector_load %arg7[%swap3A_99] {strides = array<i32>} : memref<16384xf32, #tpu.memory_space<vmem>>, vector<16xf32>,
      tpu.vector_store %arg7[%swap3A_99], %broadcast_in_dim3A_7 {strides = array<i32>} : memref<16384xf32, #tpu.memory_space<vmem>>, vector<16xf32>,
      %mul3A_101 = arith.constant 64 : i32
      %mul3A_102 = arith.muli %mul3A_17, %mul3A_101 : i32
      %add3A_103 = arith.constant 224 : i32
      %add3A_104 = arith.addi %mul3A_102, %add3A_103 : i32
      %swap3A_105 = arith.index_cast %add3A_104 : i32 to index
      %swap3A_106 = tpu.vector_load %arg7[%swap3A_105] {strides = array<i32>} : memref<16384xf32, #tpu.memory_space<vmem>>, vector<16xf32>,
      tpu.vector_store %arg7[%swap3A_105], %broadcast_in_dim3A_7 {strides = array<i32>} : memref<16384xf32, #tpu.memory_space<vmem>>, vector<16xf32>,
      %mul3A_107 = arith.constant 64 : i32
      %mul3A_108 = arith.muli %mul3A_17, %mul3A_107 : i32
      %add3A_109 = arith.constant 240 : i32
      %add3A_110 = arith.addi %mul3A_108, %add3A_109 : i32
      %swap3A_111 = arith.index_cast %add3A_110 : i32 to index
      %swap3A_112 = tpu.vector_load %arg7[%swap3A_111] {strides = array<i32>} : memref<16384xf32, #tpu.memory_space<vmem>>, vector<16xf32>,
      tpu.vector_store %arg7[%swap3A_111], %broadcast_in_dim3A_7 {strides = array<i32>} : memref<16384xf32, #tpu.memory_space<vmem>>, vector<16xf32>,
      %mul3A_113 = arith.constant 64 : i32
      %mul3A_114 = arith.muli %mul3A_17, %mul3A_113 : i32
      %add3A_115 = arith.constant 256 : i32
      %add3A_116 = arith.addi %mul3A_114, %add3A_115 : i32
      %swap3A_117 = arith.index_cast %add3A_116 : i32 to index
      %swap3A_118 = tpu.vector_load %arg7[%swap3A_117] {strides = array<i32>} : memref<16384xf32, #tpu.memory_space<vmem>>, vector<16xf32>,
      tpu.vector_store %arg7[%swap3A_117], %broadcast_in_dim3A_7 {strides = array<i32>} : memref<16384xf32, #tpu.memory_space<vmem>>, vector<16xf32>,
      %mul3A_119 = arith.constant 64 : i32
      %mul3A_120 = arith.muli %mul3A_17, %mul3A_119 : i32
      %add3A_121 = arith.constant 272 : i32
      %add3A_122 = arith.addi %mul3A_120, %add3A_121 : i32
      %swap3A_123 = arith.index_cast %add3A_122 : i32 to index
      %swap3A_124 = tpu.vector_load %arg7[%swap3A_123] {strides = array<i32>} : memref<16384xf32, #tpu.memory_space<vmem>>, vector<16xf32>,
      tpu.vector_store %arg7[%swap3A_123], %broadcast_in_dim3A_7 {strides = array<i32>} : memref<16384xf32, #tpu.memory_space<vmem>>, vector<16xf32>,
      %mul3A_125 = arith.constant 64 : i32
      %mul3A_126 = arith.muli %mul3A_17, %mul3A_125 : i32
      %add3A_127 = arith.constant 288 : i32
      %add3A_128 = arith.addi %mul3A_126, %add3A_127 : i32
      %swap3A_129 = arith.index_cast %add3A_128 : i32 to index
      %swap3A_130 = tpu.vector_load %arg7[%swap3A_129] {strides = array<i32>} : memref<16384xf32, #tpu.memory_space<vmem>>, vector<16xf32>,
      tpu.vector_store %arg7[%swap3A_129], %broadcast_in_dim3A_7 {strides = array<i32>} : memref<16384xf32, #tpu.memory_space<vmem>>, vector<16xf32>,
      %mul3A_131 = arith.constant 64 : i32
      %mul3A_132 = arith.muli %mul3A_17, %mul3A_131 : i32
      %add3A_133 = arith.constant 304 : i32
      %add3A_134 = arith.addi %mul3A_132, %add3A_133 : i32
      %swap3A_135 = arith.index_cast %add3A_134 : i32 to index
      %swap3A_136 = tpu.vector_load %arg7[%swap3A_135] {strides = array<i32>} : memref<16384xf32, #tpu.memory_space<vmem>>, vector<16xf32>,
      tpu.vector_store %arg7[%swap3A_135], %broadcast_in_dim3A_7 {strides = array<i32>} : memref<16384xf32, #tpu.memory_space<vmem>>, vector<16xf32>,
      %mul3A_137 = arith.constant 64 : i32
      %mul3A_138 = arith.muli %mul3A_17, %mul3A_137 : i32
      %add3A_139 = arith.constant 320 : i32
      %add3A_140 = arith.addi %mul3A_138, %add3A_139 : i32
      %swap3A_141 = arith.index_cast %add3A_140 : i32 to index
      %swap3A_142 = tpu.vector_load %arg7[%swap3A_141] {strides = array<i32>} : memref<16384xf32, #tpu.memory_space<vmem>>, vector<16xf32>,
      tpu.vector_store %arg7[%swap3A_141], %broadcast_in_dim3A_7 {strides = array<i32>} : memref<16384xf32, #tpu.memory_space<vmem>>, vector<16xf32>,
      %mul3A_143 = arith.constant 64 : i32
      %mul3A_144 = arith.muli %mul3A_17, %mul3A_143 : i32
      %add3A_145 = arith.constant 336 : i32
      %add3A_146 = arith.addi %mul3A_144, %add3A_145 : i32
      %swap3A_147 = arith.index_cast %add3A_146 : i32 to index
      %swap3A_148 = tpu.vector_load %arg7[%swap3A_147] {strides = array<i32>} : memref<16384xf32, #tpu.memory_space<vmem>>, vector<16xf32>,
      tpu.vector_store %arg7[%swap3A_147], %broadcast_in_dim3A_7 {strides = array<i32>} : memref<16384xf32, #tpu.memory_space<vmem>>, vector<16xf32>,
      %mul3A_149 = arith.constant 64 : i32
      %mul3A_150 = arith.muli %mul3A_17, %mul3A_149 : i32
      %add3A_151 = arith.constant 352 : i32
      %add3A_152 = arith.addi %mul3A_150, %add3A_151 : i32
      %swap3A_153 = arith.index_cast %add3A_152 : i32 to index
      %swap3A_154 = tpu.vector_load %arg7[%swap3A_153] {strides = array<i32>} : memref<16384xf32, #tpu.memory_space<vmem>>, vector<16xf32>,
      tpu.vector_store %arg7[%swap3A_153], %broadcast_in_dim3A_7 {strides = array<i32>} : memref<16384xf32, #tpu.memory_space<vmem>>, vector<16xf32>,
      %mul3A_155 = arith.constant 64 : i32
      %mul3A_156 = arith.muli %mul3A_17, %mul3A_155 : i32
      %add3A_157 = arith.constant 368 : i32
      %add3A_158 = arith.addi %mul3A_156, %add3A_157 : i32
      %swap3A_159 = arith.index_cast %add3A_158 : i32 to index
      %swap3A_160 = tpu.vector_load %arg7[%swap3A_159] {strides = array<i32>} : memref<16384xf32, #tpu.memory_space<vmem>>, vector<16xf32>,
      tpu.vector_store %arg7[%swap3A_159], %broadcast_in_dim3A_7 {strides = array<i32>} : memref<16384xf32, #tpu.memory_space<vmem>>, vector<16xf32>,
      %mul3A_161 = arith.constant 64 : i32
      %mul3A_162 = arith.muli %mul3A_17, %mul3A_161 : i32
      %add3A_163 = arith.constant 384 : i32
      %add3A_164 = arith.addi %mul3A_162, %add3A_163 : i32
      %swap3A_165 = arith.index_cast %add3A_164 : i32 to index
      %swap3A_166 = tpu.vector_load %arg7[%swap3A_165] {strides = array<i32>} : memref<16384xf32, #tpu.memory_space<vmem>>, vector<16xf32>,
      tpu.vector_store %arg7[%swap3A_165], %broadcast_in_dim3A_7 {strides = array<i32>} : memref<16384xf32, #tpu.memory_space<vmem>>, vector<16xf32>,
      %mul3A_167 = arith.constant 64 : i32
      %mul3A_168 = arith.muli %mul3A_17, %mul3A_167 : i32
      %add3A_169 = arith.constant 400 : i32
      %add3A_170 = arith.addi %mul3A_168, %add3A_169 : i32
      %swap3A_171 = arith.index_cast %add3A_170 : i32 to index
      %swap3A_172 = tpu.vector_load %arg7[%swap3A_171] {strides = array<i32>} : memref<16384xf32, #tpu.memory_space<vmem>>, vector<16xf32>,
      tpu.vector_store %arg7[%swap3A_171], %broadcast_in_dim3A_7 {strides = array<i32>} : memref<16384xf32, #tpu.memory_space<vmem>>, vector<16xf32>,
      %mul3A_173 = arith.constant 64 : i32
      %mul3A_174 = arith.muli %mul3A_17, %mul3A_173 : i32
      %add3A_175 = arith.constant 416 : i32
      %add3A_176 = arith.addi %mul3A_174, %add3A_175 : i32
      %swap3A_177 = arith.index_cast %add3A_176 : i32 to index
      %swap3A_178 = tpu.vector_load %arg7[%swap3A_177] {strides = array<i32>} : memref<16384xf32, #tpu.memory_space<vmem>>, vector<16xf32>,
      tpu.vector_store %arg7[%swap3A_177], %broadcast_in_dim3A_7 {strides = array<i32>} : memref<16384xf32, #tpu.memory_space<vmem>>, vector<16xf32>,
      %mul3A_179 = arith.constant 64 : i32
      %mul3A_180 = arith.muli %mul3A_17, %mul3A_179 : i32
      %add3A_181 = arith.constant 432 : i32
      %add3A_182 = arith.addi %mul3A_180, %add3A_181 : i32
      %swap3A_183 = arith.index_cast %add3A_182 : i32 to index
      %swap3A_184 = tpu.vector_load %arg7[%swap3A_183] {strides = array<i32>} : memref<16384xf32, #tpu.memory_space<vmem>>, vector<16xf32>,
      tpu.vector_store %arg7[%swap3A_183], %broadcast_in_dim3A_7 {strides = array<i32>} : memref<16384xf32, #tpu.memory_space<vmem>>, vector<16xf32>,
      %mul3A_185 = arith.constant 64 : i32
      %mul3A_186 = arith.muli %mul3A_17, %mul3A_185 : i32
      %add3A_187 = arith.constant 448 : i32
      %add3A_188 = arith.addi %mul3A_186, %add3A_187 : i32
      %swap3A_189 = arith.index_cast %add3A_188 : i32 to index
      %swap3A_190 = tpu.vector_load %arg7[%swap3A_189] {strides = array<i32>} : memref<16384xf32, #tpu.memory_space<vmem>>, vector<16xf32>,
      tpu.vector_store %arg7[%swap3A_189], %broadcast_in_dim3A_7 {strides = array<i32>} : memref<16384xf32, #tpu.memory_space<vmem>>, vector<16xf32>,
      %mul3A_191 = arith.constant 64 : i32
      %mul3A_192 = arith.muli %mul3A_17, %mul3A_191 : i32
      %add3A_193 = arith.constant 464 : i32
      %add3A_194 = arith.addi %mul3A_192, %add3A_193 : i32
      %swap3A_195 = arith.index_cast %add3A_194 : i32 to index
      %swap3A_196 = tpu.vector_load %arg7[%swap3A_195] {strides = array<i32>} : memref<16384xf32, #tpu.memory_space<vmem>>, vector<16xf32>,
      tpu.vector_store %arg7[%swap3A_195], %broadcast_in_dim3A_7 {strides = array<i32>} : memref<16384xf32, #tpu.memory_space<vmem>>, vector<16xf32>,
      %mul3A_197 = arith.constant 64 : i32
      %mul3A_198 = arith.muli %mul3A_17, %mul3A_197 : i32
      %add3A_199 = arith.constant 480 : i32
      %add3A_200 = arith.addi %mul3A_198, %add3A_199 : i32
      %swap3A_201 = arith.index_cast %add3A_200 : i32 to index
      %swap3A_202 = tpu.vector_load %arg7[%swap3A_201] {strides = array<i32>} : memref<16384xf32, #tpu.memory_space<vmem>>, vector<16xf32>,
      tpu.vector_store %arg7[%swap3A_201], %broadcast_in_dim3A_7 {strides = array<i32>} : memref<16384xf32, #tpu.memory_space<vmem>>, vector<16xf32>,
      %mul3A_203 = arith.constant 64 : i32
      %mul3A_204 = arith.muli %mul3A_17, %mul3A_203 : i32
      %add3A_205 = arith.constant 496 : i32
      %add3A_206 = arith.addi %mul3A_204, %add3A_205 : i32
      %swap3A_207 = arith.index_cast %add3A_206 : i32 to index
      %swap3A_208 = tpu.vector_load %arg7[%swap3A_207] {strides = array<i32>} : memref<16384xf32, #tpu.memory_space<vmem>>, vector<16xf32>,
      tpu.vector_store %arg7[%swap3A_207], %broadcast_in_dim3A_7 {strides = array<i32>} : memref<16384xf32, #tpu.memory_space<vmem>>, vector<16xf32>,
      %mul3A_209 = arith.constant 64 : i32
      %mul3A_210 = arith.muli %mul3A_17, %mul3A_209 : i32
      %add3A_211 = arith.constant 512 : i32
      %add3A_212 = arith.addi %mul3A_210, %add3A_211 : i32
      %swap3A_213 = arith.index_cast %add3A_212 : i32 to index
      %swap3A_214 = tpu.vector_load %arg7[%swap3A_213] {strides = array<i32>} : memref<16384xf32, #tpu.memory_space<vmem>>, vector<16xf32>,
      tpu.vector_store %arg7[%swap3A_213], %broadcast_in_dim3A_7 {strides = array<i32>} : memref<16384xf32, #tpu.memory_space<vmem>>, vector<16xf32>,
      %mul3A_215 = arith.constant 64 : i32
      %mul3A_216 = arith.muli %mul3A_17, %mul3A_215 : i32
      %add3A_217 = arith.constant 528 : i32
      %add3A_218 = arith.addi %mul3A_216, %add3A_217 : i32
      %swap3A_219 = arith.index_cast %add3A_218 : i32 to index
      %swap3A_220 = tpu.vector_load %arg7[%swap3A_219] {strides = array<i32>} : memref<16384xf32, #tpu.memory_space<vmem>>, vector<16xf32>,
      tpu.vector_store %arg7[%swap3A_219], %broadcast_in_dim3A_7 {strides = array<i32>} : memref<16384xf32, #tpu.memory_space<vmem>>, vector<16xf32>,
      %mul3A_221 = arith.constant 64 : i32
      %mul3A_222 = arith.muli %mul3A_17, %mul3A_221 : i32
      %add3A_223 = arith.constant 544 : i32
      %add3A_224 = arith.addi %mul3A_222, %add3A_223 : i32
      %swap3A_225 = arith.index_cast %add3A_224 : i32 to index
      %swap3A_226 = tpu.vector_load %arg7[%swap3A_225] {strides = array<i32>} : memref<16384xf32, #tpu.memory_space<vmem>>, vector<16xf32>,
      tpu.vector_store %arg7[%swap3A_225], %broadcast_in_dim3A_7 {strides = array<i32>} : memref<16384xf32, #tpu.memory_space<vmem>>, vector<16xf32>,
      %mul3A_227 = arith.constant 64 : i32
      %mul3A_228 = arith.muli %mul3A_17, %mul3A_227 : i32
      %add3A_229 = arith.constant 560 : i32
      %add3A_230 = arith.addi %mul3A_228, %add3A_229 : i32
      %swap3A_231 = arith.index_cast %add3A_230 : i32 to index
      %swap3A_232 = tpu.vector_load %arg7[%swap3A_231] {strides = array<i32>} : memref<16384xf32, #tpu.memory_space<vmem>>, vector<16xf32>,
      tpu.vector_store %arg7[%swap3A_231], %broadcast_in_dim3A_7 {strides = array<i32>} : memref<16384xf32, #tpu.memory_space<vmem>>, vector<16xf32>,
      %mul3A_233 = arith.constant 64 : i32
      %mul3A_234 = arith.muli %mul3A_17, %mul3A_233 : i32
      %add3A_235 = arith.constant 576 : i32
      %add3A_236 = arith.addi %mul3A_234, %add3A_235 : i32
      %swap3A_237 = arith.index_cast %add3A_236 : i32 to index
      %swap3A_238 = tpu.vector_load %arg7[%swap3A_237] {strides = array<i32>} : memref<16384xf32, #tpu.memory_space<vmem>>, vector<16xf32>,
      tpu.vector_store %arg7[%swap3A_237], %broadcast_in_dim3A_7 {strides = array<i32>} : memref<16384xf32, #tpu.memory_space<vmem>>, vector<16xf32>,
      %mul3A_239 = arith.constant 64 : i32
      %mul3A_240 = arith.muli %mul3A_17, %mul3A_239 : i32
      %add3A_241 = arith.constant 592 : i32
      %add3A_242 = arith.addi %mul3A_240, %add3A_241 : i32
      %swap3A_243 = arith.index_cast %add3A_242 : i32 to index
      %swap3A_244 = tpu.vector_load %arg7[%swap3A_243] {strides = array<i32>} : memref<16384xf32, #tpu.memory_space<vmem>>, vector<16xf32>,
      tpu.vector_store %arg7[%swap3A_243], %broadcast_in_dim3A_7 {strides = array<i32>} : memref<16384xf32, #tpu.memory_space<vmem>>, vector<16xf32>,
      %mul3A_245 = arith.constant 64 : i32
      %mul3A_246 = arith.muli %mul3A_17, %mul3A_245 : i32
      %add3A_247 = arith.constant 608 : i32
      %add3A_248 = arith.addi %mul3A_246, %add3A_247 : i32
      %swap3A_249 = arith.index_cast %add3A_248 : i32 to index
      %swap3A_250 = tpu.vector_load %arg7[%swap3A_249] {strides = array<i32>} : memref<16384xf32, #tpu.memory_space<vmem>>, vector<16xf32>,
      tpu.vector_store %arg7[%swap3A_249], %broadcast_in_dim3A_7 {strides = array<i32>} : memref<16384xf32, #tpu.memory_space<vmem>>, vector<16xf32>,
      %mul3A_251 = arith.constant 64 : i32
      %mul3A_252 = arith.muli %mul3A_17, %mul3A_251 : i32
      %add3A_253 = arith.constant 624 : i32
      %add3A_254 = arith.addi %mul3A_252, %add3A_253 : i32
      %swap3A_255 = arith.index_cast %add3A_254 : i32 to index
      %swap3A_256 = tpu.vector_load %arg7[%swap3A_255] {strides = array<i32>} : memref<16384xf32, #tpu.memory_space<vmem>>, vector<16xf32>,
      tpu.vector_store %arg7[%swap3A_255], %broadcast_in_dim3A_7 {strides = array<i32>} : memref<16384xf32, #tpu.memory_space<vmem>>, vector<16xf32>,
      %mul3A_257 = arith.constant 64 : i32
      %mul3A_258 = arith.muli %mul3A_17, %mul3A_257 : i32
      %add3A_259 = arith.constant 640 : i32
      %add3A_260 = arith.addi %mul3A_258, %add3A_259 : i32
      %swap3A_261 = arith.index_cast %add3A_260 : i32 to index
      %swap3A_262 = tpu.vector_load %arg7[%swap3A_261] {strides = array<i32>} : memref<16384xf32, #tpu.memory_space<vmem>>, vector<16xf32>,
      tpu.vector_store %arg7[%swap3A_261], %broadcast_in_dim3A_7 {strides = array<i32>} : memref<16384xf32, #tpu.memory_space<vmem>>, vector<16xf32>,
      %mul3A_263 = arith.constant 64 : i32
      %mul3A_264 = arith.muli %mul3A_17, %mul3A_263 : i32
      %add3A_265 = arith.constant 656 : i32
      %add3A_266 = arith.addi %mul3A_264, %add3A_265 : i32
      %swap3A_267 = arith.index_cast %add3A_266 : i32 to index
      %swap3A_268 = tpu.vector_load %arg7[%swap3A_267] {strides = array<i32>} : memref<16384xf32, #tpu.memory_space<vmem>>, vector<16xf32>,
      tpu.vector_store %arg7[%swap3A_267], %broadcast_in_dim3A_7 {strides = array<i32>} : memref<16384xf32, #tpu.memory_space<vmem>>, vector<16xf32>,
      %mul3A_269 = arith.constant 64 : i32
      %mul3A_270 = arith.muli %mul3A_17, %mul3A_269 : i32
      %add3A_271 = arith.constant 672 : i32
      %add3A_272 = arith.addi %mul3A_270, %add3A_271 : i32
      %swap3A_273 = arith.index_cast %add3A_272 : i32 to index
      %swap3A_274 = tpu.vector_load %arg7[%swap3A_273] {strides = array<i32>} : memref<16384xf32, #tpu.memory_space<vmem>>, vector<16xf32>,
      tpu.vector_store %arg7[%swap3A_273], %broadcast_in_dim3A_7 {strides = array<i32>} : memref<16384xf32, #tpu.memory_space<vmem>>, vector<16xf32>,
      %mul3A_275 = arith.constant 64 : i32
      %mul3A_276 = arith.muli %mul3A_17, %mul3A_275 : i32
      %add3A_277 = arith.constant 688 : i32
      %add3A_278 = arith.addi %mul3A_276, %add3A_277 : i32
      %swap3A_279 = arith.index_cast %add3A_278 : i32 to index
      %swap3A_280 = tpu.vector_load %arg7[%swap3A_279] {strides = array<i32>} : memref<16384xf32, #tpu.memory_space<vmem>>, vector<16xf32>,
      tpu.vector_store %arg7[%swap3A_279], %broadcast_in_dim3A_7 {strides = array<i32>} : memref<16384xf32, #tpu.memory_space<vmem>>, vector<16xf32>,
      %mul3A_281 = arith.constant 64 : i32
      %mul3A_282 = arith.muli %mul3A_17, %mul3A_281 : i32
      %add3A_283 = arith.constant 704 : i32
      %add3A_284 = arith.addi %mul3A_282, %add3A_283 : i32
      %swap3A_285 = arith.index_cast %add3A_284 : i32 to index
      %swap3A_286 = tpu.vector_load %arg7[%swap3A_285] {strides = array<i32>} : memref<16384xf32, #tpu.memory_space<vmem>>, vector<16xf32>,
      tpu.vector_store %arg7[%swap3A_285], %broadcast_in_dim3A_7 {strides = array<i32>} : memref<16384xf32, #tpu.memory_space<vmem>>, vector<16xf32>,
      %mul3A_287 = arith.constant 64 : i32
      %mul3A_288 = arith.muli %mul3A_17, %mul3A_287 : i32
      %add3A_289 = arith.constant 720 : i32
      %add3A_290 = arith.addi %mul3A_288, %add3A_289 : i32
      %swap3A_291 = arith.index_cast %add3A_290 : i32 to index
      %swap3A_292 = tpu.vector_load %arg7[%swap3A_291] {strides = array<i32>} : memref<16384xf32, #tpu.memory_space<vmem>>, vector<16xf32>,
      tpu.vector_store %arg7[%swap3A_291], %broadcast_in_dim3A_7 {strides = array<i32>} : memref<16384xf32, #tpu.memory_space<vmem>>, vector<16xf32>,
      %mul3A_293 = arith.constant 64 : i32
      %mul3A_294 = arith.muli %mul3A_17, %mul3A_293 : i32
      %add3A_295 = arith.constant 736 : i32
      %add3A_296 = arith.addi %mul3A_294, %add3A_295 : i32
      %swap3A_297 = arith.index_cast %add3A_296 : i32 to index
      %swap3A_298 = tpu.vector_load %arg7[%swap3A_297] {strides = array<i32>} : memref<16384xf32, #tpu.memory_space<vmem>>, vector<16xf32>,
      tpu.vector_store %arg7[%swap3A_297], %broadcast_in_dim3A_7 {strides = array<i32>} : memref<16384xf32, #tpu.memory_space<vmem>>, vector<16xf32>,
      %mul3A_299 = arith.constant 64 : i32
      %mul3A_300 = arith.muli %mul3A_17, %mul3A_299 : i32
      %add3A_301 = arith.constant 752 : i32
      %add3A_302 = arith.addi %mul3A_300, %add3A_301 : i32
      %swap3A_303 = arith.index_cast %add3A_302 : i32 to index
      %swap3A_304 = tpu.vector_load %arg7[%swap3A_303] {strides = array<i32>} : memref<16384xf32, #tpu.memory_space<vmem>>, vector<16xf32>,
      tpu.vector_store %arg7[%swap3A_303], %broadcast_in_dim3A_7 {strides = array<i32>} : memref<16384xf32, #tpu.memory_space<vmem>>, vector<16xf32>,
      %mul3A_305 = arith.constant 64 : i32
      %mul3A_306 = arith.muli %mul3A_17, %mul3A_305 : i32
      %add3A_307 = arith.constant 768 : i32
      %add3A_308 = arith.addi %mul3A_306, %add3A_307 : i32
      %swap3A_309 = arith.index_cast %add3A_308 : i32 to index
      %swap3A_310 = tpu.vector_load %arg7[%swap3A_309] {strides = array<i32>} : memref<16384xf32, #tpu.memory_space<vmem>>, vector<16xf32>,
      tpu.vector_store %arg7[%swap3A_309], %broadcast_in_dim3A_7 {strides = array<i32>} : memref<16384xf32, #tpu.memory_space<vmem>>, vector<16xf32>,
      %mul3A_311 = arith.constant 64 : i32
      %mul3A_312 = arith.muli %mul3A_17, %mul3A_311 : i32
      %add3A_313 = arith.constant 784 : i32
      %add3A_314 = arith.addi %mul3A_312, %add3A_313 : i32
      %swap3A_315 = arith.index_cast %add3A_314 : i32 to index
      %swap3A_316 = tpu.vector_load %arg7[%swap3A_315] {strides = array<i32>} : memref<16384xf32, #tpu.memory_space<vmem>>, vector<16xf32>,
      tpu.vector_store %arg7[%swap3A_315], %broadcast_in_dim3A_7 {strides = array<i32>} : memref<16384xf32, #tpu.memory_space<vmem>>, vector<16xf32>,
      %mul3A_317 = arith.constant 64 : i32
      %mul3A_318 = arith.muli %mul3A_17, %mul3A_317 : i32
      %add3A_319 = arith.constant 800 : i32
      %add3A_320 = arith.addi %mul3A_318, %add3A_319 : i32
      %swap3A_321 = arith.index_cast %add3A_320 : i32 to index
      %swap3A_322 = tpu.vector_load %arg7[%swap3A_321] {strides = array<i32>} : memref<16384xf32, #tpu.memory_space<vmem>>, vector<16xf32>,
      tpu.vector_store %arg7[%swap3A_321], %broadcast_in_dim3A_7 {strides = array<i32>} : memref<16384xf32, #tpu.memory_space<vmem>>, vector<16xf32>,
      %mul3A_323 = arith.constant 64 : i32
      %mul3A_324 = arith.muli %mul3A_17, %mul3A_323 : i32
      %add3A_325 = arith.constant 816 : i32
      %add3A_326 = arith.addi %mul3A_324, %add3A_325 : i32
      %swap3A_327 = arith.index_cast %add3A_326 : i32 to index
      %swap3A_328 = tpu.vector_load %arg7[%swap3A_327] {strides = array<i32>} : memref<16384xf32, #tpu.memory_space<vmem>>, vector<16xf32>,
      tpu.vector_store %arg7[%swap3A_327], %broadcast_in_dim3A_7 {strides = array<i32>} : memref<16384xf32, #tpu.memory_space<vmem>>, vector<16xf32>,
      %mul3A_329 = arith.constant 64 : i32
      %mul3A_330 = arith.muli %mul3A_17, %mul3A_329 : i32
      %add3A_331 = arith.constant 832 : i32
      %add3A_332 = arith.addi %mul3A_330, %add3A_331 : i32
      %swap3A_333 = arith.index_cast %add3A_332 : i32 to index
      %swap3A_334 = tpu.vector_load %arg7[%swap3A_333] {strides = array<i32>} : memref<16384xf32, #tpu.memory_space<vmem>>, vector<16xf32>,
      tpu.vector_store %arg7[%swap3A_333], %broadcast_in_dim3A_7 {strides = array<i32>} : memref<16384xf32, #tpu.memory_space<vmem>>, vector<16xf32>,
      %mul3A_335 = arith.constant 64 : i32
      %mul3A_336 = arith.muli %mul3A_17, %mul3A_335 : i32
      %add3A_337 = arith.constant 848 : i32
      %add3A_338 = arith.addi %mul3A_336, %add3A_337 : i32
      %swap3A_339 = arith.index_cast %add3A_338 : i32 to index
      %swap3A_340 = tpu.vector_load %arg7[%swap3A_339] {strides = array<i32>} : memref<16384xf32, #tpu.memory_space<vmem>>, vector<16xf32>,
      tpu.vector_store %arg7[%swap3A_339], %broadcast_in_dim3A_7 {strides = array<i32>} : memref<16384xf32, #tpu.memory_space<vmem>>, vector<16xf32>,
      %mul3A_341 = arith.constant 64 : i32
      %mul3A_342 = arith.muli %mul3A_17, %mul3A_341 : i32
      %add3A_343 = arith.constant 864 : i32
      %add3A_344 = arith.addi %mul3A_342, %add3A_343 : i32
      %swap3A_345 = arith.index_cast %add3A_344 : i32 to index
      %swap3A_346 = tpu.vector_load %arg7[%swap3A_345] {strides = array<i32>} : memref<16384xf32, #tpu.memory_space<vmem>>, vector<16xf32>,
      tpu.vector_store %arg7[%swap3A_345], %broadcast_in_dim3A_7 {strides = array<i32>} : memref<16384xf32, #tpu.memory_space<vmem>>, vector<16xf32>,
      %mul3A_347 = arith.constant 64 : i32
      %mul3A_348 = arith.muli %mul3A_17, %mul3A_347 : i32
      %add3A_349 = arith.constant 880 : i32
      %add3A_350 = arith.addi %mul3A_348, %add3A_349 : i32
      %swap3A_351 = arith.index_cast %add3A_350 : i32 to index
      %swap3A_352 = tpu.vector_load %arg7[%swap3A_351] {strides = array<i32>} : memref<16384xf32, #tpu.memory_space<vmem>>, vector<16xf32>,
      tpu.vector_store %arg7[%swap3A_351], %broadcast_in_dim3A_7 {strides = array<i32>} : memref<16384xf32, #tpu.memory_space<vmem>>, vector<16xf32>,
      %mul3A_353 = arith.constant 64 : i32
      %mul3A_354 = arith.muli %mul3A_17, %mul3A_353 : i32
      %add3A_355 = arith.constant 896 : i32
      %add3A_356 = arith.addi %mul3A_354, %add3A_355 : i32
      %swap3A_357 = arith.index_cast %add3A_356 : i32 to index
      %swap3A_358 = tpu.vector_load %arg7[%swap3A_357] {strides = array<i32>} : memref<16384xf32, #tpu.memory_space<vmem>>, vector<16xf32>,
      tpu.vector_store %arg7[%swap3A_357], %broadcast_in_dim3A_7 {strides = array<i32>} : memref<16384xf32, #tpu.memory_space<vmem>>, vector<16xf32>,
      %mul3A_359 = arith.constant 64 : i32
      %mul3A_360 = arith.muli %mul3A_17, %mul3A_359 : i32
      %add3A_361 = arith.constant 912 : i32
      %add3A_362 = arith.addi %mul3A_360, %add3A_361 : i32
      %swap3A_363 = arith.index_cast %add3A_362 : i32 to index
      %swap3A_364 = tpu.vector_load %arg7[%swap3A_363] {strides = array<i32>} : memref<16384xf32, #tpu.memory_space<vmem>>, vector<16xf32>,
      tpu.vector_store %arg7[%swap3A_363], %broadcast_in_dim3A_7 {strides = array<i32>} : memref<16384xf32, #tpu.memory_space<vmem>>, vector<16xf32>,
      %mul3A_365 = arith.constant 64 : i32
      %mul3A_366 = arith.muli %mul3A_17, %mul3A_365 : i32
      %add3A_367 = arith.constant 928 : i32
      %add3A_368 = arith.addi %mul3A_366, %add3A_367 : i32
      %swap3A_369 = arith.index_cast %add3A_368 : i32 to index
      %swap3A_370 = tpu.vector_load %arg7[%swap3A_369] {strides = array<i32>} : memref<16384xf32, #tpu.memory_space<vmem>>, vector<16xf32>,
      tpu.vector_store %arg7[%swap3A_369], %broadcast_in_dim3A_7 {strides = array<i32>} : memref<16384xf32, #tpu.memory_space<vmem>>, vector<16xf32>,
      %mul3A_371 = arith.constant 64 : i32
      %mul3A_372 = arith.muli %mul3A_17, %mul3A_371 : i32
      %add3A_373 = arith.constant 944 : i32
      %add3A_374 = arith.addi %mul3A_372, %add3A_373 : i32
      %swap3A_375 = arith.index_cast %add3A_374 : i32 to index
      %swap3A_376 = tpu.vector_load %arg7[%swap3A_375] {strides = array<i32>} : memref<16384xf32, #tpu.memory_space<vmem>>, vector<16xf32>,
      tpu.vector_store %arg7[%swap3A_375], %broadcast_in_dim3A_7 {strides = array<i32>} : memref<16384xf32, #tpu.memory_space<vmem>>, vector<16xf32>,
      %mul3A_377 = arith.constant 64 : i32
      %mul3A_378 = arith.muli %mul3A_17, %mul3A_377 : i32
      %add3A_379 = arith.constant 960 : i32
      %add3A_380 = arith.addi %mul3A_378, %add3A_379 : i32
      %swap3A_381 = arith.index_cast %add3A_380 : i32 to index
      %swap3A_382 = tpu.vector_load %arg7[%swap3A_381] {strides = array<i32>} : memref<16384xf32, #tpu.memory_space<vmem>>, vector<16xf32>,
      tpu.vector_store %arg7[%swap3A_381], %broadcast_in_dim3A_7 {strides = array<i32>} : memref<16384xf32, #tpu.memory_space<vmem>>, vector<16xf32>,
      %mul3A_383 = arith.constant 64 : i32
      %mul3A_384 = arith.muli %mul3A_17, %mul3A_383 : i32
      %add3A_385 = arith.constant 976 : i32
      %add3A_386 = arith.addi %mul3A_384, %add3A_385 : i32
      %swap3A_387 = arith.index_cast %add3A_386 : i32 to index
      %swap3A_388 = tpu.vector_load %arg7[%swap3A_387] {strides = array<i32>} : memref<16384xf32, #tpu.memory_space<vmem>>, vector<16xf32>,
      tpu.vector_store %arg7[%swap3A_387], %broadcast_in_dim3A_7 {strides = array<i32>} : memref<16384xf32, #tpu.memory_space<vmem>>, vector<16xf32>,
      %mul3A_389 = arith.constant 64 : i32
      %mul3A_390 = arith.muli %mul3A_17, %mul3A_389 : i32
      %add3A_391 = arith.constant 992 : i32
      %add3A_392 = arith.addi %mul3A_390, %add3A_391 : i32
      %swap3A_393 = arith.index_cast %add3A_392 : i32 to index
      %swap3A_394 = tpu.vector_load %arg7[%swap3A_393] {strides = array<i32>} : memref<16384xf32, #tpu.memory_space<vmem>>, vector<16xf32>,
      tpu.vector_store %arg7[%swap3A_393], %broadcast_in_dim3A_7 {strides = array<i32>} : memref<16384xf32, #tpu.memory_space<vmem>>, vector<16xf32>,
      %mul3A_395 = arith.constant 64 : i32
      %mul3A_396 = arith.muli %mul3A_17, %mul3A_395 : i32
      %add3A_397 = arith.constant 1008 : i32
      %add3A_398 = arith.addi %mul3A_396, %add3A_397 : i32
      %swap3A_399 = arith.index_cast %add3A_398 : i32 to index
      %swap3A_400 = tpu.vector_load %arg7[%swap3A_399] {strides = array<i32>} : memref<16384xf32, #tpu.memory_space<vmem>>, vector<16xf32>,
      tpu.vector_store %arg7[%swap3A_399], %broadcast_in_dim3A_7 {strides = array<i32>} : memref<16384xf32, #tpu.memory_space<vmem>>, vector<16xf32>,
      %add3A_401 = vector.broadcast %mul3A_17 : i32 to vector<16xi32>
      %add3A_402 = arith.addi %add3A_401, %iota3A : vector<16xi32>
      %mul3A_403 = arith.constant 64 : i32
      %mul3A_404 = vector.broadcast %mul3A_403 : i32 to vector<16xi32>
      %mul3A_405 = arith.muli %add3A_402, %mul3A_404 : vector<16xi32>
      %get3A = arith.constant 0 : i32
      %get3A_406 = arith.index_cast %get3A : i32 to index
      %get3A_407 = arith.index_cast %mul3A_17 : i32 to index
      %get3A_408 = tpu.vector_load %arg6[%get3A_406, %get3A_407] {strides = array<i32>} : memref<64x256xf32, #tpu.memory_space<vmem>>, vector<16xf32>,
      %broadcast_in_dim3A_409 = arith.constant 0 : i32
      %broadcast_in_dim3A_410 = vector.broadcast %broadcast_in_dim3A_409 : i32 to vector<16xi32>
      %gt3A = arith.cmpf ogt, %get3A_408, %broadcast_in_dim3A_3 : vector<16xf32>
      %gt3A_411 = arith.cmpf ogt, %get3A_408, %broadcast_in_dim3A_3 : vector<16xf32>
      %not3A = arith.constant dense<true> : vector<16xi1>
      %not3A_412 = arith.xori %gt3A, %not3A : vector<16xi1>
      %and3A = arith.andi %gt3A_411, %not3A_412 : vector<16xi1>
      %select_n3A = arith.select %and3A, %broadcast_in_dim3A_410, %broadcast_in_dim3A_5 : vector<16xi1>, vector<16xi32>
      %select_n3A_413 = arith.select %gt3A, %broadcast_in_dim3A_5, %select_n3A : vector<16xi1>, vector<16xi32>
      %select_n3A_414 = arith.select %and3A, %get3A_408, %broadcast_in_dim3A_3 : vector<16xi1>, vector<16xf32>
      %select_n3A_415 = arith.select %gt3A, %broadcast_in_dim3A_3, %select_n3A_414 : vector<16xi1>, vector<16xf32>
      %select_n3A_416 = arith.select %gt3A, %broadcast_in_dim3A_410, %broadcast_in_dim3A_5 : vector<16xi1>, vector<16xi32>
      %select_n3A_417 = arith.select %gt3A, %get3A_408, %broadcast_in_dim3A_3 : vector<16xi1>, vector<16xf32>
      %get3A_418 = arith.constant 1 : i32
      %get3A_419 = arith.index_cast %get3A_418 : i32 to index
      %get3A_420 = arith.index_cast %mul3A_17 : i32 to index
      %get3A_421 = tpu.vector_load %arg6[%get3A_419, %get3A_420] {strides = array<i32>} : memref<64x256xf32, #tpu.memory_space<vmem>>, vector<16xf32>,
      %broadcast_in_dim3A_422 = arith.constant 1 : i32
      %broadcast_in_dim3A_423 = vector.broadcast %broadcast_in_dim3A_422 : i32 to vector<16xi32>
      %gt3A_424 = arith.cmpf ogt, %get3A_421, %select_n3A_417 : vector<16xf32>
      %gt3A_425 = arith.cmpf ogt, %get3A_421, %select_n3A_415 : vector<16xf32>
      %not3A_426 = arith.constant dense<true> : vector<16xi1>
      %not3A_427 = arith.xori %gt3A_424, %not3A_426 : vector<16xi1>
      %and3A_428 = arith.andi %gt3A_425, %not3A_427 : vector<16xi1>
      %select_n3A_429 = arith.select %and3A_428, %broadcast_in_dim3A_423, %select_n3A_413 : vector<16xi1>, vector<16xi32>
      %select_n3A_430 = arith.select %gt3A_424, %select_n3A_416, %select_n3A_429 : vector<16xi1>, vector<16xi32>
      %select_n3A_431 = arith.select %and3A_428, %get3A_421, %select_n3A_415 : vector<16xi1>, vector<16xf32>
      %select_n3A_432 = arith.select %gt3A_424, %select_n3A_417, %select_n3A_431 : vector<16xi1>, vector<16xf32>
      %select_n3A_433 = arith.select %gt3A_424, %broadcast_in_dim3A_423, %select_n3A_416 : vector<16xi1>, vector<16xi32>
      %select_n3A_434 = arith.select %gt3A_424, %get3A_421, %select_n3A_417 : vector<16xi1>, vector<16xf32>
      %get3A_435 = arith.constant 2 : i32
      %get3A_436 = arith.index_cast %get3A_435 : i32 to index
      %get3A_437 = arith.index_cast %mul3A_17 : i32 to index
      %get3A_438 = tpu.vector_load %arg6[%get3A_436, %get3A_437] {strides = array<i32>} : memref<64x256xf32, #tpu.memory_space<vmem>>, vector<16xf32>,
      %broadcast_in_dim3A_439 = arith.constant 2 : i32
      %broadcast_in_dim3A_440 = vector.broadcast %broadcast_in_dim3A_439 : i32 to vector<16xi32>
      %gt3A_441 = arith.cmpf ogt, %get3A_438, %select_n3A_434 : vector<16xf32>
      %gt3A_442 = arith.cmpf ogt, %get3A_438, %select_n3A_432 : vector<16xf32>
      %not3A_443 = arith.constant dense<true> : vector<16xi1>
      %not3A_444 = arith.xori %gt3A_441, %not3A_443 : vector<16xi1>
      %and3A_445 = arith.andi %gt3A_442, %not3A_444 : vector<16xi1>
      %select_n3A_446 = arith.select %and3A_445, %broadcast_in_dim3A_440, %select_n3A_430 : vector<16xi1>, vector<16xi32>
      %select_n3A_447 = arith.select %gt3A_441, %select_n3A_433, %select_n3A_446 : vector<16xi1>, vector<16xi32>
      %select_n3A_448 = arith.select %and3A_445, %get3A_438, %select_n3A_432 : vector<16xi1>, vector<16xf32>
      %select_n3A_449 = arith.select %gt3A_441, %select_n3A_434, %select_n3A_448 : vector<16xi1>, vector<16xf32>
      %select_n3A_450 = arith.select %gt3A_441, %broadcast_in_dim3A_440, %select_n3A_433 : vector<16xi1>, vector<16xi32>
      %select_n3A_451 = arith.select %gt3A_441, %get3A_438, %select_n3A_434 : vector<16xi1>, vector<16xf32>
      %get3A_452 = arith.constant 3 : i32
      %get3A_453 = arith.index_cast %get3A_452 : i32 to index
      %get3A_454 = arith.index_cast %mul3A_17 : i32 to index
      %get3A_455 = tpu.vector_load %arg6[%get3A_453, %get3A_454] {strides = array<i32>} : memref<64x256xf32, #tpu.memory_space<vmem>>, vector<16xf32>,
      %broadcast_in_dim3A_456 = arith.constant 3 : i32
      %broadcast_in_dim3A_457 = vector.broadcast %broadcast_in_dim3A_456 : i32 to vector<16xi32>
      %gt3A_458 = arith.cmpf ogt, %get3A_455, %select_n3A_451 : vector<16xf32>
      %gt3A_459 = arith.cmpf ogt, %get3A_455, %select_n3A_449 : vector<16xf32>
      %not3A_460 = arith.constant dense<true> : vector<16xi1>
      %not3A_461 = arith.xori %gt3A_458, %not3A_460 : vector<16xi1>
      %and3A_462 = arith.andi %gt3A_459, %not3A_461 : vector<16xi1>
      %select_n3A_463 = arith.select %and3A_462, %broadcast_in_dim3A_457, %select_n3A_447 : vector<16xi1>, vector<16xi32>
      %select_n3A_464 = arith.select %gt3A_458, %select_n3A_450, %select_n3A_463 : vector<16xi1>, vector<16xi32>
      %select_n3A_465 = arith.select %and3A_462, %get3A_455, %select_n3A_449 : vector<16xi1>, vector<16xf32>
      %select_n3A_466 = arith.select %gt3A_458, %select_n3A_451, %select_n3A_465 : vector<16xi1>, vector<16xf32>
      %select_n3A_467 = arith.select %gt3A_458, %broadcast_in_dim3A_457, %select_n3A_450 : vector<16xi1>, vector<16xi32>
      %select_n3A_468 = arith.select %gt3A_458, %get3A_455, %select_n3A_451 : vector<16xi1>, vector<16xf32>
      %get3A_469 = arith.constant 4 : i32
      %get3A_470 = arith.index_cast %get3A_469 : i32 to index
      %get3A_471 = arith.index_cast %mul3A_17 : i32 to index
      %get3A_472 = tpu.vector_load %arg6[%get3A_470, %get3A_471] {strides = array<i32>} : memref<64x256xf32, #tpu.memory_space<vmem>>, vector<16xf32>,
      %broadcast_in_dim3A_473 = arith.constant 4 : i32
      %broadcast_in_dim3A_474 = vector.broadcast %broadcast_in_dim3A_473 : i32 to vector<16xi32>
      %gt3A_475 = arith.cmpf ogt, %get3A_472, %select_n3A_468 : vector<16xf32>
      %gt3A_476 = arith.cmpf ogt, %get3A_472, %select_n3A_466 : vector<16xf32>
      %not3A_477 = arith.constant dense<true> : vector<16xi1>
      %not3A_478 = arith.xori %gt3A_475, %not3A_477 : vector<16xi1>
      %and3A_479 = arith.andi %gt3A_476, %not3A_478 : vector<16xi1>
      %select_n3A_480 = arith.select %and3A_479, %broadcast_in_dim3A_474, %select_n3A_464 : vector<16xi1>, vector<16xi32>
      %select_n3A_481 = arith.select %gt3A_475, %select_n3A_467, %select_n3A_480 : vector<16xi1>, vector<16xi32>
      %select_n3A_482 = arith.select %and3A_479, %get3A_472, %select_n3A_466 : vector<16xi1>, vector<16xf32>
      %select_n3A_483 = arith.select %gt3A_475, %select_n3A_468, %select_n3A_482 : vector<16xi1>, vector<16xf32>
      %select_n3A_484 = arith.select %gt3A_475, %broadcast_in_dim3A_474, %select_n3A_467 : vector<16xi1>, vector<16xi32>
      %select_n3A_485 = arith.select %gt3A_475, %get3A_472, %select_n3A_468 : vector<16xi1>, vector<16xf32>
      %get3A_486 = arith.constant 5 : i32
      %get3A_487 = arith.index_cast %get3A_486 : i32 to index
      %get3A_488 = arith.index_cast %mul3A_17 : i32 to index
      %get3A_489 = tpu.vector_load %arg6[%get3A_487, %get3A_488] {strides = array<i32>} : memref<64x256xf32, #tpu.memory_space<vmem>>, vector<16xf32>,
      %broadcast_in_dim3A_490 = arith.constant 5 : i32
      %broadcast_in_dim3A_491 = vector.broadcast %broadcast_in_dim3A_490 : i32 to vector<16xi32>
      %gt3A_492 = arith.cmpf ogt, %get3A_489, %select_n3A_485 : vector<16xf32>
      %gt3A_493 = arith.cmpf ogt, %get3A_489, %select_n3A_483 : vector<16xf32>
      %not3A_494 = arith.constant dense<true> : vector<16xi1>
      %not3A_495 = arith.xori %gt3A_492, %not3A_494 : vector<16xi1>
      %and3A_496 = arith.andi %gt3A_493, %not3A_495 : vector<16xi1>
      %select_n3A_497 = arith.select %and3A_496, %broadcast_in_dim3A_491, %select_n3A_481 : vector<16xi1>, vector<16xi32>
      %select_n3A_498 = arith.select %gt3A_492, %select_n3A_484, %select_n3A_497 : vector<16xi1>, vector<16xi32>
      %select_n3A_499 = arith.select %and3A_496, %get3A_489, %select_n3A_483 : vector<16xi1>, vector<16xf32>
      %select_n3A_500 = arith.select %gt3A_492, %select_n3A_485, %select_n3A_499 : vector<16xi1>, vector<16xf32>
      %select_n3A_501 = arith.select %gt3A_492, %broadcast_in_dim3A_491, %select_n3A_484 : vector<16xi1>, vector<16xi32>
      %select_n3A_502 = arith.select %gt3A_492, %get3A_489, %select_n3A_485 : vector<16xi1>, vector<16xf32>
      %get3A_503 = arith.constant 6 : i32
      %get3A_504 = arith.index_cast %get3A_503 : i32 to index
      %get3A_505 = arith.index_cast %mul3A_17 : i32 to index
      %get3A_506 = tpu.vector_load %arg6[%get3A_504, %get3A_505] {strides = array<i32>} : memref<64x256xf32, #tpu.memory_space<vmem>>, vector<16xf32>,
      %broadcast_in_dim3A_507 = arith.constant 6 : i32
      %broadcast_in_dim3A_508 = vector.broadcast %broadcast_in_dim3A_507 : i32 to vector<16xi32>
      %gt3A_509 = arith.cmpf ogt, %get3A_506, %select_n3A_502 : vector<16xf32>
      %gt3A_510 = arith.cmpf ogt, %get3A_506, %select_n3A_500 : vector<16xf32>
      %not3A_511 = arith.constant dense<true> : vector<16xi1>
      %not3A_512 = arith.xori %gt3A_509, %not3A_511 : vector<16xi1>
      %and3A_513 = arith.andi %gt3A_510, %not3A_512 : vector<16xi1>
      %select_n3A_514 = arith.select %and3A_513, %broadcast_in_dim3A_508, %select_n3A_498 : vector<16xi1>, vector<16xi32>
      %select_n3A_515 = arith.select %gt3A_509, %select_n3A_501, %select_n3A_514 : vector<16xi1>, vector<16xi32>
      %select_n3A_516 = arith.select %and3A_513, %get3A_506, %select_n3A_500 : vector<16xi1>, vector<16xf32>
      %select_n3A_517 = arith.select %gt3A_509, %select_n3A_502, %select_n3A_516 : vector<16xi1>, vector<16xf32>
      %select_n3A_518 = arith.select %gt3A_509, %broadcast_in_dim3A_508, %select_n3A_501 : vector<16xi1>, vector<16xi32>
      %select_n3A_519 = arith.select %gt3A_509, %get3A_506, %select_n3A_502 : vector<16xi1>, vector<16xf32>
      %get3A_520 = arith.constant 7 : i32
      %get3A_521 = arith.index_cast %get3A_520 : i32 to index
      %get3A_522 = arith.index_cast %mul3A_17 : i32 to index
      %get3A_523 = tpu.vector_load %arg6[%get3A_521, %get3A_522] {strides = array<i32>} : memref<64x256xf32, #tpu.memory_space<vmem>>, vector<16xf32>,
      %broadcast_in_dim3A_524 = arith.constant 7 : i32
      %broadcast_in_dim3A_525 = vector.broadcast %broadcast_in_dim3A_524 : i32 to vector<16xi32>
      %gt3A_526 = arith.cmpf ogt, %get3A_523, %select_n3A_519 : vector<16xf32>
      %gt3A_527 = arith.cmpf ogt, %get3A_523, %select_n3A_517 : vector<16xf32>
      %not3A_528 = arith.constant dense<true> : vector<16xi1>
      %not3A_529 = arith.xori %gt3A_526, %not3A_528 : vector<16xi1>
      %and3A_530 = arith.andi %gt3A_527, %not3A_529 : vector<16xi1>
      %select_n3A_531 = arith.select %and3A_530, %broadcast_in_dim3A_525, %select_n3A_515 : vector<16xi1>, vector<16xi32>
      %select_n3A_532 = arith.select %gt3A_526, %select_n3A_518, %select_n3A_531 : vector<16xi1>, vector<16xi32>
      %select_n3A_533 = arith.select %and3A_530, %get3A_523, %select_n3A_517 : vector<16xi1>, vector<16xf32>
      %select_n3A_534 = arith.select %gt3A_526, %select_n3A_519, %select_n3A_533 : vector<16xi1>, vector<16xf32>
      %select_n3A_535 = arith.select %gt3A_526, %broadcast_in_dim3A_525, %select_n3A_518 : vector<16xi1>, vector<16xi32>
      %select_n3A_536 = arith.select %gt3A_526, %get3A_523, %select_n3A_519 : vector<16xi1>, vector<16xf32>
      %get3A_537 = arith.constant 8 : i32
      %get3A_538 = arith.index_cast %get3A_537 : i32 to index
      %get3A_539 = arith.index_cast %mul3A_17 : i32 to index
      %get3A_540 = tpu.vector_load %arg6[%get3A_538, %get3A_539] {strides = array<i32>} : memref<64x256xf32, #tpu.memory_space<vmem>>, vector<16xf32>,
      %broadcast_in_dim3A_541 = arith.constant 8 : i32
      %broadcast_in_dim3A_542 = vector.broadcast %broadcast_in_dim3A_541 : i32 to vector<16xi32>
      %gt3A_543 = arith.cmpf ogt, %get3A_540, %select_n3A_536 : vector<16xf32>
      %gt3A_544 = arith.cmpf ogt, %get3A_540, %select_n3A_534 : vector<16xf32>
      %not3A_545 = arith.constant dense<true> : vector<16xi1>
      %not3A_546 = arith.xori %gt3A_543, %not3A_545 : vector<16xi1>
      %and3A_547 = arith.andi %gt3A_544, %not3A_546 : vector<16xi1>
      %select_n3A_548 = arith.select %and3A_547, %broadcast_in_dim3A_542, %select_n3A_532 : vector<16xi1>, vector<16xi32>
      %select_n3A_549 = arith.select %gt3A_543, %select_n3A_535, %select_n3A_548 : vector<16xi1>, vector<16xi32>
      %select_n3A_550 = arith.select %and3A_547, %get3A_540, %select_n3A_534 : vector<16xi1>, vector<16xf32>
      %select_n3A_551 = arith.select %gt3A_543, %select_n3A_536, %select_n3A_550 : vector<16xi1>, vector<16xf32>
      %select_n3A_552 = arith.select %gt3A_543, %broadcast_in_dim3A_542, %select_n3A_535 : vector<16xi1>, vector<16xi32>
      %select_n3A_553 = arith.select %gt3A_543, %get3A_540, %select_n3A_536 : vector<16xi1>, vector<16xf32>
      %get3A_554 = arith.constant 9 : i32
      %get3A_555 = arith.index_cast %get3A_554 : i32 to index
      %get3A_556 = arith.index_cast %mul3A_17 : i32 to index
      %get3A_557 = tpu.vector_load %arg6[%get3A_555, %get3A_556] {strides = array<i32>} : memref<64x256xf32, #tpu.memory_space<vmem>>, vector<16xf32>,
      %broadcast_in_dim3A_558 = arith.constant 9 : i32
      %broadcast_in_dim3A_559 = vector.broadcast %broadcast_in_dim3A_558 : i32 to vector<16xi32>
      %gt3A_560 = arith.cmpf ogt, %get3A_557, %select_n3A_553 : vector<16xf32>
      %gt3A_561 = arith.cmpf ogt, %get3A_557, %select_n3A_551 : vector<16xf32>
      %not3A_562 = arith.constant dense<true> : vector<16xi1>
      %not3A_563 = arith.xori %gt3A_560, %not3A_562 : vector<16xi1>
      %and3A_564 = arith.andi %gt3A_561, %not3A_563 : vector<16xi1>
      %select_n3A_565 = arith.select %and3A_564, %broadcast_in_dim3A_559, %select_n3A_549 : vector<16xi1>, vector<16xi32>
      %select_n3A_566 = arith.select %gt3A_560, %select_n3A_552, %select_n3A_565 : vector<16xi1>, vector<16xi32>
      %select_n3A_567 = arith.select %and3A_564, %get3A_557, %select_n3A_551 : vector<16xi1>, vector<16xf32>
      %select_n3A_568 = arith.select %gt3A_560, %select_n3A_553, %select_n3A_567 : vector<16xi1>, vector<16xf32>
      %select_n3A_569 = arith.select %gt3A_560, %broadcast_in_dim3A_559, %select_n3A_552 : vector<16xi1>, vector<16xi32>
      %select_n3A_570 = arith.select %gt3A_560, %get3A_557, %select_n3A_553 : vector<16xi1>, vector<16xf32>
      %get3A_571 = arith.constant 10 : i32
      %get3A_572 = arith.index_cast %get3A_571 : i32 to index
      %get3A_573 = arith.index_cast %mul3A_17 : i32 to index
      %get3A_574 = tpu.vector_load %arg6[%get3A_572, %get3A_573] {strides = array<i32>} : memref<64x256xf32, #tpu.memory_space<vmem>>, vector<16xf32>,
      %broadcast_in_dim3A_575 = arith.constant 10 : i32
      %broadcast_in_dim3A_576 = vector.broadcast %broadcast_in_dim3A_575 : i32 to vector<16xi32>
      %gt3A_577 = arith.cmpf ogt, %get3A_574, %select_n3A_570 : vector<16xf32>
      %gt3A_578 = arith.cmpf ogt, %get3A_574, %select_n3A_568 : vector<16xf32>
      %not3A_579 = arith.constant dense<true> : vector<16xi1>
      %not3A_580 = arith.xori %gt3A_577, %not3A_579 : vector<16xi1>
      %and3A_581 = arith.andi %gt3A_578, %not3A_580 : vector<16xi1>
      %select_n3A_582 = arith.select %and3A_581, %broadcast_in_dim3A_576, %select_n3A_566 : vector<16xi1>, vector<16xi32>
      %select_n3A_583 = arith.select %gt3A_577, %select_n3A_569, %select_n3A_582 : vector<16xi1>, vector<16xi32>
      %select_n3A_584 = arith.select %and3A_581, %get3A_574, %select_n3A_568 : vector<16xi1>, vector<16xf32>
      %select_n3A_585 = arith.select %gt3A_577, %select_n3A_570, %select_n3A_584 : vector<16xi1>, vector<16xf32>
      %select_n3A_586 = arith.select %gt3A_577, %broadcast_in_dim3A_576, %select_n3A_569 : vector<16xi1>, vector<16xi32>
      %select_n3A_587 = arith.select %gt3A_577, %get3A_574, %select_n3A_570 : vector<16xi1>, vector<16xf32>
      %get3A_588 = arith.constant 11 : i32
      %get3A_589 = arith.index_cast %get3A_588 : i32 to index
      %get3A_590 = arith.index_cast %mul3A_17 : i32 to index
      %get3A_591 = tpu.vector_load %arg6[%get3A_589, %get3A_590] {strides = array<i32>} : memref<64x256xf32, #tpu.memory_space<vmem>>, vector<16xf32>,
      %broadcast_in_dim3A_592 = arith.constant 11 : i32
      %broadcast_in_dim3A_593 = vector.broadcast %broadcast_in_dim3A_592 : i32 to vector<16xi32>
      %gt3A_594 = arith.cmpf ogt, %get3A_591, %select_n3A_587 : vector<16xf32>
      %gt3A_595 = arith.cmpf ogt, %get3A_591, %select_n3A_585 : vector<16xf32>
      %not3A_596 = arith.constant dense<true> : vector<16xi1>
      %not3A_597 = arith.xori %gt3A_594, %not3A_596 : vector<16xi1>
      %and3A_598 = arith.andi %gt3A_595, %not3A_597 : vector<16xi1>
      %select_n3A_599 = arith.select %and3A_598, %broadcast_in_dim3A_593, %select_n3A_583 : vector<16xi1>, vector<16xi32>
      %select_n3A_600 = arith.select %gt3A_594, %select_n3A_586, %select_n3A_599 : vector<16xi1>, vector<16xi32>
      %select_n3A_601 = arith.select %and3A_598, %get3A_591, %select_n3A_585 : vector<16xi1>, vector<16xf32>
      %select_n3A_602 = arith.select %gt3A_594, %select_n3A_587, %select_n3A_601 : vector<16xi1>, vector<16xf32>
      %select_n3A_603 = arith.select %gt3A_594, %broadcast_in_dim3A_593, %select_n3A_586 : vector<16xi1>, vector<16xi32>
      %select_n3A_604 = arith.select %gt3A_594, %get3A_591, %select_n3A_587 : vector<16xi1>, vector<16xf32>
      %get3A_605 = arith.constant 12 : i32
      %get3A_606 = arith.index_cast %get3A_605 : i32 to index
      %get3A_607 = arith.index_cast %mul3A_17 : i32 to index
      %get3A_608 = tpu.vector_load %arg6[%get3A_606, %get3A_607] {strides = array<i32>} : memref<64x256xf32, #tpu.memory_space<vmem>>, vector<16xf32>,
      %broadcast_in_dim3A_609 = arith.constant 12 : i32
      %broadcast_in_dim3A_610 = vector.broadcast %broadcast_in_dim3A_609 : i32 to vector<16xi32>
      %gt3A_611 = arith.cmpf ogt, %get3A_608, %select_n3A_604 : vector<16xf32>
      %gt3A_612 = arith.cmpf ogt, %get3A_608, %select_n3A_602 : vector<16xf32>
      %not3A_613 = arith.constant dense<true> : vector<16xi1>
      %not3A_614 = arith.xori %gt3A_611, %not3A_613 : vector<16xi1>
      %and3A_615 = arith.andi %gt3A_612, %not3A_614 : vector<16xi1>
      %select_n3A_616 = arith.select %and3A_615, %broadcast_in_dim3A_610, %select_n3A_600 : vector<16xi1>, vector<16xi32>
      %select_n3A_617 = arith.select %gt3A_611, %select_n3A_603, %select_n3A_616 : vector<16xi1>, vector<16xi32>
      %select_n3A_618 = arith.select %and3A_615, %get3A_608, %select_n3A_602 : vector<16xi1>, vector<16xf32>
      %select_n3A_619 = arith.select %gt3A_611, %select_n3A_604, %select_n3A_618 : vector<16xi1>, vector<16xf32>
      %select_n3A_620 = arith.select %gt3A_611, %broadcast_in_dim3A_610, %select_n3A_603 : vector<16xi1>, vector<16xi32>
      %select_n3A_621 = arith.select %gt3A_611, %get3A_608, %select_n3A_604 : vector<16xi1>, vector<16xf32>
      %get3A_622 = arith.constant 13 : i32
      %get3A_623 = arith.index_cast %get3A_622 : i32 to index
      %get3A_624 = arith.index_cast %mul3A_17 : i32 to index
      %get3A_625 = tpu.vector_load %arg6[%get3A_623, %get3A_624] {strides = array<i32>} : memref<64x256xf32, #tpu.memory_space<vmem>>, vector<16xf32>,
      %broadcast_in_dim3A_626 = arith.constant 13 : i32
      %broadcast_in_dim3A_627 = vector.broadcast %broadcast_in_dim3A_626 : i32 to vector<16xi32>
      %gt3A_628 = arith.cmpf ogt, %get3A_625, %select_n3A_621 : vector<16xf32>
      %gt3A_629 = arith.cmpf ogt, %get3A_625, %select_n3A_619 : vector<16xf32>
      %not3A_630 = arith.constant dense<true> : vector<16xi1>
      %not3A_631 = arith.xori %gt3A_628, %not3A_630 : vector<16xi1>
      %and3A_632 = arith.andi %gt3A_629, %not3A_631 : vector<16xi1>
      %select_n3A_633 = arith.select %and3A_632, %broadcast_in_dim3A_627, %select_n3A_617 : vector<16xi1>, vector<16xi32>
      %select_n3A_634 = arith.select %gt3A_628, %select_n3A_620, %select_n3A_633 : vector<16xi1>, vector<16xi32>
      %select_n3A_635 = arith.select %and3A_632, %get3A_625, %select_n3A_619 : vector<16xi1>, vector<16xf32>
      %select_n3A_636 = arith.select %gt3A_628, %select_n3A_621, %select_n3A_635 : vector<16xi1>, vector<16xf32>
      %select_n3A_637 = arith.select %gt3A_628, %broadcast_in_dim3A_627, %select_n3A_620 : vector<16xi1>, vector<16xi32>
      %select_n3A_638 = arith.select %gt3A_628, %get3A_625, %select_n3A_621 : vector<16xi1>, vector<16xf32>
      %get3A_639 = arith.constant 14 : i32
      %get3A_640 = arith.index_cast %get3A_639 : i32 to index
      %get3A_641 = arith.index_cast %mul3A_17 : i32 to index
      %get3A_642 = tpu.vector_load %arg6[%get3A_640, %get3A_641] {strides = array<i32>} : memref<64x256xf32, #tpu.memory_space<vmem>>, vector<16xf32>,
      %broadcast_in_dim3A_643 = arith.constant 14 : i32
      %broadcast_in_dim3A_644 = vector.broadcast %broadcast_in_dim3A_643 : i32 to vector<16xi32>
      %gt3A_645 = arith.cmpf ogt, %get3A_642, %select_n3A_638 : vector<16xf32>
      %gt3A_646 = arith.cmpf ogt, %get3A_642, %select_n3A_636 : vector<16xf32>
      %not3A_647 = arith.constant dense<true> : vector<16xi1>
      %not3A_648 = arith.xori %gt3A_645, %not3A_647 : vector<16xi1>
      %and3A_649 = arith.andi %gt3A_646, %not3A_648 : vector<16xi1>
      %select_n3A_650 = arith.select %and3A_649, %broadcast_in_dim3A_644, %select_n3A_634 : vector<16xi1>, vector<16xi32>
      %select_n3A_651 = arith.select %gt3A_645, %select_n3A_637, %select_n3A_650 : vector<16xi1>, vector<16xi32>
      %select_n3A_652 = arith.select %and3A_649, %get3A_642, %select_n3A_636 : vector<16xi1>, vector<16xf32>
      %select_n3A_653 = arith.select %gt3A_645, %select_n3A_638, %select_n3A_652 : vector<16xi1>, vector<16xf32>
      %select_n3A_654 = arith.select %gt3A_645, %broadcast_in_dim3A_644, %select_n3A_637 : vector<16xi1>, vector<16xi32>
      %select_n3A_655 = arith.select %gt3A_645, %get3A_642, %select_n3A_638 : vector<16xi1>, vector<16xf32>
      %get3A_656 = arith.constant 15 : i32
      %get3A_657 = arith.index_cast %get3A_656 : i32 to index
      %get3A_658 = arith.index_cast %mul3A_17 : i32 to index
      %get3A_659 = tpu.vector_load %arg6[%get3A_657, %get3A_658] {strides = array<i32>} : memref<64x256xf32, #tpu.memory_space<vmem>>, vector<16xf32>,
      %broadcast_in_dim3A_660 = arith.constant 15 : i32
      %broadcast_in_dim3A_661 = vector.broadcast %broadcast_in_dim3A_660 : i32 to vector<16xi32>
      %gt3A_662 = arith.cmpf ogt, %get3A_659, %select_n3A_655 : vector<16xf32>
      %gt3A_663 = arith.cmpf ogt, %get3A_659, %select_n3A_653 : vector<16xf32>
      %not3A_664 = arith.constant dense<true> : vector<16xi1>
      %not3A_665 = arith.xori %gt3A_662, %not3A_664 : vector<16xi1>
      %and3A_666 = arith.andi %gt3A_663, %not3A_665 : vector<16xi1>
      %select_n3A_667 = arith.select %and3A_666, %broadcast_in_dim3A_661, %select_n3A_651 : vector<16xi1>, vector<16xi32>
      %select_n3A_668 = arith.select %gt3A_662, %select_n3A_654, %select_n3A_667 : vector<16xi1>, vector<16xi32>
      %select_n3A_669 = arith.select %and3A_666, %get3A_659, %select_n3A_653 : vector<16xi1>, vector<16xf32>
      %select_n3A_670 = arith.select %gt3A_662, %select_n3A_655, %select_n3A_669 : vector<16xi1>, vector<16xf32>
      %select_n3A_671 = arith.select %gt3A_662, %broadcast_in_dim3A_661, %select_n3A_654 : vector<16xi1>, vector<16xi32>
      %select_n3A_672 = arith.select %gt3A_662, %get3A_659, %select_n3A_655 : vector<16xi1>, vector<16xf32>
      %get3A_673 = arith.constant 16 : i32
      %get3A_674 = arith.index_cast %get3A_673 : i32 to index
      %get3A_675 = arith.index_cast %mul3A_17 : i32 to index
      %get3A_676 = tpu.vector_load %arg6[%get3A_674, %get3A_675] {strides = array<i32>} : memref<64x256xf32, #tpu.memory_space<vmem>>, vector<16xf32>,
      %broadcast_in_dim3A_677 = arith.constant 16 : i32
      %broadcast_in_dim3A_678 = vector.broadcast %broadcast_in_dim3A_677 : i32 to vector<16xi32>
      %gt3A_679 = arith.cmpf ogt, %get3A_676, %select_n3A_672 : vector<16xf32>
      %gt3A_680 = arith.cmpf ogt, %get3A_676, %select_n3A_670 : vector<16xf32>
      %not3A_681 = arith.constant dense<true> : vector<16xi1>
      %not3A_682 = arith.xori %gt3A_679, %not3A_681 : vector<16xi1>
      %and3A_683 = arith.andi %gt3A_680, %not3A_682 : vector<16xi1>
      %select_n3A_684 = arith.select %and3A_683, %broadcast_in_dim3A_678, %select_n3A_668 : vector<16xi1>, vector<16xi32>
      %select_n3A_685 = arith.select %gt3A_679, %select_n3A_671, %select_n3A_684 : vector<16xi1>, vector<16xi32>
      %select_n3A_686 = arith.select %and3A_683, %get3A_676, %select_n3A_670 : vector<16xi1>, vector<16xf32>
      %select_n3A_687 = arith.select %gt3A_679, %select_n3A_672, %select_n3A_686 : vector<16xi1>, vector<16xf32>
      %select_n3A_688 = arith.select %gt3A_679, %broadcast_in_dim3A_678, %select_n3A_671 : vector<16xi1>, vector<16xi32>
      %select_n3A_689 = arith.select %gt3A_679, %get3A_676, %select_n3A_672 : vector<16xi1>, vector<16xf32>
      %get3A_690 = arith.constant 17 : i32
      %get3A_691 = arith.index_cast %get3A_690 : i32 to index
      %get3A_692 = arith.index_cast %mul3A_17 : i32 to index
      %get3A_693 = tpu.vector_load %arg6[%get3A_691, %get3A_692] {strides = array<i32>} : memref<64x256xf32, #tpu.memory_space<vmem>>, vector<16xf32>,
      %broadcast_in_dim3A_694 = arith.constant 17 : i32
      %broadcast_in_dim3A_695 = vector.broadcast %broadcast_in_dim3A_694 : i32 to vector<16xi32>
      %gt3A_696 = arith.cmpf ogt, %get3A_693, %select_n3A_689 : vector<16xf32>
      %gt3A_697 = arith.cmpf ogt, %get3A_693, %select_n3A_687 : vector<16xf32>
      %not3A_698 = arith.constant dense<true> : vector<16xi1>
      %not3A_699 = arith.xori %gt3A_696, %not3A_698 : vector<16xi1>
      %and3A_700 = arith.andi %gt3A_697, %not3A_699 : vector<16xi1>
      %select_n3A_701 = arith.select %and3A_700, %broadcast_in_dim3A_695, %select_n3A_685 : vector<16xi1>, vector<16xi32>
      %select_n3A_702 = arith.select %gt3A_696, %select_n3A_688, %select_n3A_701 : vector<16xi1>, vector<16xi32>
      %select_n3A_703 = arith.select %and3A_700, %get3A_693, %select_n3A_687 : vector<16xi1>, vector<16xf32>
      %select_n3A_704 = arith.select %gt3A_696, %select_n3A_689, %select_n3A_703 : vector<16xi1>, vector<16xf32>
      %select_n3A_705 = arith.select %gt3A_696, %broadcast_in_dim3A_695, %select_n3A_688 : vector<16xi1>, vector<16xi32>
      %select_n3A_706 = arith.select %gt3A_696, %get3A_693, %select_n3A_689 : vector<16xi1>, vector<16xf32>
      %get3A_707 = arith.constant 18 : i32
      %get3A_708 = arith.index_cast %get3A_707 : i32 to index
      %get3A_709 = arith.index_cast %mul3A_17 : i32 to index
      %get3A_710 = tpu.vector_load %arg6[%get3A_708, %get3A_709] {strides = array<i32>} : memref<64x256xf32, #tpu.memory_space<vmem>>, vector<16xf32>,
      %broadcast_in_dim3A_711 = arith.constant 18 : i32
      %broadcast_in_dim3A_712 = vector.broadcast %broadcast_in_dim3A_711 : i32 to vector<16xi32>
      %gt3A_713 = arith.cmpf ogt, %get3A_710, %select_n3A_706 : vector<16xf32>
      %gt3A_714 = arith.cmpf ogt, %get3A_710, %select_n3A_704 : vector<16xf32>
      %not3A_715 = arith.constant dense<true> : vector<16xi1>
      %not3A_716 = arith.xori %gt3A_713, %not3A_715 : vector<16xi1>
      %and3A_717 = arith.andi %gt3A_714, %not3A_716 : vector<16xi1>
      %select_n3A_718 = arith.select %and3A_717, %broadcast_in_dim3A_712, %select_n3A_702 : vector<16xi1>, vector<16xi32>
      %select_n3A_719 = arith.select %gt3A_713, %select_n3A_705, %select_n3A_718 : vector<16xi1>, vector<16xi32>
      %select_n3A_720 = arith.select %and3A_717, %get3A_710, %select_n3A_704 : vector<16xi1>, vector<16xf32>
      %select_n3A_721 = arith.select %gt3A_713, %select_n3A_706, %select_n3A_720 : vector<16xi1>, vector<16xf32>
      %select_n3A_722 = arith.select %gt3A_713, %broadcast_in_dim3A_712, %select_n3A_705 : vector<16xi1>, vector<16xi32>
      %select_n3A_723 = arith.select %gt3A_713, %get3A_710, %select_n3A_706 : vector<16xi1>, vector<16xf32>
      %get3A_724 = arith.constant 19 : i32
      %get3A_725 = arith.index_cast %get3A_724 : i32 to index
      %get3A_726 = arith.index_cast %mul3A_17 : i32 to index
      %get3A_727 = tpu.vector_load %arg6[%get3A_725, %get3A_726] {strides = array<i32>} : memref<64x256xf32, #tpu.memory_space<vmem>>, vector<16xf32>,
      %broadcast_in_dim3A_728 = arith.constant 19 : i32
      %broadcast_in_dim3A_729 = vector.broadcast %broadcast_in_dim3A_728 : i32 to vector<16xi32>
      %gt3A_730 = arith.cmpf ogt, %get3A_727, %select_n3A_723 : vector<16xf32>
      %gt3A_731 = arith.cmpf ogt, %get3A_727, %select_n3A_721 : vector<16xf32>
      %not3A_732 = arith.constant dense<true> : vector<16xi1>
      %not3A_733 = arith.xori %gt3A_730, %not3A_732 : vector<16xi1>
      %and3A_734 = arith.andi %gt3A_731, %not3A_733 : vector<16xi1>
      %select_n3A_735 = arith.select %and3A_734, %broadcast_in_dim3A_729, %select_n3A_719 : vector<16xi1>, vector<16xi32>
      %select_n3A_736 = arith.select %gt3A_730, %select_n3A_722, %select_n3A_735 : vector<16xi1>, vector<16xi32>
      %select_n3A_737 = arith.select %and3A_734, %get3A_727, %select_n3A_721 : vector<16xi1>, vector<16xf32>
      %select_n3A_738 = arith.select %gt3A_730, %select_n3A_723, %select_n3A_737 : vector<16xi1>, vector<16xf32>
      %select_n3A_739 = arith.select %gt3A_730, %broadcast_in_dim3A_729, %select_n3A_722 : vector<16xi1>, vector<16xi32>
      %select_n3A_740 = arith.select %gt3A_730, %get3A_727, %select_n3A_723 : vector<16xi1>, vector<16xf32>
      %get3A_741 = arith.constant 20 : i32
      %get3A_742 = arith.index_cast %get3A_741 : i32 to index
      %get3A_743 = arith.index_cast %mul3A_17 : i32 to index
      %get3A_744 = tpu.vector_load %arg6[%get3A_742, %get3A_743] {strides = array<i32>} : memref<64x256xf32, #tpu.memory_space<vmem>>, vector<16xf32>,
      %broadcast_in_dim3A_745 = arith.constant 20 : i32
      %broadcast_in_dim3A_746 = vector.broadcast %broadcast_in_dim3A_745 : i32 to vector<16xi32>
      %gt3A_747 = arith.cmpf ogt, %get3A_744, %select_n3A_740 : vector<16xf32>
      %gt3A_748 = arith.cmpf ogt, %get3A_744, %select_n3A_738 : vector<16xf32>
      %not3A_749 = arith.constant dense<true> : vector<16xi1>
      %not3A_750 = arith.xori %gt3A_747, %not3A_749 : vector<16xi1>
      %and3A_751 = arith.andi %gt3A_748, %not3A_750 : vector<16xi1>
      %select_n3A_752 = arith.select %and3A_751, %broadcast_in_dim3A_746, %select_n3A_736 : vector<16xi1>, vector<16xi32>
      %select_n3A_753 = arith.select %gt3A_747, %select_n3A_739, %select_n3A_752 : vector<16xi1>, vector<16xi32>
      %select_n3A_754 = arith.select %and3A_751, %get3A_744, %select_n3A_738 : vector<16xi1>, vector<16xf32>
      %select_n3A_755 = arith.select %gt3A_747, %select_n3A_740, %select_n3A_754 : vector<16xi1>, vector<16xf32>
      %select_n3A_756 = arith.select %gt3A_747, %broadcast_in_dim3A_746, %select_n3A_739 : vector<16xi1>, vector<16xi32>
      %select_n3A_757 = arith.select %gt3A_747, %get3A_744, %select_n3A_740 : vector<16xi1>, vector<16xf32>
      %get3A_758 = arith.constant 21 : i32
      %get3A_759 = arith.index_cast %get3A_758 : i32 to index
      %get3A_760 = arith.index_cast %mul3A_17 : i32 to index
      %get3A_761 = tpu.vector_load %arg6[%get3A_759, %get3A_760] {strides = array<i32>} : memref<64x256xf32, #tpu.memory_space<vmem>>, vector<16xf32>,
      %broadcast_in_dim3A_762 = arith.constant 21 : i32
      %broadcast_in_dim3A_763 = vector.broadcast %broadcast_in_dim3A_762 : i32 to vector<16xi32>
      %gt3A_764 = arith.cmpf ogt, %get3A_761, %select_n3A_757 : vector<16xf32>
      %gt3A_765 = arith.cmpf ogt, %get3A_761, %select_n3A_755 : vector<16xf32>
      %not3A_766 = arith.constant dense<true> : vector<16xi1>
      %not3A_767 = arith.xori %gt3A_764, %not3A_766 : vector<16xi1>
      %and3A_768 = arith.andi %gt3A_765, %not3A_767 : vector<16xi1>
      %select_n3A_769 = arith.select %and3A_768, %broadcast_in_dim3A_763, %select_n3A_753 : vector<16xi1>, vector<16xi32>
      %select_n3A_770 = arith.select %gt3A_764, %select_n3A_756, %select_n3A_769 : vector<16xi1>, vector<16xi32>
      %select_n3A_771 = arith.select %and3A_768, %get3A_761, %select_n3A_755 : vector<16xi1>, vector<16xf32>
      %select_n3A_772 = arith.select %gt3A_764, %select_n3A_757, %select_n3A_771 : vector<16xi1>, vector<16xf32>
      %select_n3A_773 = arith.select %gt3A_764, %broadcast_in_dim3A_763, %select_n3A_756 : vector<16xi1>, vector<16xi32>
      %select_n3A_774 = arith.select %gt3A_764, %get3A_761, %select_n3A_757 : vector<16xi1>, vector<16xf32>
      %get3A_775 = arith.constant 22 : i32
      %get3A_776 = arith.index_cast %get3A_775 : i32 to index
      %get3A_777 = arith.index_cast %mul3A_17 : i32 to index
      %get3A_778 = tpu.vector_load %arg6[%get3A_776, %get3A_777] {strides = array<i32>} : memref<64x256xf32, #tpu.memory_space<vmem>>, vector<16xf32>,
      %broadcast_in_dim3A_779 = arith.constant 22 : i32
      %broadcast_in_dim3A_780 = vector.broadcast %broadcast_in_dim3A_779 : i32 to vector<16xi32>
      %gt3A_781 = arith.cmpf ogt, %get3A_778, %select_n3A_774 : vector<16xf32>
      %gt3A_782 = arith.cmpf ogt, %get3A_778, %select_n3A_772 : vector<16xf32>
      %not3A_783 = arith.constant dense<true> : vector<16xi1>
      %not3A_784 = arith.xori %gt3A_781, %not3A_783 : vector<16xi1>
      %and3A_785 = arith.andi %gt3A_782, %not3A_784 : vector<16xi1>
      %select_n3A_786 = arith.select %and3A_785, %broadcast_in_dim3A_780, %select_n3A_770 : vector<16xi1>, vector<16xi32>
      %select_n3A_787 = arith.select %gt3A_781, %select_n3A_773, %select_n3A_786 : vector<16xi1>, vector<16xi32>
      %select_n3A_788 = arith.select %and3A_785, %get3A_778, %select_n3A_772 : vector<16xi1>, vector<16xf32>
      %select_n3A_789 = arith.select %gt3A_781, %select_n3A_774, %select_n3A_788 : vector<16xi1>, vector<16xf32>
      %select_n3A_790 = arith.select %gt3A_781, %broadcast_in_dim3A_780, %select_n3A_773 : vector<16xi1>, vector<16xi32>
      %select_n3A_791 = arith.select %gt3A_781, %get3A_778, %select_n3A_774 : vector<16xi1>, vector<16xf32>
      %get3A_792 = arith.constant 23 : i32
      %get3A_793 = arith.index_cast %get3A_792 : i32 to index
      %get3A_794 = arith.index_cast %mul3A_17 : i32 to index
      %get3A_795 = tpu.vector_load %arg6[%get3A_793, %get3A_794] {strides = array<i32>} : memref<64x256xf32, #tpu.memory_space<vmem>>, vector<16xf32>,
      %broadcast_in_dim3A_796 = arith.constant 23 : i32
      %broadcast_in_dim3A_797 = vector.broadcast %broadcast_in_dim3A_796 : i32 to vector<16xi32>
      %gt3A_798 = arith.cmpf ogt, %get3A_795, %select_n3A_791 : vector<16xf32>
      %gt3A_799 = arith.cmpf ogt, %get3A_795, %select_n3A_789 : vector<16xf32>
      %not3A_800 = arith.constant dense<true> : vector<16xi1>
      %not3A_801 = arith.xori %gt3A_798, %not3A_800 : vector<16xi1>
      %and3A_802 = arith.andi %gt3A_799, %not3A_801 : vector<16xi1>
      %select_n3A_803 = arith.select %and3A_802, %broadcast_in_dim3A_797, %select_n3A_787 : vector<16xi1>, vector<16xi32>
      %select_n3A_804 = arith.select %gt3A_798, %select_n3A_790, %select_n3A_803 : vector<16xi1>, vector<16xi32>
      %select_n3A_805 = arith.select %and3A_802, %get3A_795, %select_n3A_789 : vector<16xi1>, vector<16xf32>
      %select_n3A_806 = arith.select %gt3A_798, %select_n3A_791, %select_n3A_805 : vector<16xi1>, vector<16xf32>
      %select_n3A_807 = arith.select %gt3A_798, %broadcast_in_dim3A_797, %select_n3A_790 : vector<16xi1>, vector<16xi32>
      %select_n3A_808 = arith.select %gt3A_798, %get3A_795, %select_n3A_791 : vector<16xi1>, vector<16xf32>
      %get3A_809 = arith.constant 24 : i32
      %get3A_810 = arith.index_cast %get3A_809 : i32 to index
      %get3A_811 = arith.index_cast %mul3A_17 : i32 to index
      %get3A_812 = tpu.vector_load %arg6[%get3A_810, %get3A_811] {strides = array<i32>} : memref<64x256xf32, #tpu.memory_space<vmem>>, vector<16xf32>,
      %broadcast_in_dim3A_813 = arith.constant 24 : i32
      %broadcast_in_dim3A_814 = vector.broadcast %broadcast_in_dim3A_813 : i32 to vector<16xi32>
      %gt3A_815 = arith.cmpf ogt, %get3A_812, %select_n3A_808 : vector<16xf32>
      %gt3A_816 = arith.cmpf ogt, %get3A_812, %select_n3A_806 : vector<16xf32>
      %not3A_817 = arith.constant dense<true> : vector<16xi1>
      %not3A_818 = arith.xori %gt3A_815, %not3A_817 : vector<16xi1>
      %and3A_819 = arith.andi %gt3A_816, %not3A_818 : vector<16xi1>
      %select_n3A_820 = arith.select %and3A_819, %broadcast_in_dim3A_814, %select_n3A_804 : vector<16xi1>, vector<16xi32>
      %select_n3A_821 = arith.select %gt3A_815, %select_n3A_807, %select_n3A_820 : vector<16xi1>, vector<16xi32>
      %select_n3A_822 = arith.select %and3A_819, %get3A_812, %select_n3A_806 : vector<16xi1>, vector<16xf32>
      %select_n3A_823 = arith.select %gt3A_815, %select_n3A_808, %select_n3A_822 : vector<16xi1>, vector<16xf32>
      %select_n3A_824 = arith.select %gt3A_815, %broadcast_in_dim3A_814, %select_n3A_807 : vector<16xi1>, vector<16xi32>
      %select_n3A_825 = arith.select %gt3A_815, %get3A_812, %select_n3A_808 : vector<16xi1>, vector<16xf32>
      %get3A_826 = arith.constant 25 : i32
      %get3A_827 = arith.index_cast %get3A_826 : i32 to index
      %get3A_828 = arith.index_cast %mul3A_17 : i32 to index
      %get3A_829 = tpu.vector_load %arg6[%get3A_827, %get3A_828] {strides = array<i32>} : memref<64x256xf32, #tpu.memory_space<vmem>>, vector<16xf32>,
      %broadcast_in_dim3A_830 = arith.constant 25 : i32
      %broadcast_in_dim3A_831 = vector.broadcast %broadcast_in_dim3A_830 : i32 to vector<16xi32>
      %gt3A_832 = arith.cmpf ogt, %get3A_829, %select_n3A_825 : vector<16xf32>
      %gt3A_833 = arith.cmpf ogt, %get3A_829, %select_n3A_823 : vector<16xf32>
      %not3A_834 = arith.constant dense<true> : vector<16xi1>
      %not3A_835 = arith.xori %gt3A_832, %not3A_834 : vector<16xi1>
      %and3A_836 = arith.andi %gt3A_833, %not3A_835 : vector<16xi1>
      %select_n3A_837 = arith.select %and3A_836, %broadcast_in_dim3A_831, %select_n3A_821 : vector<16xi1>, vector<16xi32>
      %select_n3A_838 = arith.select %gt3A_832, %select_n3A_824, %select_n3A_837 : vector<16xi1>, vector<16xi32>
      %select_n3A_839 = arith.select %and3A_836, %get3A_829, %select_n3A_823 : vector<16xi1>, vector<16xf32>
      %select_n3A_840 = arith.select %gt3A_832, %select_n3A_825, %select_n3A_839 : vector<16xi1>, vector<16xf32>
      %select_n3A_841 = arith.select %gt3A_832, %broadcast_in_dim3A_831, %select_n3A_824 : vector<16xi1>, vector<16xi32>
      %select_n3A_842 = arith.select %gt3A_832, %get3A_829, %select_n3A_825 : vector<16xi1>, vector<16xf32>
      %get3A_843 = arith.constant 26 : i32
      %get3A_844 = arith.index_cast %get3A_843 : i32 to index
      %get3A_845 = arith.index_cast %mul3A_17 : i32 to index
      %get3A_846 = tpu.vector_load %arg6[%get3A_844, %get3A_845] {strides = array<i32>} : memref<64x256xf32, #tpu.memory_space<vmem>>, vector<16xf32>,
      %broadcast_in_dim3A_847 = arith.constant 26 : i32
      %broadcast_in_dim3A_848 = vector.broadcast %broadcast_in_dim3A_847 : i32 to vector<16xi32>
      %gt3A_849 = arith.cmpf ogt, %get3A_846, %select_n3A_842 : vector<16xf32>
      %gt3A_850 = arith.cmpf ogt, %get3A_846, %select_n3A_840 : vector<16xf32>
      %not3A_851 = arith.constant dense<true> : vector<16xi1>
      %not3A_852 = arith.xori %gt3A_849, %not3A_851 : vector<16xi1>
      %and3A_853 = arith.andi %gt3A_850, %not3A_852 : vector<16xi1>
      %select_n3A_854 = arith.select %and3A_853, %broadcast_in_dim3A_848, %select_n3A_838 : vector<16xi1>, vector<16xi32>
      %select_n3A_855 = arith.select %gt3A_849, %select_n3A_841, %select_n3A_854 : vector<16xi1>, vector<16xi32>
      %select_n3A_856 = arith.select %and3A_853, %get3A_846, %select_n3A_840 : vector<16xi1>, vector<16xf32>
      %select_n3A_857 = arith.select %gt3A_849, %select_n3A_842, %select_n3A_856 : vector<16xi1>, vector<16xf32>
      %select_n3A_858 = arith.select %gt3A_849, %broadcast_in_dim3A_848, %select_n3A_841 : vector<16xi1>, vector<16xi32>
      %select_n3A_859 = arith.select %gt3A_849, %get3A_846, %select_n3A_842 : vector<16xi1>, vector<16xf32>
      %get3A_860 = arith.constant 27 : i32
      %get3A_861 = arith.index_cast %get3A_860 : i32 to index
      %get3A_862 = arith.index_cast %mul3A_17 : i32 to index
      %get3A_863 = tpu.vector_load %arg6[%get3A_861, %get3A_862] {strides = array<i32>} : memref<64x256xf32, #tpu.memory_space<vmem>>, vector<16xf32>,
      %broadcast_in_dim3A_864 = arith.constant 27 : i32
      %broadcast_in_dim3A_865 = vector.broadcast %broadcast_in_dim3A_864 : i32 to vector<16xi32>
      %gt3A_866 = arith.cmpf ogt, %get3A_863, %select_n3A_859 : vector<16xf32>
      %gt3A_867 = arith.cmpf ogt, %get3A_863, %select_n3A_857 : vector<16xf32>
      %not3A_868 = arith.constant dense<true> : vector<16xi1>
      %not3A_869 = arith.xori %gt3A_866, %not3A_868 : vector<16xi1>
      %and3A_870 = arith.andi %gt3A_867, %not3A_869 : vector<16xi1>
      %select_n3A_871 = arith.select %and3A_870, %broadcast_in_dim3A_865, %select_n3A_855 : vector<16xi1>, vector<16xi32>
      %select_n3A_872 = arith.select %gt3A_866, %select_n3A_858, %select_n3A_871 : vector<16xi1>, vector<16xi32>
      %select_n3A_873 = arith.select %and3A_870, %get3A_863, %select_n3A_857 : vector<16xi1>, vector<16xf32>
      %select_n3A_874 = arith.select %gt3A_866, %select_n3A_859, %select_n3A_873 : vector<16xi1>, vector<16xf32>
      %select_n3A_875 = arith.select %gt3A_866, %broadcast_in_dim3A_865, %select_n3A_858 : vector<16xi1>, vector<16xi32>
      %select_n3A_876 = arith.select %gt3A_866, %get3A_863, %select_n3A_859 : vector<16xi1>, vector<16xf32>
      %get3A_877 = arith.constant 28 : i32
      %get3A_878 = arith.index_cast %get3A_877 : i32 to index
      %get3A_879 = arith.index_cast %mul3A_17 : i32 to index
      %get3A_880 = tpu.vector_load %arg6[%get3A_878, %get3A_879] {strides = array<i32>} : memref<64x256xf32, #tpu.memory_space<vmem>>, vector<16xf32>,
      %broadcast_in_dim3A_881 = arith.constant 28 : i32
      %broadcast_in_dim3A_882 = vector.broadcast %broadcast_in_dim3A_881 : i32 to vector<16xi32>
      %gt3A_883 = arith.cmpf ogt, %get3A_880, %select_n3A_876 : vector<16xf32>
      %gt3A_884 = arith.cmpf ogt, %get3A_880, %select_n3A_874 : vector<16xf32>
      %not3A_885 = arith.constant dense<true> : vector<16xi1>
      %not3A_886 = arith.xori %gt3A_883, %not3A_885 : vector<16xi1>
      %and3A_887 = arith.andi %gt3A_884, %not3A_886 : vector<16xi1>
      %select_n3A_888 = arith.select %and3A_887, %broadcast_in_dim3A_882, %select_n3A_872 : vector<16xi1>, vector<16xi32>
      %select_n3A_889 = arith.select %gt3A_883, %select_n3A_875, %select_n3A_888 : vector<16xi1>, vector<16xi32>
      %select_n3A_890 = arith.select %and3A_887, %get3A_880, %select_n3A_874 : vector<16xi1>, vector<16xf32>
      %select_n3A_891 = arith.select %gt3A_883, %select_n3A_876, %select_n3A_890 : vector<16xi1>, vector<16xf32>
      %select_n3A_892 = arith.select %gt3A_883, %broadcast_in_dim3A_882, %select_n3A_875 : vector<16xi1>, vector<16xi32>
      %select_n3A_893 = arith.select %gt3A_883, %get3A_880, %select_n3A_876 : vector<16xi1>, vector<16xf32>
      %get3A_894 = arith.constant 29 : i32
      %get3A_895 = arith.index_cast %get3A_894 : i32 to index
      %get3A_896 = arith.index_cast %mul3A_17 : i32 to index
      %get3A_897 = tpu.vector_load %arg6[%get3A_895, %get3A_896] {strides = array<i32>} : memref<64x256xf32, #tpu.memory_space<vmem>>, vector<16xf32>,
      %broadcast_in_dim3A_898 = arith.constant 29 : i32
      %broadcast_in_dim3A_899 = vector.broadcast %broadcast_in_dim3A_898 : i32 to vector<16xi32>
      %gt3A_900 = arith.cmpf ogt, %get3A_897, %select_n3A_893 : vector<16xf32>
      %gt3A_901 = arith.cmpf ogt, %get3A_897, %select_n3A_891 : vector<16xf32>
      %not3A_902 = arith.constant dense<true> : vector<16xi1>
      %not3A_903 = arith.xori %gt3A_900, %not3A_902 : vector<16xi1>
      %and3A_904 = arith.andi %gt3A_901, %not3A_903 : vector<16xi1>
      %select_n3A_905 = arith.select %and3A_904, %broadcast_in_dim3A_899, %select_n3A_889 : vector<16xi1>, vector<16xi32>
      %select_n3A_906 = arith.select %gt3A_900, %select_n3A_892, %select_n3A_905 : vector<16xi1>, vector<16xi32>
      %select_n3A_907 = arith.select %and3A_904, %get3A_897, %select_n3A_891 : vector<16xi1>, vector<16xf32>
      %select_n3A_908 = arith.select %gt3A_900, %select_n3A_893, %select_n3A_907 : vector<16xi1>, vector<16xf32>
      %select_n3A_909 = arith.select %gt3A_900, %broadcast_in_dim3A_899, %select_n3A_892 : vector<16xi1>, vector<16xi32>
      %select_n3A_910 = arith.select %gt3A_900, %get3A_897, %select_n3A_893 : vector<16xi1>, vector<16xf32>
      %get3A_911 = arith.constant 30 : i32
      %get3A_912 = arith.index_cast %get3A_911 : i32 to index
      %get3A_913 = arith.index_cast %mul3A_17 : i32 to index
      %get3A_914 = tpu.vector_load %arg6[%get3A_912, %get3A_913] {strides = array<i32>} : memref<64x256xf32, #tpu.memory_space<vmem>>, vector<16xf32>,
      %broadcast_in_dim3A_915 = arith.constant 30 : i32
      %broadcast_in_dim3A_916 = vector.broadcast %broadcast_in_dim3A_915 : i32 to vector<16xi32>
      %gt3A_917 = arith.cmpf ogt, %get3A_914, %select_n3A_910 : vector<16xf32>
      %gt3A_918 = arith.cmpf ogt, %get3A_914, %select_n3A_908 : vector<16xf32>
      %not3A_919 = arith.constant dense<true> : vector<16xi1>
      %not3A_920 = arith.xori %gt3A_917, %not3A_919 : vector<16xi1>
      %and3A_921 = arith.andi %gt3A_918, %not3A_920 : vector<16xi1>
      %select_n3A_922 = arith.select %and3A_921, %broadcast_in_dim3A_916, %select_n3A_906 : vector<16xi1>, vector<16xi32>
      %select_n3A_923 = arith.select %gt3A_917, %select_n3A_909, %select_n3A_922 : vector<16xi1>, vector<16xi32>
      %select_n3A_924 = arith.select %and3A_921, %get3A_914, %select_n3A_908 : vector<16xi1>, vector<16xf32>
      %select_n3A_925 = arith.select %gt3A_917, %select_n3A_910, %select_n3A_924 : vector<16xi1>, vector<16xf32>
      %select_n3A_926 = arith.select %gt3A_917, %broadcast_in_dim3A_916, %select_n3A_909 : vector<16xi1>, vector<16xi32>
      %select_n3A_927 = arith.select %gt3A_917, %get3A_914, %select_n3A_910 : vector<16xi1>, vector<16xf32>
      %get3A_928 = arith.constant 31 : i32
      %get3A_929 = arith.index_cast %get3A_928 : i32 to index
      %get3A_930 = arith.index_cast %mul3A_17 : i32 to index
      %get3A_931 = tpu.vector_load %arg6[%get3A_929, %get3A_930] {strides = array<i32>} : memref<64x256xf32, #tpu.memory_space<vmem>>, vector<16xf32>,
      %broadcast_in_dim3A_932 = arith.constant 31 : i32
      %broadcast_in_dim3A_933 = vector.broadcast %broadcast_in_dim3A_932 : i32 to vector<16xi32>
      %gt3A_934 = arith.cmpf ogt, %get3A_931, %select_n3A_927 : vector<16xf32>
      %gt3A_935 = arith.cmpf ogt, %get3A_931, %select_n3A_925 : vector<16xf32>
      %not3A_936 = arith.constant dense<true> : vector<16xi1>
      %not3A_937 = arith.xori %gt3A_934, %not3A_936 : vector<16xi1>
      %and3A_938 = arith.andi %gt3A_935, %not3A_937 : vector<16xi1>
      %select_n3A_939 = arith.select %and3A_938, %broadcast_in_dim3A_933, %select_n3A_923 : vector<16xi1>, vector<16xi32>
      %select_n3A_940 = arith.select %gt3A_934, %select_n3A_926, %select_n3A_939 : vector<16xi1>, vector<16xi32>
      %select_n3A_941 = arith.select %and3A_938, %get3A_931, %select_n3A_925 : vector<16xi1>, vector<16xf32>
      %select_n3A_942 = arith.select %gt3A_934, %select_n3A_927, %select_n3A_941 : vector<16xi1>, vector<16xf32>
      %select_n3A_943 = arith.select %gt3A_934, %broadcast_in_dim3A_933, %select_n3A_926 : vector<16xi1>, vector<16xi32>
      %select_n3A_944 = arith.select %gt3A_934, %get3A_931, %select_n3A_927 : vector<16xi1>, vector<16xf32>
      %get3A_945 = arith.constant 32 : i32
      %get3A_946 = arith.index_cast %get3A_945 : i32 to index
      %get3A_947 = arith.index_cast %mul3A_17 : i32 to index
      %get3A_948 = tpu.vector_load %arg6[%get3A_946, %get3A_947] {strides = array<i32>} : memref<64x256xf32, #tpu.memory_space<vmem>>, vector<16xf32>,
      %broadcast_in_dim3A_949 = arith.constant 32 : i32
      %broadcast_in_dim3A_950 = vector.broadcast %broadcast_in_dim3A_949 : i32 to vector<16xi32>
      %gt3A_951 = arith.cmpf ogt, %get3A_948, %select_n3A_944 : vector<16xf32>
      %gt3A_952 = arith.cmpf ogt, %get3A_948, %select_n3A_942 : vector<16xf32>
      %not3A_953 = arith.constant dense<true> : vector<16xi1>
      %not3A_954 = arith.xori %gt3A_951, %not3A_953 : vector<16xi1>
      %and3A_955 = arith.andi %gt3A_952, %not3A_954 : vector<16xi1>
      %select_n3A_956 = arith.select %and3A_955, %broadcast_in_dim3A_950, %select_n3A_940 : vector<16xi1>, vector<16xi32>
      %select_n3A_957 = arith.select %gt3A_951, %select_n3A_943, %select_n3A_956 : vector<16xi1>, vector<16xi32>
      %select_n3A_958 = arith.select %and3A_955, %get3A_948, %select_n3A_942 : vector<16xi1>, vector<16xf32>
      %select_n3A_959 = arith.select %gt3A_951, %select_n3A_944, %select_n3A_958 : vector<16xi1>, vector<16xf32>
      %select_n3A_960 = arith.select %gt3A_951, %broadcast_in_dim3A_950, %select_n3A_943 : vector<16xi1>, vector<16xi32>
      %select_n3A_961 = arith.select %gt3A_951, %get3A_948, %select_n3A_944 : vector<16xi1>, vector<16xf32>
      %get3A_962 = arith.constant 33 : i32
      %get3A_963 = arith.index_cast %get3A_962 : i32 to index
      %get3A_964 = arith.index_cast %mul3A_17 : i32 to index
      %get3A_965 = tpu.vector_load %arg6[%get3A_963, %get3A_964] {strides = array<i32>} : memref<64x256xf32, #tpu.memory_space<vmem>>, vector<16xf32>,
      %broadcast_in_dim3A_966 = arith.constant 33 : i32
      %broadcast_in_dim3A_967 = vector.broadcast %broadcast_in_dim3A_966 : i32 to vector<16xi32>
      %gt3A_968 = arith.cmpf ogt, %get3A_965, %select_n3A_961 : vector<16xf32>
      %gt3A_969 = arith.cmpf ogt, %get3A_965, %select_n3A_959 : vector<16xf32>
      %not3A_970 = arith.constant dense<true> : vector<16xi1>
      %not3A_971 = arith.xori %gt3A_968, %not3A_970 : vector<16xi1>
      %and3A_972 = arith.andi %gt3A_969, %not3A_971 : vector<16xi1>
      %select_n3A_973 = arith.select %and3A_972, %broadcast_in_dim3A_967, %select_n3A_957 : vector<16xi1>, vector<16xi32>
      %select_n3A_974 = arith.select %gt3A_968, %select_n3A_960, %select_n3A_973 : vector<16xi1>, vector<16xi32>
      %select_n3A_975 = arith.select %and3A_972, %get3A_965, %select_n3A_959 : vector<16xi1>, vector<16xf32>
      %select_n3A_976 = arith.select %gt3A_968, %select_n3A_961, %select_n3A_975 : vector<16xi1>, vector<16xf32>
      %select_n3A_977 = arith.select %gt3A_968, %broadcast_in_dim3A_967, %select_n3A_960 : vector<16xi1>, vector<16xi32>
      %select_n3A_978 = arith.select %gt3A_968, %get3A_965, %select_n3A_961 : vector<16xi1>, vector<16xf32>
      %get3A_979 = arith.constant 34 : i32
      %get3A_980 = arith.index_cast %get3A_979 : i32 to index
      %get3A_981 = arith.index_cast %mul3A_17 : i32 to index
      %get3A_982 = tpu.vector_load %arg6[%get3A_980, %get3A_981] {strides = array<i32>} : memref<64x256xf32, #tpu.memory_space<vmem>>, vector<16xf32>,
      %broadcast_in_dim3A_983 = arith.constant 34 : i32
      %broadcast_in_dim3A_984 = vector.broadcast %broadcast_in_dim3A_983 : i32 to vector<16xi32>
      %gt3A_985 = arith.cmpf ogt, %get3A_982, %select_n3A_978 : vector<16xf32>
      %gt3A_986 = arith.cmpf ogt, %get3A_982, %select_n3A_976 : vector<16xf32>
      %not3A_987 = arith.constant dense<true> : vector<16xi1>
      %not3A_988 = arith.xori %gt3A_985, %not3A_987 : vector<16xi1>
      %and3A_989 = arith.andi %gt3A_986, %not3A_988 : vector<16xi1>
      %select_n3A_990 = arith.select %and3A_989, %broadcast_in_dim3A_984, %select_n3A_974 : vector<16xi1>, vector<16xi32>
      %select_n3A_991 = arith.select %gt3A_985, %select_n3A_977, %select_n3A_990 : vector<16xi1>, vector<16xi32>
      %select_n3A_992 = arith.select %and3A_989, %get3A_982, %select_n3A_976 : vector<16xi1>, vector<16xf32>
      %select_n3A_993 = arith.select %gt3A_985, %select_n3A_978, %select_n3A_992 : vector<16xi1>, vector<16xf32>
      %select_n3A_994 = arith.select %gt3A_985, %broadcast_in_dim3A_984, %select_n3A_977 : vector<16xi1>, vector<16xi32>
      %select_n3A_995 = arith.select %gt3A_985, %get3A_982, %select_n3A_978 : vector<16xi1>, vector<16xf32>
      %get3A_996 = arith.constant 35 : i32
      %get3A_997 = arith.index_cast %get3A_996 : i32 to index
      %get3A_998 = arith.index_cast %mul3A_17 : i32 to index
      %get3A_999 = tpu.vector_load %arg6[%get3A_997, %get3A_998] {strides = array<i32>} : memref<64x256xf32, #tpu.memory_space<vmem>>, vector<16xf32>,
      %broadcast_in_dim3A_1000 = arith.constant 35 : i32
      %broadcast_in_dim3A_1001 = vector.broadcast %broadcast_in_dim3A_1000 : i32 to vector<16xi32>
      %gt3A_1002 = arith.cmpf ogt, %get3A_999, %select_n3A_995 : vector<16xf32>
      %gt3A_1003 = arith.cmpf ogt, %get3A_999, %select_n3A_993 : vector<16xf32>
      %not3A_1004 = arith.constant dense<true> : vector<16xi1>
      %not3A_1005 = arith.xori %gt3A_1002, %not3A_1004 : vector<16xi1>
      %and3A_1006 = arith.andi %gt3A_1003, %not3A_1005 : vector<16xi1>
      %select_n3A_1007 = arith.select %and3A_1006, %broadcast_in_dim3A_1001, %select_n3A_991 : vector<16xi1>, vector<16xi32>
      %select_n3A_1008 = arith.select %gt3A_1002, %select_n3A_994, %select_n3A_1007 : vector<16xi1>, vector<16xi32>
      %select_n3A_1009 = arith.select %and3A_1006, %get3A_999, %select_n3A_993 : vector<16xi1>, vector<16xf32>
      %select_n3A_1010 = arith.select %gt3A_1002, %select_n3A_995, %select_n3A_1009 : vector<16xi1>, vector<16xf32>
      %select_n3A_1011 = arith.select %gt3A_1002, %broadcast_in_dim3A_1001, %select_n3A_994 : vector<16xi1>, vector<16xi32>
      %select_n3A_1012 = arith.select %gt3A_1002, %get3A_999, %select_n3A_995 : vector<16xi1>, vector<16xf32>
      %get3A_1013 = arith.constant 36 : i32
      %get3A_1014 = arith.index_cast %get3A_1013 : i32 to index
      %get3A_1015 = arith.index_cast %mul3A_17 : i32 to index
      %get3A_1016 = tpu.vector_load %arg6[%get3A_1014, %get3A_1015] {strides = array<i32>} : memref<64x256xf32, #tpu.memory_space<vmem>>, vector<16xf32>,
      %broadcast_in_dim3A_1017 = arith.constant 36 : i32
      %broadcast_in_dim3A_1018 = vector.broadcast %broadcast_in_dim3A_1017 : i32 to vector<16xi32>
      %gt3A_1019 = arith.cmpf ogt, %get3A_1016, %select_n3A_1012 : vector<16xf32>
      %gt3A_1020 = arith.cmpf ogt, %get3A_1016, %select_n3A_1010 : vector<16xf32>
      %not3A_1021 = arith.constant dense<true> : vector<16xi1>
      %not3A_1022 = arith.xori %gt3A_1019, %not3A_1021 : vector<16xi1>
      %and3A_1023 = arith.andi %gt3A_1020, %not3A_1022 : vector<16xi1>
      %select_n3A_1024 = arith.select %and3A_1023, %broadcast_in_dim3A_1018, %select_n3A_1008 : vector<16xi1>, vector<16xi32>
      %select_n3A_1025 = arith.select %gt3A_1019, %select_n3A_1011, %select_n3A_1024 : vector<16xi1>, vector<16xi32>
      %select_n3A_1026 = arith.select %and3A_1023, %get3A_1016, %select_n3A_1010 : vector<16xi1>, vector<16xf32>
      %select_n3A_1027 = arith.select %gt3A_1019, %select_n3A_1012, %select_n3A_1026 : vector<16xi1>, vector<16xf32>
      %select_n3A_1028 = arith.select %gt3A_1019, %broadcast_in_dim3A_1018, %select_n3A_1011 : vector<16xi1>, vector<16xi32>
      %select_n3A_1029 = arith.select %gt3A_1019, %get3A_1016, %select_n3A_1012 : vector<16xi1>, vector<16xf32>
      %get3A_1030 = arith.constant 37 : i32
      %get3A_1031 = arith.index_cast %get3A_1030 : i32 to index
      %get3A_1032 = arith.index_cast %mul3A_17 : i32 to index
      %get3A_1033 = tpu.vector_load %arg6[%get3A_1031, %get3A_1032] {strides = array<i32>} : memref<64x256xf32, #tpu.memory_space<vmem>>, vector<16xf32>,
      %broadcast_in_dim3A_1034 = arith.constant 37 : i32
      %broadcast_in_dim3A_1035 = vector.broadcast %broadcast_in_dim3A_1034 : i32 to vector<16xi32>
      %gt3A_1036 = arith.cmpf ogt, %get3A_1033, %select_n3A_1029 : vector<16xf32>
      %gt3A_1037 = arith.cmpf ogt, %get3A_1033, %select_n3A_1027 : vector<16xf32>
      %not3A_1038 = arith.constant dense<true> : vector<16xi1>
      %not3A_1039 = arith.xori %gt3A_1036, %not3A_1038 : vector<16xi1>
      %and3A_1040 = arith.andi %gt3A_1037, %not3A_1039 : vector<16xi1>
      %select_n3A_1041 = arith.select %and3A_1040, %broadcast_in_dim3A_1035, %select_n3A_1025 : vector<16xi1>, vector<16xi32>
      %select_n3A_1042 = arith.select %gt3A_1036, %select_n3A_1028, %select_n3A_1041 : vector<16xi1>, vector<16xi32>
      %select_n3A_1043 = arith.select %and3A_1040, %get3A_1033, %select_n3A_1027 : vector<16xi1>, vector<16xf32>
      %select_n3A_1044 = arith.select %gt3A_1036, %select_n3A_1029, %select_n3A_1043 : vector<16xi1>, vector<16xf32>
      %select_n3A_1045 = arith.select %gt3A_1036, %broadcast_in_dim3A_1035, %select_n3A_1028 : vector<16xi1>, vector<16xi32>
      %select_n3A_1046 = arith.select %gt3A_1036, %get3A_1033, %select_n3A_1029 : vector<16xi1>, vector<16xf32>
      %get3A_1047 = arith.constant 38 : i32
      %get3A_1048 = arith.index_cast %get3A_1047 : i32 to index
      %get3A_1049 = arith.index_cast %mul3A_17 : i32 to index
      %get3A_1050 = tpu.vector_load %arg6[%get3A_1048, %get3A_1049] {strides = array<i32>} : memref<64x256xf32, #tpu.memory_space<vmem>>, vector<16xf32>,
      %broadcast_in_dim3A_1051 = arith.constant 38 : i32
      %broadcast_in_dim3A_1052 = vector.broadcast %broadcast_in_dim3A_1051 : i32 to vector<16xi32>
      %gt3A_1053 = arith.cmpf ogt, %get3A_1050, %select_n3A_1046 : vector<16xf32>
      %gt3A_1054 = arith.cmpf ogt, %get3A_1050, %select_n3A_1044 : vector<16xf32>
      %not3A_1055 = arith.constant dense<true> : vector<16xi1>
      %not3A_1056 = arith.xori %gt3A_1053, %not3A_1055 : vector<16xi1>
      %and3A_1057 = arith.andi %gt3A_1054, %not3A_1056 : vector<16xi1>
      %select_n3A_1058 = arith.select %and3A_1057, %broadcast_in_dim3A_1052, %select_n3A_1042 : vector<16xi1>, vector<16xi32>
      %select_n3A_1059 = arith.select %gt3A_1053, %select_n3A_1045, %select_n3A_1058 : vector<16xi1>, vector<16xi32>
      %select_n3A_1060 = arith.select %and3A_1057, %get3A_1050, %select_n3A_1044 : vector<16xi1>, vector<16xf32>
      %select_n3A_1061 = arith.select %gt3A_1053, %select_n3A_1046, %select_n3A_1060 : vector<16xi1>, vector<16xf32>
      %select_n3A_1062 = arith.select %gt3A_1053, %broadcast_in_dim3A_1052, %select_n3A_1045 : vector<16xi1>, vector<16xi32>
      %select_n3A_1063 = arith.select %gt3A_1053, %get3A_1050, %select_n3A_1046 : vector<16xi1>, vector<16xf32>
      %get3A_1064 = arith.constant 39 : i32
      %get3A_1065 = arith.index_cast %get3A_1064 : i32 to index
      %get3A_1066 = arith.index_cast %mul3A_17 : i32 to index
      %get3A_1067 = tpu.vector_load %arg6[%get3A_1065, %get3A_1066] {strides = array<i32>} : memref<64x256xf32, #tpu.memory_space<vmem>>, vector<16xf32>,
      %broadcast_in_dim3A_1068 = arith.constant 39 : i32
      %broadcast_in_dim3A_1069 = vector.broadcast %broadcast_in_dim3A_1068 : i32 to vector<16xi32>
      %gt3A_1070 = arith.cmpf ogt, %get3A_1067, %select_n3A_1063 : vector<16xf32>
      %gt3A_1071 = arith.cmpf ogt, %get3A_1067, %select_n3A_1061 : vector<16xf32>
      %not3A_1072 = arith.constant dense<true> : vector<16xi1>
      %not3A_1073 = arith.xori %gt3A_1070, %not3A_1072 : vector<16xi1>
      %and3A_1074 = arith.andi %gt3A_1071, %not3A_1073 : vector<16xi1>
      %select_n3A_1075 = arith.select %and3A_1074, %broadcast_in_dim3A_1069, %select_n3A_1059 : vector<16xi1>, vector<16xi32>
      %select_n3A_1076 = arith.select %gt3A_1070, %select_n3A_1062, %select_n3A_1075 : vector<16xi1>, vector<16xi32>
      %select_n3A_1077 = arith.select %and3A_1074, %get3A_1067, %select_n3A_1061 : vector<16xi1>, vector<16xf32>
      %select_n3A_1078 = arith.select %gt3A_1070, %select_n3A_1063, %select_n3A_1077 : vector<16xi1>, vector<16xf32>
      %select_n3A_1079 = arith.select %gt3A_1070, %broadcast_in_dim3A_1069, %select_n3A_1062 : vector<16xi1>, vector<16xi32>
      %select_n3A_1080 = arith.select %gt3A_1070, %get3A_1067, %select_n3A_1063 : vector<16xi1>, vector<16xf32>
      %get3A_1081 = arith.constant 40 : i32
      %get3A_1082 = arith.index_cast %get3A_1081 : i32 to index
      %get3A_1083 = arith.index_cast %mul3A_17 : i32 to index
      %get3A_1084 = tpu.vector_load %arg6[%get3A_1082, %get3A_1083] {strides = array<i32>} : memref<64x256xf32, #tpu.memory_space<vmem>>, vector<16xf32>,
      %broadcast_in_dim3A_1085 = arith.constant 40 : i32
      %broadcast_in_dim3A_1086 = vector.broadcast %broadcast_in_dim3A_1085 : i32 to vector<16xi32>
      %gt3A_1087 = arith.cmpf ogt, %get3A_1084, %select_n3A_1080 : vector<16xf32>
      %gt3A_1088 = arith.cmpf ogt, %get3A_1084, %select_n3A_1078 : vector<16xf32>
      %not3A_1089 = arith.constant dense<true> : vector<16xi1>
      %not3A_1090 = arith.xori %gt3A_1087, %not3A_1089 : vector<16xi1>
      %and3A_1091 = arith.andi %gt3A_1088, %not3A_1090 : vector<16xi1>
      %select_n3A_1092 = arith.select %and3A_1091, %broadcast_in_dim3A_1086, %select_n3A_1076 : vector<16xi1>, vector<16xi32>
      %select_n3A_1093 = arith.select %gt3A_1087, %select_n3A_1079, %select_n3A_1092 : vector<16xi1>, vector<16xi32>
      %select_n3A_1094 = arith.select %and3A_1091, %get3A_1084, %select_n3A_1078 : vector<16xi1>, vector<16xf32>
      %select_n3A_1095 = arith.select %gt3A_1087, %select_n3A_1080, %select_n3A_1094 : vector<16xi1>, vector<16xf32>
      %select_n3A_1096 = arith.select %gt3A_1087, %broadcast_in_dim3A_1086, %select_n3A_1079 : vector<16xi1>, vector<16xi32>
      %select_n3A_1097 = arith.select %gt3A_1087, %get3A_1084, %select_n3A_1080 : vector<16xi1>, vector<16xf32>
      %get3A_1098 = arith.constant 41 : i32
      %get3A_1099 = arith.index_cast %get3A_1098 : i32 to index
      %get3A_1100 = arith.index_cast %mul3A_17 : i32 to index
      %get3A_1101 = tpu.vector_load %arg6[%get3A_1099, %get3A_1100] {strides = array<i32>} : memref<64x256xf32, #tpu.memory_space<vmem>>, vector<16xf32>,
      %broadcast_in_dim3A_1102 = arith.constant 41 : i32
      %broadcast_in_dim3A_1103 = vector.broadcast %broadcast_in_dim3A_1102 : i32 to vector<16xi32>
      %gt3A_1104 = arith.cmpf ogt, %get3A_1101, %select_n3A_1097 : vector<16xf32>
      %gt3A_1105 = arith.cmpf ogt, %get3A_1101, %select_n3A_1095 : vector<16xf32>
      %not3A_1106 = arith.constant dense<true> : vector<16xi1>
      %not3A_1107 = arith.xori %gt3A_1104, %not3A_1106 : vector<16xi1>
      %and3A_1108 = arith.andi %gt3A_1105, %not3A_1107 : vector<16xi1>
      %select_n3A_1109 = arith.select %and3A_1108, %broadcast_in_dim3A_1103, %select_n3A_1093 : vector<16xi1>, vector<16xi32>
      %select_n3A_1110 = arith.select %gt3A_1104, %select_n3A_1096, %select_n3A_1109 : vector<16xi1>, vector<16xi32>
      %select_n3A_1111 = arith.select %and3A_1108, %get3A_1101, %select_n3A_1095 : vector<16xi1>, vector<16xf32>
      %select_n3A_1112 = arith.select %gt3A_1104, %select_n3A_1097, %select_n3A_1111 : vector<16xi1>, vector<16xf32>
      %select_n3A_1113 = arith.select %gt3A_1104, %broadcast_in_dim3A_1103, %select_n3A_1096 : vector<16xi1>, vector<16xi32>
      %select_n3A_1114 = arith.select %gt3A_1104, %get3A_1101, %select_n3A_1097 : vector<16xi1>, vector<16xf32>
      %get3A_1115 = arith.constant 42 : i32
      %get3A_1116 = arith.index_cast %get3A_1115 : i32 to index
      %get3A_1117 = arith.index_cast %mul3A_17 : i32 to index
      %get3A_1118 = tpu.vector_load %arg6[%get3A_1116, %get3A_1117] {strides = array<i32>} : memref<64x256xf32, #tpu.memory_space<vmem>>, vector<16xf32>,
      %broadcast_in_dim3A_1119 = arith.constant 42 : i32
      %broadcast_in_dim3A_1120 = vector.broadcast %broadcast_in_dim3A_1119 : i32 to vector<16xi32>
      %gt3A_1121 = arith.cmpf ogt, %get3A_1118, %select_n3A_1114 : vector<16xf32>
      %gt3A_1122 = arith.cmpf ogt, %get3A_1118, %select_n3A_1112 : vector<16xf32>
      %not3A_1123 = arith.constant dense<true> : vector<16xi1>
      %not3A_1124 = arith.xori %gt3A_1121, %not3A_1123 : vector<16xi1>
      %and3A_1125 = arith.andi %gt3A_1122, %not3A_1124 : vector<16xi1>
      %select_n3A_1126 = arith.select %and3A_1125, %broadcast_in_dim3A_1120, %select_n3A_1110 : vector<16xi1>, vector<16xi32>
      %select_n3A_1127 = arith.select %gt3A_1121, %select_n3A_1113, %select_n3A_1126 : vector<16xi1>, vector<16xi32>
      %select_n3A_1128 = arith.select %and3A_1125, %get3A_1118, %select_n3A_1112 : vector<16xi1>, vector<16xf32>
      %select_n3A_1129 = arith.select %gt3A_1121, %select_n3A_1114, %select_n3A_1128 : vector<16xi1>, vector<16xf32>
      %select_n3A_1130 = arith.select %gt3A_1121, %broadcast_in_dim3A_1120, %select_n3A_1113 : vector<16xi1>, vector<16xi32>
      %select_n3A_1131 = arith.select %gt3A_1121, %get3A_1118, %select_n3A_1114 : vector<16xi1>, vector<16xf32>
      %get3A_1132 = arith.constant 43 : i32
      %get3A_1133 = arith.index_cast %get3A_1132 : i32 to index
      %get3A_1134 = arith.index_cast %mul3A_17 : i32 to index
      %get3A_1135 = tpu.vector_load %arg6[%get3A_1133, %get3A_1134] {strides = array<i32>} : memref<64x256xf32, #tpu.memory_space<vmem>>, vector<16xf32>,
      %broadcast_in_dim3A_1136 = arith.constant 43 : i32
      %broadcast_in_dim3A_1137 = vector.broadcast %broadcast_in_dim3A_1136 : i32 to vector<16xi32>
      %gt3A_1138 = arith.cmpf ogt, %get3A_1135, %select_n3A_1131 : vector<16xf32>
      %gt3A_1139 = arith.cmpf ogt, %get3A_1135, %select_n3A_1129 : vector<16xf32>
      %not3A_1140 = arith.constant dense<true> : vector<16xi1>
      %not3A_1141 = arith.xori %gt3A_1138, %not3A_1140 : vector<16xi1>
      %and3A_1142 = arith.andi %gt3A_1139, %not3A_1141 : vector<16xi1>
      %select_n3A_1143 = arith.select %and3A_1142, %broadcast_in_dim3A_1137, %select_n3A_1127 : vector<16xi1>, vector<16xi32>
      %select_n3A_1144 = arith.select %gt3A_1138, %select_n3A_1130, %select_n3A_1143 : vector<16xi1>, vector<16xi32>
      %select_n3A_1145 = arith.select %and3A_1142, %get3A_1135, %select_n3A_1129 : vector<16xi1>, vector<16xf32>
      %select_n3A_1146 = arith.select %gt3A_1138, %select_n3A_1131, %select_n3A_1145 : vector<16xi1>, vector<16xf32>
      %select_n3A_1147 = arith.select %gt3A_1138, %broadcast_in_dim3A_1137, %select_n3A_1130 : vector<16xi1>, vector<16xi32>
      %select_n3A_1148 = arith.select %gt3A_1138, %get3A_1135, %select_n3A_1131 : vector<16xi1>, vector<16xf32>
      %get3A_1149 = arith.constant 44 : i32
      %get3A_1150 = arith.index_cast %get3A_1149 : i32 to index
      %get3A_1151 = arith.index_cast %mul3A_17 : i32 to index
      %get3A_1152 = tpu.vector_load %arg6[%get3A_1150, %get3A_1151] {strides = array<i32>} : memref<64x256xf32, #tpu.memory_space<vmem>>, vector<16xf32>,
      %broadcast_in_dim3A_1153 = arith.constant 44 : i32
      %broadcast_in_dim3A_1154 = vector.broadcast %broadcast_in_dim3A_1153 : i32 to vector<16xi32>
      %gt3A_1155 = arith.cmpf ogt, %get3A_1152, %select_n3A_1148 : vector<16xf32>
      %gt3A_1156 = arith.cmpf ogt, %get3A_1152, %select_n3A_1146 : vector<16xf32>
      %not3A_1157 = arith.constant dense<true> : vector<16xi1>
      %not3A_1158 = arith.xori %gt3A_1155, %not3A_1157 : vector<16xi1>
      %and3A_1159 = arith.andi %gt3A_1156, %not3A_1158 : vector<16xi1>
      %select_n3A_1160 = arith.select %and3A_1159, %broadcast_in_dim3A_1154, %select_n3A_1144 : vector<16xi1>, vector<16xi32>
      %select_n3A_1161 = arith.select %gt3A_1155, %select_n3A_1147, %select_n3A_1160 : vector<16xi1>, vector<16xi32>
      %select_n3A_1162 = arith.select %and3A_1159, %get3A_1152, %select_n3A_1146 : vector<16xi1>, vector<16xf32>
      %select_n3A_1163 = arith.select %gt3A_1155, %select_n3A_1148, %select_n3A_1162 : vector<16xi1>, vector<16xf32>
      %select_n3A_1164 = arith.select %gt3A_1155, %broadcast_in_dim3A_1154, %select_n3A_1147 : vector<16xi1>, vector<16xi32>
      %select_n3A_1165 = arith.select %gt3A_1155, %get3A_1152, %select_n3A_1148 : vector<16xi1>, vector<16xf32>
      %get3A_1166 = arith.constant 45 : i32
      %get3A_1167 = arith.index_cast %get3A_1166 : i32 to index
      %get3A_1168 = arith.index_cast %mul3A_17 : i32 to index
      %get3A_1169 = tpu.vector_load %arg6[%get3A_1167, %get3A_1168] {strides = array<i32>} : memref<64x256xf32, #tpu.memory_space<vmem>>, vector<16xf32>,
      %broadcast_in_dim3A_1170 = arith.constant 45 : i32
      %broadcast_in_dim3A_1171 = vector.broadcast %broadcast_in_dim3A_1170 : i32 to vector<16xi32>
      %gt3A_1172 = arith.cmpf ogt, %get3A_1169, %select_n3A_1165 : vector<16xf32>
      %gt3A_1173 = arith.cmpf ogt, %get3A_1169, %select_n3A_1163 : vector<16xf32>
      %not3A_1174 = arith.constant dense<true> : vector<16xi1>
      %not3A_1175 = arith.xori %gt3A_1172, %not3A_1174 : vector<16xi1>
      %and3A_1176 = arith.andi %gt3A_1173, %not3A_1175 : vector<16xi1>
      %select_n3A_1177 = arith.select %and3A_1176, %broadcast_in_dim3A_1171, %select_n3A_1161 : vector<16xi1>, vector<16xi32>
      %select_n3A_1178 = arith.select %gt3A_1172, %select_n3A_1164, %select_n3A_1177 : vector<16xi1>, vector<16xi32>
      %select_n3A_1179 = arith.select %and3A_1176, %get3A_1169, %select_n3A_1163 : vector<16xi1>, vector<16xf32>
      %select_n3A_1180 = arith.select %gt3A_1172, %select_n3A_1165, %select_n3A_1179 : vector<16xi1>, vector<16xf32>
      %select_n3A_1181 = arith.select %gt3A_1172, %broadcast_in_dim3A_1171, %select_n3A_1164 : vector<16xi1>, vector<16xi32>
      %select_n3A_1182 = arith.select %gt3A_1172, %get3A_1169, %select_n3A_1165 : vector<16xi1>, vector<16xf32>
      %get3A_1183 = arith.constant 46 : i32
      %get3A_1184 = arith.index_cast %get3A_1183 : i32 to index
      %get3A_1185 = arith.index_cast %mul3A_17 : i32 to index
      %get3A_1186 = tpu.vector_load %arg6[%get3A_1184, %get3A_1185] {strides = array<i32>} : memref<64x256xf32, #tpu.memory_space<vmem>>, vector<16xf32>,
      %broadcast_in_dim3A_1187 = arith.constant 46 : i32
      %broadcast_in_dim3A_1188 = vector.broadcast %broadcast_in_dim3A_1187 : i32 to vector<16xi32>
      %gt3A_1189 = arith.cmpf ogt, %get3A_1186, %select_n3A_1182 : vector<16xf32>
      %gt3A_1190 = arith.cmpf ogt, %get3A_1186, %select_n3A_1180 : vector<16xf32>
      %not3A_1191 = arith.constant dense<true> : vector<16xi1>
      %not3A_1192 = arith.xori %gt3A_1189, %not3A_1191 : vector<16xi1>
      %and3A_1193 = arith.andi %gt3A_1190, %not3A_1192 : vector<16xi1>
      %select_n3A_1194 = arith.select %and3A_1193, %broadcast_in_dim3A_1188, %select_n3A_1178 : vector<16xi1>, vector<16xi32>
      %select_n3A_1195 = arith.select %gt3A_1189, %select_n3A_1181, %select_n3A_1194 : vector<16xi1>, vector<16xi32>
      %select_n3A_1196 = arith.select %and3A_1193, %get3A_1186, %select_n3A_1180 : vector<16xi1>, vector<16xf32>
      %select_n3A_1197 = arith.select %gt3A_1189, %select_n3A_1182, %select_n3A_1196 : vector<16xi1>, vector<16xf32>
      %select_n3A_1198 = arith.select %gt3A_1189, %broadcast_in_dim3A_1188, %select_n3A_1181 : vector<16xi1>, vector<16xi32>
      %select_n3A_1199 = arith.select %gt3A_1189, %get3A_1186, %select_n3A_1182 : vector<16xi1>, vector<16xf32>
      %get3A_1200 = arith.constant 47 : i32
      %get3A_1201 = arith.index_cast %get3A_1200 : i32 to index
      %get3A_1202 = arith.index_cast %mul3A_17 : i32 to index
      %get3A_1203 = tpu.vector_load %arg6[%get3A_1201, %get3A_1202] {strides = array<i32>} : memref<64x256xf32, #tpu.memory_space<vmem>>, vector<16xf32>,
      %broadcast_in_dim3A_1204 = arith.constant 47 : i32
      %broadcast_in_dim3A_1205 = vector.broadcast %broadcast_in_dim3A_1204 : i32 to vector<16xi32>
      %gt3A_1206 = arith.cmpf ogt, %get3A_1203, %select_n3A_1199 : vector<16xf32>
      %gt3A_1207 = arith.cmpf ogt, %get3A_1203, %select_n3A_1197 : vector<16xf32>
      %not3A_1208 = arith.constant dense<true> : vector<16xi1>
      %not3A_1209 = arith.xori %gt3A_1206, %not3A_1208 : vector<16xi1>
      %and3A_1210 = arith.andi %gt3A_1207, %not3A_1209 : vector<16xi1>
      %select_n3A_1211 = arith.select %and3A_1210, %broadcast_in_dim3A_1205, %select_n3A_1195 : vector<16xi1>, vector<16xi32>
      %select_n3A_1212 = arith.select %gt3A_1206, %select_n3A_1198, %select_n3A_1211 : vector<16xi1>, vector<16xi32>
      %select_n3A_1213 = arith.select %and3A_1210, %get3A_1203, %select_n3A_1197 : vector<16xi1>, vector<16xf32>
      %select_n3A_1214 = arith.select %gt3A_1206, %select_n3A_1199, %select_n3A_1213 : vector<16xi1>, vector<16xf32>
      %select_n3A_1215 = arith.select %gt3A_1206, %broadcast_in_dim3A_1205, %select_n3A_1198 : vector<16xi1>, vector<16xi32>
      %select_n3A_1216 = arith.select %gt3A_1206, %get3A_1203, %select_n3A_1199 : vector<16xi1>, vector<16xf32>
      %get3A_1217 = arith.constant 48 : i32
      %get3A_1218 = arith.index_cast %get3A_1217 : i32 to index
      %get3A_1219 = arith.index_cast %mul3A_17 : i32 to index
      %get3A_1220 = tpu.vector_load %arg6[%get3A_1218, %get3A_1219] {strides = array<i32>} : memref<64x256xf32, #tpu.memory_space<vmem>>, vector<16xf32>,
      %broadcast_in_dim3A_1221 = arith.constant 48 : i32
      %broadcast_in_dim3A_1222 = vector.broadcast %broadcast_in_dim3A_1221 : i32 to vector<16xi32>
      %gt3A_1223 = arith.cmpf ogt, %get3A_1220, %select_n3A_1216 : vector<16xf32>
      %gt3A_1224 = arith.cmpf ogt, %get3A_1220, %select_n3A_1214 : vector<16xf32>
      %not3A_1225 = arith.constant dense<true> : vector<16xi1>
      %not3A_1226 = arith.xori %gt3A_1223, %not3A_1225 : vector<16xi1>
      %and3A_1227 = arith.andi %gt3A_1224, %not3A_1226 : vector<16xi1>
      %select_n3A_1228 = arith.select %and3A_1227, %broadcast_in_dim3A_1222, %select_n3A_1212 : vector<16xi1>, vector<16xi32>
      %select_n3A_1229 = arith.select %gt3A_1223, %select_n3A_1215, %select_n3A_1228 : vector<16xi1>, vector<16xi32>
      %select_n3A_1230 = arith.select %and3A_1227, %get3A_1220, %select_n3A_1214 : vector<16xi1>, vector<16xf32>
      %select_n3A_1231 = arith.select %gt3A_1223, %select_n3A_1216, %select_n3A_1230 : vector<16xi1>, vector<16xf32>
      %select_n3A_1232 = arith.select %gt3A_1223, %broadcast_in_dim3A_1222, %select_n3A_1215 : vector<16xi1>, vector<16xi32>
      %select_n3A_1233 = arith.select %gt3A_1223, %get3A_1220, %select_n3A_1216 : vector<16xi1>, vector<16xf32>
      %get3A_1234 = arith.constant 49 : i32
      %get3A_1235 = arith.index_cast %get3A_1234 : i32 to index
      %get3A_1236 = arith.index_cast %mul3A_17 : i32 to index
      %get3A_1237 = tpu.vector_load %arg6[%get3A_1235, %get3A_1236] {strides = array<i32>} : memref<64x256xf32, #tpu.memory_space<vmem>>, vector<16xf32>,
      %broadcast_in_dim3A_1238 = arith.constant 49 : i32
      %broadcast_in_dim3A_1239 = vector.broadcast %broadcast_in_dim3A_1238 : i32 to vector<16xi32>
      %gt3A_1240 = arith.cmpf ogt, %get3A_1237, %select_n3A_1233 : vector<16xf32>
      %gt3A_1241 = arith.cmpf ogt, %get3A_1237, %select_n3A_1231 : vector<16xf32>
      %not3A_1242 = arith.constant dense<true> : vector<16xi1>
      %not3A_1243 = arith.xori %gt3A_1240, %not3A_1242 : vector<16xi1>
      %and3A_1244 = arith.andi %gt3A_1241, %not3A_1243 : vector<16xi1>
      %select_n3A_1245 = arith.select %and3A_1244, %broadcast_in_dim3A_1239, %select_n3A_1229 : vector<16xi1>, vector<16xi32>
      %select_n3A_1246 = arith.select %gt3A_1240, %select_n3A_1232, %select_n3A_1245 : vector<16xi1>, vector<16xi32>
      %select_n3A_1247 = arith.select %and3A_1244, %get3A_1237, %select_n3A_1231 : vector<16xi1>, vector<16xf32>
      %select_n3A_1248 = arith.select %gt3A_1240, %select_n3A_1233, %select_n3A_1247 : vector<16xi1>, vector<16xf32>
      %select_n3A_1249 = arith.select %gt3A_1240, %broadcast_in_dim3A_1239, %select_n3A_1232 : vector<16xi1>, vector<16xi32>
      %select_n3A_1250 = arith.select %gt3A_1240, %get3A_1237, %select_n3A_1233 : vector<16xi1>, vector<16xf32>
      %get3A_1251 = arith.constant 50 : i32
      %get3A_1252 = arith.index_cast %get3A_1251 : i32 to index
      %get3A_1253 = arith.index_cast %mul3A_17 : i32 to index
      %get3A_1254 = tpu.vector_load %arg6[%get3A_1252, %get3A_1253] {strides = array<i32>} : memref<64x256xf32, #tpu.memory_space<vmem>>, vector<16xf32>,
      %broadcast_in_dim3A_1255 = arith.constant 50 : i32
      %broadcast_in_dim3A_1256 = vector.broadcast %broadcast_in_dim3A_1255 : i32 to vector<16xi32>
      %gt3A_1257 = arith.cmpf ogt, %get3A_1254, %select_n3A_1250 : vector<16xf32>
      %gt3A_1258 = arith.cmpf ogt, %get3A_1254, %select_n3A_1248 : vector<16xf32>
      %not3A_1259 = arith.constant dense<true> : vector<16xi1>
      %not3A_1260 = arith.xori %gt3A_1257, %not3A_1259 : vector<16xi1>
      %and3A_1261 = arith.andi %gt3A_1258, %not3A_1260 : vector<16xi1>
      %select_n3A_1262 = arith.select %and3A_1261, %broadcast_in_dim3A_1256, %select_n3A_1246 : vector<16xi1>, vector<16xi32>
      %select_n3A_1263 = arith.select %gt3A_1257, %select_n3A_1249, %select_n3A_1262 : vector<16xi1>, vector<16xi32>
      %select_n3A_1264 = arith.select %and3A_1261, %get3A_1254, %select_n3A_1248 : vector<16xi1>, vector<16xf32>
      %select_n3A_1265 = arith.select %gt3A_1257, %select_n3A_1250, %select_n3A_1264 : vector<16xi1>, vector<16xf32>
      %select_n3A_1266 = arith.select %gt3A_1257, %broadcast_in_dim3A_1256, %select_n3A_1249 : vector<16xi1>, vector<16xi32>
      %select_n3A_1267 = arith.select %gt3A_1257, %get3A_1254, %select_n3A_1250 : vector<16xi1>, vector<16xf32>
      %get3A_1268 = arith.constant 51 : i32
      %get3A_1269 = arith.index_cast %get3A_1268 : i32 to index
      %get3A_1270 = arith.index_cast %mul3A_17 : i32 to index
      %get3A_1271 = tpu.vector_load %arg6[%get3A_1269, %get3A_1270] {strides = array<i32>} : memref<64x256xf32, #tpu.memory_space<vmem>>, vector<16xf32>,
      %broadcast_in_dim3A_1272 = arith.constant 51 : i32
      %broadcast_in_dim3A_1273 = vector.broadcast %broadcast_in_dim3A_1272 : i32 to vector<16xi32>
      %gt3A_1274 = arith.cmpf ogt, %get3A_1271, %select_n3A_1267 : vector<16xf32>
      %gt3A_1275 = arith.cmpf ogt, %get3A_1271, %select_n3A_1265 : vector<16xf32>
      %not3A_1276 = arith.constant dense<true> : vector<16xi1>
      %not3A_1277 = arith.xori %gt3A_1274, %not3A_1276 : vector<16xi1>
      %and3A_1278 = arith.andi %gt3A_1275, %not3A_1277 : vector<16xi1>
      %select_n3A_1279 = arith.select %and3A_1278, %broadcast_in_dim3A_1273, %select_n3A_1263 : vector<16xi1>, vector<16xi32>
      %select_n3A_1280 = arith.select %gt3A_1274, %select_n3A_1266, %select_n3A_1279 : vector<16xi1>, vector<16xi32>
      %select_n3A_1281 = arith.select %and3A_1278, %get3A_1271, %select_n3A_1265 : vector<16xi1>, vector<16xf32>
      %select_n3A_1282 = arith.select %gt3A_1274, %select_n3A_1267, %select_n3A_1281 : vector<16xi1>, vector<16xf32>
      %select_n3A_1283 = arith.select %gt3A_1274, %broadcast_in_dim3A_1273, %select_n3A_1266 : vector<16xi1>, vector<16xi32>
      %select_n3A_1284 = arith.select %gt3A_1274, %get3A_1271, %select_n3A_1267 : vector<16xi1>, vector<16xf32>
      %get3A_1285 = arith.constant 52 : i32
      %get3A_1286 = arith.index_cast %get3A_1285 : i32 to index
      %get3A_1287 = arith.index_cast %mul3A_17 : i32 to index
      %get3A_1288 = tpu.vector_load %arg6[%get3A_1286, %get3A_1287] {strides = array<i32>} : memref<64x256xf32, #tpu.memory_space<vmem>>, vector<16xf32>,
      %broadcast_in_dim3A_1289 = arith.constant 52 : i32
      %broadcast_in_dim3A_1290 = vector.broadcast %broadcast_in_dim3A_1289 : i32 to vector<16xi32>
      %gt3A_1291 = arith.cmpf ogt, %get3A_1288, %select_n3A_1284 : vector<16xf32>
      %gt3A_1292 = arith.cmpf ogt, %get3A_1288, %select_n3A_1282 : vector<16xf32>
      %not3A_1293 = arith.constant dense<true> : vector<16xi1>
      %not3A_1294 = arith.xori %gt3A_1291, %not3A_1293 : vector<16xi1>
      %and3A_1295 = arith.andi %gt3A_1292, %not3A_1294 : vector<16xi1>
      %select_n3A_1296 = arith.select %and3A_1295, %broadcast_in_dim3A_1290, %select_n3A_1280 : vector<16xi1>, vector<16xi32>
      %select_n3A_1297 = arith.select %gt3A_1291, %select_n3A_1283, %select_n3A_1296 : vector<16xi1>, vector<16xi32>
      %select_n3A_1298 = arith.select %and3A_1295, %get3A_1288, %select_n3A_1282 : vector<16xi1>, vector<16xf32>
      %select_n3A_1299 = arith.select %gt3A_1291, %select_n3A_1284, %select_n3A_1298 : vector<16xi1>, vector<16xf32>
      %select_n3A_1300 = arith.select %gt3A_1291, %broadcast_in_dim3A_1290, %select_n3A_1283 : vector<16xi1>, vector<16xi32>
      %select_n3A_1301 = arith.select %gt3A_1291, %get3A_1288, %select_n3A_1284 : vector<16xi1>, vector<16xf32>
      %get3A_1302 = arith.constant 53 : i32
      %get3A_1303 = arith.index_cast %get3A_1302 : i32 to index
      %get3A_1304 = arith.index_cast %mul3A_17 : i32 to index
      %get3A_1305 = tpu.vector_load %arg6[%get3A_1303, %get3A_1304] {strides = array<i32>} : memref<64x256xf32, #tpu.memory_space<vmem>>, vector<16xf32>,
      %broadcast_in_dim3A_1306 = arith.constant 53 : i32
      %broadcast_in_dim3A_1307 = vector.broadcast %broadcast_in_dim3A_1306 : i32 to vector<16xi32>
      %gt3A_1308 = arith.cmpf ogt, %get3A_1305, %select_n3A_1301 : vector<16xf32>
      %gt3A_1309 = arith.cmpf ogt, %get3A_1305, %select_n3A_1299 : vector<16xf32>
      %not3A_1310 = arith.constant dense<true> : vector<16xi1>
      %not3A_1311 = arith.xori %gt3A_1308, %not3A_1310 : vector<16xi1>
      %and3A_1312 = arith.andi %gt3A_1309, %not3A_1311 : vector<16xi1>
      %select_n3A_1313 = arith.select %and3A_1312, %broadcast_in_dim3A_1307, %select_n3A_1297 : vector<16xi1>, vector<16xi32>
      %select_n3A_1314 = arith.select %gt3A_1308, %select_n3A_1300, %select_n3A_1313 : vector<16xi1>, vector<16xi32>
      %select_n3A_1315 = arith.select %and3A_1312, %get3A_1305, %select_n3A_1299 : vector<16xi1>, vector<16xf32>
      %select_n3A_1316 = arith.select %gt3A_1308, %select_n3A_1301, %select_n3A_1315 : vector<16xi1>, vector<16xf32>
      %select_n3A_1317 = arith.select %gt3A_1308, %broadcast_in_dim3A_1307, %select_n3A_1300 : vector<16xi1>, vector<16xi32>
      %select_n3A_1318 = arith.select %gt3A_1308, %get3A_1305, %select_n3A_1301 : vector<16xi1>, vector<16xf32>
      %get3A_1319 = arith.constant 54 : i32
      %get3A_1320 = arith.index_cast %get3A_1319 : i32 to index
      %get3A_1321 = arith.index_cast %mul3A_17 : i32 to index
      %get3A_1322 = tpu.vector_load %arg6[%get3A_1320, %get3A_1321] {strides = array<i32>} : memref<64x256xf32, #tpu.memory_space<vmem>>, vector<16xf32>,
      %broadcast_in_dim3A_1323 = arith.constant 54 : i32
      %broadcast_in_dim3A_1324 = vector.broadcast %broadcast_in_dim3A_1323 : i32 to vector<16xi32>
      %gt3A_1325 = arith.cmpf ogt, %get3A_1322, %select_n3A_1318 : vector<16xf32>
      %gt3A_1326 = arith.cmpf ogt, %get3A_1322, %select_n3A_1316 : vector<16xf32>
      %not3A_1327 = arith.constant dense<true> : vector<16xi1>
      %not3A_1328 = arith.xori %gt3A_1325, %not3A_1327 : vector<16xi1>
      %and3A_1329 = arith.andi %gt3A_1326, %not3A_1328 : vector<16xi1>
      %select_n3A_1330 = arith.select %and3A_1329, %broadcast_in_dim3A_1324, %select_n3A_1314 : vector<16xi1>, vector<16xi32>
      %select_n3A_1331 = arith.select %gt3A_1325, %select_n3A_1317, %select_n3A_1330 : vector<16xi1>, vector<16xi32>
      %select_n3A_1332 = arith.select %and3A_1329, %get3A_1322, %select_n3A_1316 : vector<16xi1>, vector<16xf32>
      %select_n3A_1333 = arith.select %gt3A_1325, %select_n3A_1318, %select_n3A_1332 : vector<16xi1>, vector<16xf32>
      %select_n3A_1334 = arith.select %gt3A_1325, %broadcast_in_dim3A_1324, %select_n3A_1317 : vector<16xi1>, vector<16xi32>
      %select_n3A_1335 = arith.select %gt3A_1325, %get3A_1322, %select_n3A_1318 : vector<16xi1>, vector<16xf32>
      %get3A_1336 = arith.constant 55 : i32
      %get3A_1337 = arith.index_cast %get3A_1336 : i32 to index
      %get3A_1338 = arith.index_cast %mul3A_17 : i32 to index
      %get3A_1339 = tpu.vector_load %arg6[%get3A_1337, %get3A_1338] {strides = array<i32>} : memref<64x256xf32, #tpu.memory_space<vmem>>, vector<16xf32>,
      %broadcast_in_dim3A_1340 = arith.constant 55 : i32
      %broadcast_in_dim3A_1341 = vector.broadcast %broadcast_in_dim3A_1340 : i32 to vector<16xi32>
      %gt3A_1342 = arith.cmpf ogt, %get3A_1339, %select_n3A_1335 : vector<16xf32>
      %gt3A_1343 = arith.cmpf ogt, %get3A_1339, %select_n3A_1333 : vector<16xf32>
      %not3A_1344 = arith.constant dense<true> : vector<16xi1>
      %not3A_1345 = arith.xori %gt3A_1342, %not3A_1344 : vector<16xi1>
      %and3A_1346 = arith.andi %gt3A_1343, %not3A_1345 : vector<16xi1>
      %select_n3A_1347 = arith.select %and3A_1346, %broadcast_in_dim3A_1341, %select_n3A_1331 : vector<16xi1>, vector<16xi32>
      %select_n3A_1348 = arith.select %gt3A_1342, %select_n3A_1334, %select_n3A_1347 : vector<16xi1>, vector<16xi32>
      %select_n3A_1349 = arith.select %and3A_1346, %get3A_1339, %select_n3A_1333 : vector<16xi1>, vector<16xf32>
      %select_n3A_1350 = arith.select %gt3A_1342, %select_n3A_1335, %select_n3A_1349 : vector<16xi1>, vector<16xf32>
      %select_n3A_1351 = arith.select %gt3A_1342, %broadcast_in_dim3A_1341, %select_n3A_1334 : vector<16xi1>, vector<16xi32>
      %select_n3A_1352 = arith.select %gt3A_1342, %get3A_1339, %select_n3A_1335 : vector<16xi1>, vector<16xf32>
      %get3A_1353 = arith.constant 56 : i32
      %get3A_1354 = arith.index_cast %get3A_1353 : i32 to index
      %get3A_1355 = arith.index_cast %mul3A_17 : i32 to index
      %get3A_1356 = tpu.vector_load %arg6[%get3A_1354, %get3A_1355] {strides = array<i32>} : memref<64x256xf32, #tpu.memory_space<vmem>>, vector<16xf32>,
      %broadcast_in_dim3A_1357 = arith.constant 56 : i32
      %broadcast_in_dim3A_1358 = vector.broadcast %broadcast_in_dim3A_1357 : i32 to vector<16xi32>
      %gt3A_1359 = arith.cmpf ogt, %get3A_1356, %select_n3A_1352 : vector<16xf32>
      %gt3A_1360 = arith.cmpf ogt, %get3A_1356, %select_n3A_1350 : vector<16xf32>
      %not3A_1361 = arith.constant dense<true> : vector<16xi1>
      %not3A_1362 = arith.xori %gt3A_1359, %not3A_1361 : vector<16xi1>
      %and3A_1363 = arith.andi %gt3A_1360, %not3A_1362 : vector<16xi1>
      %select_n3A_1364 = arith.select %and3A_1363, %broadcast_in_dim3A_1358, %select_n3A_1348 : vector<16xi1>, vector<16xi32>
      %select_n3A_1365 = arith.select %gt3A_1359, %select_n3A_1351, %select_n3A_1364 : vector<16xi1>, vector<16xi32>
      %select_n3A_1366 = arith.select %and3A_1363, %get3A_1356, %select_n3A_1350 : vector<16xi1>, vector<16xf32>
      %select_n3A_1367 = arith.select %gt3A_1359, %select_n3A_1352, %select_n3A_1366 : vector<16xi1>, vector<16xf32>
      %select_n3A_1368 = arith.select %gt3A_1359, %broadcast_in_dim3A_1358, %select_n3A_1351 : vector<16xi1>, vector<16xi32>
      %select_n3A_1369 = arith.select %gt3A_1359, %get3A_1356, %select_n3A_1352 : vector<16xi1>, vector<16xf32>
      %get3A_1370 = arith.constant 57 : i32
      %get3A_1371 = arith.index_cast %get3A_1370 : i32 to index
      %get3A_1372 = arith.index_cast %mul3A_17 : i32 to index
      %get3A_1373 = tpu.vector_load %arg6[%get3A_1371, %get3A_1372] {strides = array<i32>} : memref<64x256xf32, #tpu.memory_space<vmem>>, vector<16xf32>,
      %broadcast_in_dim3A_1374 = arith.constant 57 : i32
      %broadcast_in_dim3A_1375 = vector.broadcast %broadcast_in_dim3A_1374 : i32 to vector<16xi32>
      %gt3A_1376 = arith.cmpf ogt, %get3A_1373, %select_n3A_1369 : vector<16xf32>
      %gt3A_1377 = arith.cmpf ogt, %get3A_1373, %select_n3A_1367 : vector<16xf32>
      %not3A_1378 = arith.constant dense<true> : vector<16xi1>
      %not3A_1379 = arith.xori %gt3A_1376, %not3A_1378 : vector<16xi1>
      %and3A_1380 = arith.andi %gt3A_1377, %not3A_1379 : vector<16xi1>
      %select_n3A_1381 = arith.select %and3A_1380, %broadcast_in_dim3A_1375, %select_n3A_1365 : vector<16xi1>, vector<16xi32>
      %select_n3A_1382 = arith.select %gt3A_1376, %select_n3A_1368, %select_n3A_1381 : vector<16xi1>, vector<16xi32>
      %select_n3A_1383 = arith.select %and3A_1380, %get3A_1373, %select_n3A_1367 : vector<16xi1>, vector<16xf32>
      %select_n3A_1384 = arith.select %gt3A_1376, %select_n3A_1369, %select_n3A_1383 : vector<16xi1>, vector<16xf32>
      %select_n3A_1385 = arith.select %gt3A_1376, %broadcast_in_dim3A_1375, %select_n3A_1368 : vector<16xi1>, vector<16xi32>
      %select_n3A_1386 = arith.select %gt3A_1376, %get3A_1373, %select_n3A_1369 : vector<16xi1>, vector<16xf32>
      %get3A_1387 = arith.constant 58 : i32
      %get3A_1388 = arith.index_cast %get3A_1387 : i32 to index
      %get3A_1389 = arith.index_cast %mul3A_17 : i32 to index
      %get3A_1390 = tpu.vector_load %arg6[%get3A_1388, %get3A_1389] {strides = array<i32>} : memref<64x256xf32, #tpu.memory_space<vmem>>, vector<16xf32>,
      %broadcast_in_dim3A_1391 = arith.constant 58 : i32
      %broadcast_in_dim3A_1392 = vector.broadcast %broadcast_in_dim3A_1391 : i32 to vector<16xi32>
      %gt3A_1393 = arith.cmpf ogt, %get3A_1390, %select_n3A_1386 : vector<16xf32>
      %gt3A_1394 = arith.cmpf ogt, %get3A_1390, %select_n3A_1384 : vector<16xf32>
      %not3A_1395 = arith.constant dense<true> : vector<16xi1>
      %not3A_1396 = arith.xori %gt3A_1393, %not3A_1395 : vector<16xi1>
      %and3A_1397 = arith.andi %gt3A_1394, %not3A_1396 : vector<16xi1>
      %select_n3A_1398 = arith.select %and3A_1397, %broadcast_in_dim3A_1392, %select_n3A_1382 : vector<16xi1>, vector<16xi32>
      %select_n3A_1399 = arith.select %gt3A_1393, %select_n3A_1385, %select_n3A_1398 : vector<16xi1>, vector<16xi32>
      %select_n3A_1400 = arith.select %and3A_1397, %get3A_1390, %select_n3A_1384 : vector<16xi1>, vector<16xf32>
      %select_n3A_1401 = arith.select %gt3A_1393, %select_n3A_1386, %select_n3A_1400 : vector<16xi1>, vector<16xf32>
      %select_n3A_1402 = arith.select %gt3A_1393, %broadcast_in_dim3A_1392, %select_n3A_1385 : vector<16xi1>, vector<16xi32>
      %select_n3A_1403 = arith.select %gt3A_1393, %get3A_1390, %select_n3A_1386 : vector<16xi1>, vector<16xf32>
      %get3A_1404 = arith.constant 59 : i32
      %get3A_1405 = arith.index_cast %get3A_1404 : i32 to index
      %get3A_1406 = arith.index_cast %mul3A_17 : i32 to index
      %get3A_1407 = tpu.vector_load %arg6[%get3A_1405, %get3A_1406] {strides = array<i32>} : memref<64x256xf32, #tpu.memory_space<vmem>>, vector<16xf32>,
      %broadcast_in_dim3A_1408 = arith.constant 59 : i32
      %broadcast_in_dim3A_1409 = vector.broadcast %broadcast_in_dim3A_1408 : i32 to vector<16xi32>
      %gt3A_1410 = arith.cmpf ogt, %get3A_1407, %select_n3A_1403 : vector<16xf32>
      %gt3A_1411 = arith.cmpf ogt, %get3A_1407, %select_n3A_1401 : vector<16xf32>
      %not3A_1412 = arith.constant dense<true> : vector<16xi1>
      %not3A_1413 = arith.xori %gt3A_1410, %not3A_1412 : vector<16xi1>
      %and3A_1414 = arith.andi %gt3A_1411, %not3A_1413 : vector<16xi1>
      %select_n3A_1415 = arith.select %and3A_1414, %broadcast_in_dim3A_1409, %select_n3A_1399 : vector<16xi1>, vector<16xi32>
      %select_n3A_1416 = arith.select %gt3A_1410, %select_n3A_1402, %select_n3A_1415 : vector<16xi1>, vector<16xi32>
      %select_n3A_1417 = arith.select %and3A_1414, %get3A_1407, %select_n3A_1401 : vector<16xi1>, vector<16xf32>
      %select_n3A_1418 = arith.select %gt3A_1410, %select_n3A_1403, %select_n3A_1417 : vector<16xi1>, vector<16xf32>
      %select_n3A_1419 = arith.select %gt3A_1410, %broadcast_in_dim3A_1409, %select_n3A_1402 : vector<16xi1>, vector<16xi32>
      %select_n3A_1420 = arith.select %gt3A_1410, %get3A_1407, %select_n3A_1403 : vector<16xi1>, vector<16xf32>
      %get3A_1421 = arith.constant 60 : i32
      %get3A_1422 = arith.index_cast %get3A_1421 : i32 to index
      %get3A_1423 = arith.index_cast %mul3A_17 : i32 to index
      %get3A_1424 = tpu.vector_load %arg6[%get3A_1422, %get3A_1423] {strides = array<i32>} : memref<64x256xf32, #tpu.memory_space<vmem>>, vector<16xf32>,
      %broadcast_in_dim3A_1425 = arith.constant 60 : i32
      %broadcast_in_dim3A_1426 = vector.broadcast %broadcast_in_dim3A_1425 : i32 to vector<16xi32>
      %gt3A_1427 = arith.cmpf ogt, %get3A_1424, %select_n3A_1420 : vector<16xf32>
      %gt3A_1428 = arith.cmpf ogt, %get3A_1424, %select_n3A_1418 : vector<16xf32>
      %not3A_1429 = arith.constant dense<true> : vector<16xi1>
      %not3A_1430 = arith.xori %gt3A_1427, %not3A_1429 : vector<16xi1>
      %and3A_1431 = arith.andi %gt3A_1428, %not3A_1430 : vector<16xi1>
      %select_n3A_1432 = arith.select %and3A_1431, %broadcast_in_dim3A_1426, %select_n3A_1416 : vector<16xi1>, vector<16xi32>
      %select_n3A_1433 = arith.select %gt3A_1427, %select_n3A_1419, %select_n3A_1432 : vector<16xi1>, vector<16xi32>
      %select_n3A_1434 = arith.select %and3A_1431, %get3A_1424, %select_n3A_1418 : vector<16xi1>, vector<16xf32>
      %select_n3A_1435 = arith.select %gt3A_1427, %select_n3A_1420, %select_n3A_1434 : vector<16xi1>, vector<16xf32>
      %select_n3A_1436 = arith.select %gt3A_1427, %broadcast_in_dim3A_1426, %select_n3A_1419 : vector<16xi1>, vector<16xi32>
      %select_n3A_1437 = arith.select %gt3A_1427, %get3A_1424, %select_n3A_1420 : vector<16xi1>, vector<16xf32>
      %get3A_1438 = arith.constant 61 : i32
      %get3A_1439 = arith.index_cast %get3A_1438 : i32 to index
      %get3A_1440 = arith.index_cast %mul3A_17 : i32 to index
      %get3A_1441 = tpu.vector_load %arg6[%get3A_1439, %get3A_1440] {strides = array<i32>} : memref<64x256xf32, #tpu.memory_space<vmem>>, vector<16xf32>,
      %broadcast_in_dim3A_1442 = arith.constant 61 : i32
      %broadcast_in_dim3A_1443 = vector.broadcast %broadcast_in_dim3A_1442 : i32 to vector<16xi32>
      %gt3A_1444 = arith.cmpf ogt, %get3A_1441, %select_n3A_1437 : vector<16xf32>
      %gt3A_1445 = arith.cmpf ogt, %get3A_1441, %select_n3A_1435 : vector<16xf32>
      %not3A_1446 = arith.constant dense<true> : vector<16xi1>
      %not3A_1447 = arith.xori %gt3A_1444, %not3A_1446 : vector<16xi1>
      %and3A_1448 = arith.andi %gt3A_1445, %not3A_1447 : vector<16xi1>
      %select_n3A_1449 = arith.select %and3A_1448, %broadcast_in_dim3A_1443, %select_n3A_1433 : vector<16xi1>, vector<16xi32>
      %select_n3A_1450 = arith.select %gt3A_1444, %select_n3A_1436, %select_n3A_1449 : vector<16xi1>, vector<16xi32>
      %select_n3A_1451 = arith.select %and3A_1448, %get3A_1441, %select_n3A_1435 : vector<16xi1>, vector<16xf32>
      %select_n3A_1452 = arith.select %gt3A_1444, %select_n3A_1437, %select_n3A_1451 : vector<16xi1>, vector<16xf32>
      %select_n3A_1453 = arith.select %gt3A_1444, %broadcast_in_dim3A_1443, %select_n3A_1436 : vector<16xi1>, vector<16xi32>
      %select_n3A_1454 = arith.select %gt3A_1444, %get3A_1441, %select_n3A_1437 : vector<16xi1>, vector<16xf32>
      %get3A_1455 = arith.constant 62 : i32
      %get3A_1456 = arith.index_cast %get3A_1455 : i32 to index
      %get3A_1457 = arith.index_cast %mul3A_17 : i32 to index
      %get3A_1458 = tpu.vector_load %arg6[%get3A_1456, %get3A_1457] {strides = array<i32>} : memref<64x256xf32, #tpu.memory_space<vmem>>, vector<16xf32>,
      %broadcast_in_dim3A_1459 = arith.constant 62 : i32
      %broadcast_in_dim3A_1460 = vector.broadcast %broadcast_in_dim3A_1459 : i32 to vector<16xi32>
      %gt3A_1461 = arith.cmpf ogt, %get3A_1458, %select_n3A_1454 : vector<16xf32>
      %gt3A_1462 = arith.cmpf ogt, %get3A_1458, %select_n3A_1452 : vector<16xf32>
      %not3A_1463 = arith.constant dense<true> : vector<16xi1>
      %not3A_1464 = arith.xori %gt3A_1461, %not3A_1463 : vector<16xi1>
      %and3A_1465 = arith.andi %gt3A_1462, %not3A_1464 : vector<16xi1>
      %select_n3A_1466 = arith.select %and3A_1465, %broadcast_in_dim3A_1460, %select_n3A_1450 : vector<16xi1>, vector<16xi32>
      %select_n3A_1467 = arith.select %gt3A_1461, %select_n3A_1453, %select_n3A_1466 : vector<16xi1>, vector<16xi32>
      %select_n3A_1468 = arith.select %and3A_1465, %get3A_1458, %select_n3A_1452 : vector<16xi1>, vector<16xf32>
      %select_n3A_1469 = arith.select %gt3A_1461, %select_n3A_1454, %select_n3A_1468 : vector<16xi1>, vector<16xf32>
      %select_n3A_1470 = arith.select %gt3A_1461, %broadcast_in_dim3A_1460, %select_n3A_1453 : vector<16xi1>, vector<16xi32>
      %select_n3A_1471 = arith.select %gt3A_1461, %get3A_1458, %select_n3A_1454 : vector<16xi1>, vector<16xf32>
      %get3A_1472 = arith.constant 63 : i32
      %get3A_1473 = arith.index_cast %get3A_1472 : i32 to index
      %get3A_1474 = arith.index_cast %mul3A_17 : i32 to index
      %get3A_1475 = tpu.vector_load %arg6[%get3A_1473, %get3A_1474] {strides = array<i32>} : memref<64x256xf32, #tpu.memory_space<vmem>>, vector<16xf32>,
      %broadcast_in_dim3A_1476 = arith.constant 63 : i32
      %broadcast_in_dim3A_1477 = vector.broadcast %broadcast_in_dim3A_1476 : i32 to vector<16xi32>
      %gt3A_1478 = arith.cmpf ogt, %get3A_1475, %select_n3A_1471 : vector<16xf32>
      %gt3A_1479 = arith.cmpf ogt, %get3A_1475, %select_n3A_1469 : vector<16xf32>
      %not3A_1480 = arith.constant dense<true> : vector<16xi1>
      %not3A_1481 = arith.xori %gt3A_1478, %not3A_1480 : vector<16xi1>
      %and3A_1482 = arith.andi %gt3A_1479, %not3A_1481 : vector<16xi1>
      %select_n3A_1483 = arith.select %and3A_1482, %broadcast_in_dim3A_1477, %select_n3A_1467 : vector<16xi1>, vector<16xi32>
      %select_n3A_1484 = arith.select %gt3A_1478, %select_n3A_1470, %select_n3A_1483 : vector<16xi1>, vector<16xi32>
      %select_n3A_1485 = arith.select %and3A_1482, %get3A_1475, %select_n3A_1469 : vector<16xi1>, vector<16xf32>
      %select_n3A_1486 = arith.select %gt3A_1478, %select_n3A_1471, %select_n3A_1485 : vector<16xi1>, vector<16xf32>
      %select_n3A_1487 = arith.select %gt3A_1478, %broadcast_in_dim3A_1477, %select_n3A_1470 : vector<16xi1>, vector<16xi32>
      %select_n3A_1488 = arith.select %gt3A_1478, %get3A_1475, %select_n3A_1471 : vector<16xi1>, vector<16xf32>
      %sub3A = arith.subf %select_n3A_1486, %select_n3A_1488 : vector<16xf32>
      %exp3A = math.exp %sub3A : vector<16xf32>
      %add3A_1489 = arith.constant 1.000000e+00 : f32
      %add3A_1490 = vector.broadcast %add3A_1489 : f32 to vector<16xf32>
      %add3A_1491 = arith.addf %exp3A, %add3A_1490 : vector<16xf32>
      %div3A = arith.constant 1.000000e+00 : f32
      %div3A_1492 = vector.broadcast %div3A : f32 to vector<16xf32>
      %div3A_1493 = arith.divf %div3A_1492, %add3A_1491 : vector<16xf32>
      %div3A_1494 = arith.divf %exp3A, %add3A_1491 : vector<16xf32>
      %add3A_1495 = arith.addi %mul3A_405, %select_n3A_1487 : vector<16xi32>
      tpu.vector_store_idx %arg7[%add3A_1495], %div3A_1493 : memref<16384xf32, #tpu.memory_space<vmem>>[vector<16xi32>], vector<16xf32>,
      %add3A_1496 = arith.addi %mul3A_405, %select_n3A_1484 : vector<16xi32>
      tpu.vector_store_idx %arg7[%add3A_1496], %div3A_1494 : memref<16384xf32, #tpu.memory_space<vmem>>[vector<16xi32>], vector<16xf32>,
      %swap3A_1497 = arith.index_cast %mul3A_17 : i32 to index
      %swap3A_1498 = tpu.vector_load %arg8[%swap3A_1497] {strides = array<i32>} : memref<256xi32, #tpu.memory_space<vmem>>, vector<16xi32>,
      tpu.vector_store %arg8[%swap3A_1497], %select_n3A_1487 {strides = array<i32>} : memref<256xi32, #tpu.memory_space<vmem>>, vector<16xi32>,
      %swap3A_1499 = arith.index_cast %mul3A_17 : i32 to index
      %swap3A_1500 = tpu.vector_load %arg9[%swap3A_1499] {strides = array<i32>} : memref<256xi32, #tpu.memory_space<vmem>>, vector<16xi32>,
      tpu.vector_store %arg9[%swap3A_1499], %select_n3A_1484 {strides = array<i32>} : memref<256xi32, #tpu.memory_space<vmem>>, vector<16xi32>,
    }
    %scan3A_12 = arith.constant 16 : i32
    %mul3A_13 = arith.constant 64 : i32
    %mul3A_14 = arith.muli %mul3A_2, %mul3A_13 : i32
    "tpu.region"() ({
      %run_scoped3A = tpu.sem_alloc : memref<!tpu.dma_semaphore, #tpu.memory_space<semaphore_mem>>
      %dma_start3A = tpu.memref_slice %arg3[%mul3A_14] : memref<524288xf32, #tpu.memory_space<hbm>> -> memref<16384xf32, #tpu.memory_space<hbm>>
      %dma_start3A_15 = tpu.memref_slice %arg3[%mul3A_14] : memref<524288xf32, #tpu.memory_space<hbm>> -> memref<16384xf32, #tpu.memory_space<hbm>>
      tpu.enqueue_dma source(%arg7 : memref<16384xf32, #tpu.memory_space<vmem>>) target(%dma_start3A_15 : memref<16384xf32, #tpu.memory_space<hbm>>) target_semaphore(%run_scoped3A : memref<!tpu.dma_semaphore, #tpu.memory_space<semaphore_mem>>)
      %dma_wait3A = tpu.memref_slice %arg3[%mul3A_14] : memref<524288xf32, #tpu.memory_space<hbm>> -> memref<16384xf32, #tpu.memory_space<hbm>>
      %dma_wait3A_16 = tpu.memref_slice %arg3[%mul3A_14] : memref<524288xf32, #tpu.memory_space<hbm>> -> memref<16384xf32, #tpu.memory_space<hbm>>
      tpu.wait_dma2 semaphore(%run_scoped3A : memref<!tpu.dma_semaphore, #tpu.memory_space<semaphore_mem>>) src(%arg7 : memref<16384xf32, #tpu.memory_space<vmem>>) dst(%dma_wait3A_16 : memref<16384xf32, #tpu.memory_space<hbm>>)
      tpu.yield
    }) : () -> ()
    "tpu.region"() ({
      %run_scoped3A = tpu.sem_alloc : memref<!tpu.dma_semaphore, #tpu.memory_space<semaphore_mem>>
      %dma_start3A = tpu.memref_slice %arg4[%mul3A_2] : memref<8192xi32, #tpu.memory_space<hbm>> -> memref<256xi32, #tpu.memory_space<hbm>>
      %dma_start3A_15 = tpu.memref_slice %arg4[%mul3A_2] : memref<8192xi32, #tpu.memory_space<hbm>> -> memref<256xi32, #tpu.memory_space<hbm>>
      tpu.enqueue_dma source(%arg8 : memref<256xi32, #tpu.memory_space<vmem>>) target(%dma_start3A_15 : memref<256xi32, #tpu.memory_space<hbm>>) target_semaphore(%run_scoped3A : memref<!tpu.dma_semaphore, #tpu.memory_space<semaphore_mem>>)
      %dma_wait3A = tpu.memref_slice %arg4[%mul3A_2] : memref<8192xi32, #tpu.memory_space<hbm>> -> memref<256xi32, #tpu.memory_space<hbm>>
      %dma_wait3A_16 = tpu.memref_slice %arg4[%mul3A_2] : memref<8192xi32, #tpu.memory_space<hbm>> -> memref<256xi32, #tpu.memory_space<hbm>>
      tpu.wait_dma2 semaphore(%run_scoped3A : memref<!tpu.dma_semaphore, #tpu.memory_space<semaphore_mem>>) src(%arg8 : memref<256xi32, #tpu.memory_space<vmem>>) dst(%dma_wait3A_16 : memref<256xi32, #tpu.memory_space<hbm>>)
      tpu.yield
    }) : () -> ()
    "tpu.region"() ({
      %run_scoped3A = tpu.sem_alloc : memref<!tpu.dma_semaphore, #tpu.memory_space<semaphore_mem>>
      %dma_start3A = tpu.memref_slice %arg5[%mul3A_2] : memref<8192xi32, #tpu.memory_space<hbm>> -> memref<256xi32, #tpu.memory_space<hbm>>
      %dma_start3A_15 = tpu.memref_slice %arg5[%mul3A_2] : memref<8192xi32, #tpu.memory_space<hbm>> -> memref<256xi32, #tpu.memory_space<hbm>>
      tpu.enqueue_dma source(%arg9 : memref<256xi32, #tpu.memory_space<vmem>>) target(%dma_start3A_15 : memref<256xi32, #tpu.memory_space<hbm>>) target_semaphore(%run_scoped3A : memref<!tpu.dma_semaphore, #tpu.memory_space<semaphore_mem>>)
      %dma_wait3A = tpu.memref_slice %arg5[%mul3A_2] : memref<8192xi32, #tpu.memory_space<hbm>> -> memref<256xi32, #tpu.memory_space<hbm>>
      %dma_wait3A_16 = tpu.memref_slice %arg5[%mul3A_2] : memref<8192xi32, #tpu.memory_space<hbm>> -> memref<256xi32, #tpu.memory_space<hbm>>
      tpu.wait_dma2 semaphore(%run_scoped3A : memref<!tpu.dma_semaphore, #tpu.memory_space<semaphore_mem>>) src(%arg9 : memref<256xi32, #tpu.memory_space<vmem>>) dst(%dma_wait3A_16 : memref<256xi32, #tpu.memory_space<hbm>>)
      tpu.yield
    }) : () -> ()
    return
  }
}

module attributes {stable_mosaic.version = 14 : i64} {
  func.func @_logits_body(%arg0: i32, %arg1: memref<512x4096xf32, #tpu.memory_space<vmem>>, %arg2: memref<4096x64xf32, #tpu.memory_space<vmem>>, %arg3: memref<1x64xf32, #tpu.memory_space<vmem>>, %arg4: memref<64x512xf32, #tpu.memory_space<vmem>>) attributes {dimension_semantics = [#tpu.dimension_semantics<arbitrary>], iteration_bounds = array<i64: 16>, scalar_prefetch = 0 : i64, scratch_operands = 0 : i64, tpu.core_type = #tpu.core_type<tc>, window_params = [{transform_indices = @transform_0, window_bounds = array<i64: 512, 4096>}, {pipeline_mode = #tpu.pipeline_mode<synchronous>, transform_indices = @transform_1, window_bounds = array<i64: 4096, 64>}, {pipeline_mode = #tpu.pipeline_mode<synchronous>, transform_indices = @transform_2, window_bounds = array<i64: 1, 64>}, {transform_indices = @transform_3, window_bounds = array<i64: 64, 512>}]} {
    %get3A = arith.constant 0 : index
    %get3A_0 = arith.constant 0 : index
    %get3A_1 = vector.load %arg1[%get3A, %get3A_0] : memref<512x4096xf32, #tpu.memory_space<vmem>>, vector<512x256xf32>
    %get3A_2 = arith.constant 0 : index
    %get3A_3 = arith.constant 0 : index
    %get3A_4 = vector.load %arg2[%get3A_2, %get3A_3] : memref<4096x64xf32, #tpu.memory_space<vmem>>, vector<256x64xf32>
    %dot_general3A = arith.constant dense<0.000000e+00> : vector<512x64xf32>
    %dot_general3A_5 = tpu.matmul %get3A_1, %get3A_4, %dot_general3A {dimension_numbers = #tpu.dot_dimension_numbers<[1], [0], [0], [1], [0, 0, 1, 1], [], []>, transpose_lhs_hint = false} : vector<512x256xf32>, vector<256x64xf32>, vector<512x64xf32> -> vector<512x64xf32>
    %get3A_6 = arith.constant 0 : index
    %get3A_7 = arith.constant 256 : index
    %get3A_8 = vector.load %arg1[%get3A_6, %get3A_7] : memref<512x4096xf32, #tpu.memory_space<vmem>>, vector<512x256xf32>
    %get3A_9 = arith.constant 256 : index
    %get3A_10 = arith.constant 0 : index
    %get3A_11 = vector.load %arg2[%get3A_9, %get3A_10] : memref<4096x64xf32, #tpu.memory_space<vmem>>, vector<256x64xf32>
    %dot_general3A_12 = arith.constant dense<0.000000e+00> : vector<512x64xf32>
    %dot_general3A_13 = tpu.matmul %get3A_8, %get3A_11, %dot_general3A_12 {dimension_numbers = #tpu.dot_dimension_numbers<[1], [0], [0], [1], [0, 0, 1, 1], [], []>, transpose_lhs_hint = false} : vector<512x256xf32>, vector<256x64xf32>, vector<512x64xf32> -> vector<512x64xf32>
    %add3A = arith.addf %dot_general3A_5, %dot_general3A_13 : vector<512x64xf32>
    %get3A_14 = arith.constant 0 : index
    %get3A_15 = arith.constant 512 : index
    %get3A_16 = vector.load %arg1[%get3A_14, %get3A_15] : memref<512x4096xf32, #tpu.memory_space<vmem>>, vector<512x256xf32>
    %get3A_17 = arith.constant 512 : index
    %get3A_18 = arith.constant 0 : index
    %get3A_19 = vector.load %arg2[%get3A_17, %get3A_18] : memref<4096x64xf32, #tpu.memory_space<vmem>>, vector<256x64xf32>
    %dot_general3A_20 = arith.constant dense<0.000000e+00> : vector<512x64xf32>
    %dot_general3A_21 = tpu.matmul %get3A_16, %get3A_19, %dot_general3A_20 {dimension_numbers = #tpu.dot_dimension_numbers<[1], [0], [0], [1], [0, 0, 1, 1], [], []>, transpose_lhs_hint = false} : vector<512x256xf32>, vector<256x64xf32>, vector<512x64xf32> -> vector<512x64xf32>
    %add3A_22 = arith.addf %add3A, %dot_general3A_21 : vector<512x64xf32>
    %get3A_23 = arith.constant 0 : index
    %get3A_24 = arith.constant 768 : index
    %get3A_25 = vector.load %arg1[%get3A_23, %get3A_24] : memref<512x4096xf32, #tpu.memory_space<vmem>>, vector<512x256xf32>
    %get3A_26 = arith.constant 768 : index
    %get3A_27 = arith.constant 0 : index
    %get3A_28 = vector.load %arg2[%get3A_26, %get3A_27] : memref<4096x64xf32, #tpu.memory_space<vmem>>, vector<256x64xf32>
    %dot_general3A_29 = arith.constant dense<0.000000e+00> : vector<512x64xf32>
    %dot_general3A_30 = tpu.matmul %get3A_25, %get3A_28, %dot_general3A_29 {dimension_numbers = #tpu.dot_dimension_numbers<[1], [0], [0], [1], [0, 0, 1, 1], [], []>, transpose_lhs_hint = false} : vector<512x256xf32>, vector<256x64xf32>, vector<512x64xf32> -> vector<512x64xf32>
    %add3A_31 = arith.addf %add3A_22, %dot_general3A_30 : vector<512x64xf32>
    %get3A_32 = arith.constant 0 : index
    %get3A_33 = arith.constant 1024 : index
    %get3A_34 = vector.load %arg1[%get3A_32, %get3A_33] : memref<512x4096xf32, #tpu.memory_space<vmem>>, vector<512x256xf32>
    %get3A_35 = arith.constant 1024 : index
    %get3A_36 = arith.constant 0 : index
    %get3A_37 = vector.load %arg2[%get3A_35, %get3A_36] : memref<4096x64xf32, #tpu.memory_space<vmem>>, vector<256x64xf32>
    %dot_general3A_38 = arith.constant dense<0.000000e+00> : vector<512x64xf32>
    %dot_general3A_39 = tpu.matmul %get3A_34, %get3A_37, %dot_general3A_38 {dimension_numbers = #tpu.dot_dimension_numbers<[1], [0], [0], [1], [0, 0, 1, 1], [], []>, transpose_lhs_hint = false} : vector<512x256xf32>, vector<256x64xf32>, vector<512x64xf32> -> vector<512x64xf32>
    %add3A_40 = arith.addf %add3A_31, %dot_general3A_39 : vector<512x64xf32>
    %get3A_41 = arith.constant 0 : index
    %get3A_42 = arith.constant 1280 : index
    %get3A_43 = vector.load %arg1[%get3A_41, %get3A_42] : memref<512x4096xf32, #tpu.memory_space<vmem>>, vector<512x256xf32>
    %get3A_44 = arith.constant 1280 : index
    %get3A_45 = arith.constant 0 : index
    %get3A_46 = vector.load %arg2[%get3A_44, %get3A_45] : memref<4096x64xf32, #tpu.memory_space<vmem>>, vector<256x64xf32>
    %dot_general3A_47 = arith.constant dense<0.000000e+00> : vector<512x64xf32>
    %dot_general3A_48 = tpu.matmul %get3A_43, %get3A_46, %dot_general3A_47 {dimension_numbers = #tpu.dot_dimension_numbers<[1], [0], [0], [1], [0, 0, 1, 1], [], []>, transpose_lhs_hint = false} : vector<512x256xf32>, vector<256x64xf32>, vector<512x64xf32> -> vector<512x64xf32>
    %add3A_49 = arith.addf %add3A_40, %dot_general3A_48 : vector<512x64xf32>
    %get3A_50 = arith.constant 0 : index
    %get3A_51 = arith.constant 1536 : index
    %get3A_52 = vector.load %arg1[%get3A_50, %get3A_51] : memref<512x4096xf32, #tpu.memory_space<vmem>>, vector<512x256xf32>
    %get3A_53 = arith.constant 1536 : index
    %get3A_54 = arith.constant 0 : index
    %get3A_55 = vector.load %arg2[%get3A_53, %get3A_54] : memref<4096x64xf32, #tpu.memory_space<vmem>>, vector<256x64xf32>
    %dot_general3A_56 = arith.constant dense<0.000000e+00> : vector<512x64xf32>
    %dot_general3A_57 = tpu.matmul %get3A_52, %get3A_55, %dot_general3A_56 {dimension_numbers = #tpu.dot_dimension_numbers<[1], [0], [0], [1], [0, 0, 1, 1], [], []>, transpose_lhs_hint = false} : vector<512x256xf32>, vector<256x64xf32>, vector<512x64xf32> -> vector<512x64xf32>
    %add3A_58 = arith.addf %add3A_49, %dot_general3A_57 : vector<512x64xf32>
    %get3A_59 = arith.constant 0 : index
    %get3A_60 = arith.constant 1792 : index
    %get3A_61 = vector.load %arg1[%get3A_59, %get3A_60] : memref<512x4096xf32, #tpu.memory_space<vmem>>, vector<512x256xf32>
    %get3A_62 = arith.constant 1792 : index
    %get3A_63 = arith.constant 0 : index
    %get3A_64 = vector.load %arg2[%get3A_62, %get3A_63] : memref<4096x64xf32, #tpu.memory_space<vmem>>, vector<256x64xf32>
    %dot_general3A_65 = arith.constant dense<0.000000e+00> : vector<512x64xf32>
    %dot_general3A_66 = tpu.matmul %get3A_61, %get3A_64, %dot_general3A_65 {dimension_numbers = #tpu.dot_dimension_numbers<[1], [0], [0], [1], [0, 0, 1, 1], [], []>, transpose_lhs_hint = false} : vector<512x256xf32>, vector<256x64xf32>, vector<512x64xf32> -> vector<512x64xf32>
    %add3A_67 = arith.addf %add3A_58, %dot_general3A_66 : vector<512x64xf32>
    %get3A_68 = arith.constant 0 : index
    %get3A_69 = arith.constant 2048 : index
    %get3A_70 = vector.load %arg1[%get3A_68, %get3A_69] : memref<512x4096xf32, #tpu.memory_space<vmem>>, vector<512x256xf32>
    %get3A_71 = arith.constant 2048 : index
    %get3A_72 = arith.constant 0 : index
    %get3A_73 = vector.load %arg2[%get3A_71, %get3A_72] : memref<4096x64xf32, #tpu.memory_space<vmem>>, vector<256x64xf32>
    %dot_general3A_74 = arith.constant dense<0.000000e+00> : vector<512x64xf32>
    %dot_general3A_75 = tpu.matmul %get3A_70, %get3A_73, %dot_general3A_74 {dimension_numbers = #tpu.dot_dimension_numbers<[1], [0], [0], [1], [0, 0, 1, 1], [], []>, transpose_lhs_hint = false} : vector<512x256xf32>, vector<256x64xf32>, vector<512x64xf32> -> vector<512x64xf32>
    %add3A_76 = arith.addf %add3A_67, %dot_general3A_75 : vector<512x64xf32>
    %get3A_77 = arith.constant 0 : index
    %get3A_78 = arith.constant 2304 : index
    %get3A_79 = vector.load %arg1[%get3A_77, %get3A_78] : memref<512x4096xf32, #tpu.memory_space<vmem>>, vector<512x256xf32>
    %get3A_80 = arith.constant 2304 : index
    %get3A_81 = arith.constant 0 : index
    %get3A_82 = vector.load %arg2[%get3A_80, %get3A_81] : memref<4096x64xf32, #tpu.memory_space<vmem>>, vector<256x64xf32>
    %dot_general3A_83 = arith.constant dense<0.000000e+00> : vector<512x64xf32>
    %dot_general3A_84 = tpu.matmul %get3A_79, %get3A_82, %dot_general3A_83 {dimension_numbers = #tpu.dot_dimension_numbers<[1], [0], [0], [1], [0, 0, 1, 1], [], []>, transpose_lhs_hint = false} : vector<512x256xf32>, vector<256x64xf32>, vector<512x64xf32> -> vector<512x64xf32>
    %add3A_85 = arith.addf %add3A_76, %dot_general3A_84 : vector<512x64xf32>
    %get3A_86 = arith.constant 0 : index
    %get3A_87 = arith.constant 2560 : index
    %get3A_88 = vector.load %arg1[%get3A_86, %get3A_87] : memref<512x4096xf32, #tpu.memory_space<vmem>>, vector<512x256xf32>
    %get3A_89 = arith.constant 2560 : index
    %get3A_90 = arith.constant 0 : index
    %get3A_91 = vector.load %arg2[%get3A_89, %get3A_90] : memref<4096x64xf32, #tpu.memory_space<vmem>>, vector<256x64xf32>
    %dot_general3A_92 = arith.constant dense<0.000000e+00> : vector<512x64xf32>
    %dot_general3A_93 = tpu.matmul %get3A_88, %get3A_91, %dot_general3A_92 {dimension_numbers = #tpu.dot_dimension_numbers<[1], [0], [0], [1], [0, 0, 1, 1], [], []>, transpose_lhs_hint = false} : vector<512x256xf32>, vector<256x64xf32>, vector<512x64xf32> -> vector<512x64xf32>
    %add3A_94 = arith.addf %add3A_85, %dot_general3A_93 : vector<512x64xf32>
    %get3A_95 = arith.constant 0 : index
    %get3A_96 = arith.constant 2816 : index
    %get3A_97 = vector.load %arg1[%get3A_95, %get3A_96] : memref<512x4096xf32, #tpu.memory_space<vmem>>, vector<512x256xf32>
    %get3A_98 = arith.constant 2816 : index
    %get3A_99 = arith.constant 0 : index
    %get3A_100 = vector.load %arg2[%get3A_98, %get3A_99] : memref<4096x64xf32, #tpu.memory_space<vmem>>, vector<256x64xf32>
    %dot_general3A_101 = arith.constant dense<0.000000e+00> : vector<512x64xf32>
    %dot_general3A_102 = tpu.matmul %get3A_97, %get3A_100, %dot_general3A_101 {dimension_numbers = #tpu.dot_dimension_numbers<[1], [0], [0], [1], [0, 0, 1, 1], [], []>, transpose_lhs_hint = false} : vector<512x256xf32>, vector<256x64xf32>, vector<512x64xf32> -> vector<512x64xf32>
    %add3A_103 = arith.addf %add3A_94, %dot_general3A_102 : vector<512x64xf32>
    %get3A_104 = arith.constant 0 : index
    %get3A_105 = arith.constant 3072 : index
    %get3A_106 = vector.load %arg1[%get3A_104, %get3A_105] : memref<512x4096xf32, #tpu.memory_space<vmem>>, vector<512x256xf32>
    %get3A_107 = arith.constant 3072 : index
    %get3A_108 = arith.constant 0 : index
    %get3A_109 = vector.load %arg2[%get3A_107, %get3A_108] : memref<4096x64xf32, #tpu.memory_space<vmem>>, vector<256x64xf32>
    %dot_general3A_110 = arith.constant dense<0.000000e+00> : vector<512x64xf32>
    %dot_general3A_111 = tpu.matmul %get3A_106, %get3A_109, %dot_general3A_110 {dimension_numbers = #tpu.dot_dimension_numbers<[1], [0], [0], [1], [0, 0, 1, 1], [], []>, transpose_lhs_hint = false} : vector<512x256xf32>, vector<256x64xf32>, vector<512x64xf32> -> vector<512x64xf32>
    %add3A_112 = arith.addf %add3A_103, %dot_general3A_111 : vector<512x64xf32>
    %get3A_113 = arith.constant 0 : index
    %get3A_114 = arith.constant 3328 : index
    %get3A_115 = vector.load %arg1[%get3A_113, %get3A_114] : memref<512x4096xf32, #tpu.memory_space<vmem>>, vector<512x256xf32>
    %get3A_116 = arith.constant 3328 : index
    %get3A_117 = arith.constant 0 : index
    %get3A_118 = vector.load %arg2[%get3A_116, %get3A_117] : memref<4096x64xf32, #tpu.memory_space<vmem>>, vector<256x64xf32>
    %dot_general3A_119 = arith.constant dense<0.000000e+00> : vector<512x64xf32>
    %dot_general3A_120 = tpu.matmul %get3A_115, %get3A_118, %dot_general3A_119 {dimension_numbers = #tpu.dot_dimension_numbers<[1], [0], [0], [1], [0, 0, 1, 1], [], []>, transpose_lhs_hint = false} : vector<512x256xf32>, vector<256x64xf32>, vector<512x64xf32> -> vector<512x64xf32>
    %add3A_121 = arith.addf %add3A_112, %dot_general3A_120 : vector<512x64xf32>
    %get3A_122 = arith.constant 0 : index
    %get3A_123 = arith.constant 3584 : index
    %get3A_124 = vector.load %arg1[%get3A_122, %get3A_123] : memref<512x4096xf32, #tpu.memory_space<vmem>>, vector<512x256xf32>
    %get3A_125 = arith.constant 3584 : index
    %get3A_126 = arith.constant 0 : index
    %get3A_127 = vector.load %arg2[%get3A_125, %get3A_126] : memref<4096x64xf32, #tpu.memory_space<vmem>>, vector<256x64xf32>
    %dot_general3A_128 = arith.constant dense<0.000000e+00> : vector<512x64xf32>
    %dot_general3A_129 = tpu.matmul %get3A_124, %get3A_127, %dot_general3A_128 {dimension_numbers = #tpu.dot_dimension_numbers<[1], [0], [0], [1], [0, 0, 1, 1], [], []>, transpose_lhs_hint = false} : vector<512x256xf32>, vector<256x64xf32>, vector<512x64xf32> -> vector<512x64xf32>
    %add3A_130 = arith.addf %add3A_121, %dot_general3A_129 : vector<512x64xf32>
    %get3A_131 = arith.constant 0 : index
    %get3A_132 = arith.constant 3840 : index
    %get3A_133 = vector.load %arg1[%get3A_131, %get3A_132] : memref<512x4096xf32, #tpu.memory_space<vmem>>, vector<512x256xf32>
    %get3A_134 = arith.constant 3840 : index
    %get3A_135 = arith.constant 0 : index
    %get3A_136 = vector.load %arg2[%get3A_134, %get3A_135] : memref<4096x64xf32, #tpu.memory_space<vmem>>, vector<256x64xf32>
    %dot_general3A_137 = arith.constant dense<0.000000e+00> : vector<512x64xf32>
    %dot_general3A_138 = tpu.matmul %get3A_133, %get3A_136, %dot_general3A_137 {dimension_numbers = #tpu.dot_dimension_numbers<[1], [0], [0], [1], [0, 0, 1, 1], [], []>, transpose_lhs_hint = false} : vector<512x256xf32>, vector<256x64xf32>, vector<512x64xf32> -> vector<512x64xf32>
    %add3A_139 = arith.addf %add3A_130, %dot_general3A_138 : vector<512x64xf32>
    %get3A_140 = arith.constant 0 : index
    %get3A_141 = arith.constant 0 : index
    %get3A_142 = vector.load %arg3[%get3A_140, %get3A_141] : memref<1x64xf32, #tpu.memory_space<vmem>>, vector<1x64xf32>
    %add3A_143 = vector.broadcast %get3A_142 : vector<1x64xf32> to vector<512x64xf32>
    %add3A_144 = arith.addf %add3A_139, %add3A_143 : vector<512x64xf32>
    %transpose3A = tpu.transpose %add3A_144, [1, 0] : vector<512x64xf32> -> vector<64x512xf32>
    %swap3A = arith.constant 0 : index
    %swap3A_145 = arith.constant 0 : index
    %swap3A_146 = vector.load %arg4[%swap3A, %swap3A_145] : memref<64x512xf32, #tpu.memory_space<vmem>>, vector<64x512xf32>
    tpu.vector_store %arg4[%swap3A, %swap3A_145], %transpose3A {strides = array<i32>} : memref<64x512xf32, #tpu.memory_space<vmem>>, vector<64x512xf32>,
    return
  }
  func.func @transform_0(%arg0: i32) -> (i32, i32) {
    %add3A = arith.constant 0 : i32
    %add3A_0 = arith.addi %add3A, %arg0 : i32
    %c0_i32 = arith.constant 0 : i32
    %c0_i32_1 = arith.constant 0 : i32
    return %add3A_0, %c0_i32 : i32, i32
  }
  func.func @transform_1(%arg0: i32) -> (i32, i32) {
    %c0_i32 = arith.constant 0 : i32
    %c0_i32_0 = arith.constant 0 : i32
    %c0_i32_1 = arith.constant 0 : i32
    return %c0_i32, %c0_i32_0 : i32, i32
  }
  func.func @transform_2(%arg0: i32) -> (i32, i32) {
    %c0_i32 = arith.constant 0 : i32
    %c0_i32_0 = arith.constant 0 : i32
    %c0_i32_1 = arith.constant 0 : i32
    return %c0_i32, %c0_i32_0 : i32, i32
  }
  func.func @transform_3(%arg0: i32) -> (i32, i32) {
    %c0_i32 = arith.constant 0 : i32
    %c0_i32_0 = arith.constant 0 : i32
    return %c0_i32, %arg0 : i32, i32
  }
}

</mosaic_0001>

<sc_bundles>
// kernel: kernel.4.cloned.1.call-start
scs
__scs_entry_jumppad:
0x0: {  	(pc) =	sbr.rel $0x88, $3  }
0x1: {  	(tag) =	ssettag $0x0;
	lr =	simm.s32 $0x1  }
0x2: {  	[smem:$0x3F9E] =	sst lr;
	_ =	strace $0xD0000000  }
0x3: {  	_ = 	snop  }
0x4: {  	_ = 	snop  }
0x5: {  	_ = 	snop  }
0x6: {  	_ = 	snop  }
0x7: {  	_ = 	snop  }
__scs_overlays_trampoline_lowered:
0x8: {  	[smem:$0x3FAD] =	sst s0  }
0x9: {  	[smem:$0x3FAE] =	sst s1  }
0xa: {  	[smem:$0x3FAF] =	sst s2  }
0xb: {  	[smem:$0x3FB0] =	sst s3  }
0xc: {  	[smem:$0x3FB1] =	sst s4  }
0xd: {  	[smem:$0x3FB2] =	sst s5  }
0xe: {  	[smem:$0x3FB3] =	sst s6  }
0xf: {  	[smem:$0x3FB4] =	sst s7  }
0x10: {  	[smem:$0x3FB5] =	sst s8  }
0x11: {  	[smem:$0x3FB6] =	sst s9;
	s0 =	simm.s32 @!p0 $0x0  }
0x12: {  	s1 =	sld [smem:$0x3F9C];
	s0 =	simm.s32 @p0 $0x1  }
0x13: {  	[smem:$0x3FB7] =	sst s0;
	s0 =	simm.s32 @!p1 $0x0  }
0x14: {  	s2 =	sld [smem:$0x3F9B];
	s0 =	simm.s32 @p1 $0x1  }
0x15: {  	[smem:$0x3FB8] =	sst s0;
	s0 =	simm.s32 @!p2 $0x0  }
0x16: {  	s3 =	sld [smem:$0x3FDB];
	s0 =	simm.s32 @p2 $0x1  }
0x17: {  	s4 =	simm.s32 $0x1BF5;
	[smem:$0x3FBA] =	sst s0  }
0x18: {  	s0 =	sld [smem:$0x3F9D];
	_ =	swait.ge [sflag:s4], $0x0  }
0x19: {  	s7 =	sld [smem:$0x3F9E]  }
0x1a: {  	s8 =	sadd.s32 $0xFFFFE003, lr  }
0x1b: {  	s9 =	sadd.s32 $0xFFFFFEF7, lr;
	s5 =	simm.s32 $0xFFFFFFFF;
	p2 =	slt.u32 s8, $0xFFFFF086  }
0x1c: {  	p1 =	slt.u32 s9, $0xF7A;
	s5 =	simm.s32 @!p2 $0x0  }
0x1d: {  	s5 =	simm.s32 @p1 $0x1;
	p0 =	seq.s32 s7, s2  }
0x1e: {  	s7 =	smul.u32 @!p0 $0xF7A, s2;
	p2 =	seq.s32 @!p0 s5, $0x0  }
0x1f: {  	s9 =	smul.u32 $0xF7A, s1;
	s8 =	simm.s32 @!p0 $0x1BF5;
	p2 =	por !p2, p0  }
0x20: {  	[sflag:s8] =	ssyncset.s32 @!p0 $0xFFFFF086;
	s6 =	sadd.s32 @!p0 s3, s7;
	s7 =	simm.s32 @!p0 $0x108  }
0x21: {  	s3 =	sadd.s32 s3, s9;
	s6 =	sadd.s32 @!p0 $0x88, s6;
	s7 =	simm.s32 @p2 $0x1082  }
0x22: {  	[simem:s7], [sflag:s8] =	dma.local @!p0 [hbm:s6], $0xF7A  }
0x23: {  	s9 =	sor.u32 $0xD0000000, s2;
	s6 =	simm.s32 $0x108;
	_ =	swait.ge @!p0 [sflag:s8], $0x0  }
0x24: {  	s3 =	sadd.s32 $0x88, s3;
	s6 =	simm.s32 @!p1 $0x1082;
	[sflag:s4] =	ssyncset.s32 $0xFFFFF086  }
0x25: {  	[simem:s6], [sflag:s4] =	dma.local [hbm:s3], $0xF7A  }
0x26: {  	[smem:$0x3F9E] =	sst s1;
	(tag) =	ssettag s2;
	_ =	strace s9  }
0x27: {  	s1 =	sld [smem:$0x3FAE]  }
0x28: {  	s2 =	sld [smem:$0x3FAF]  }
0x29: {  	s4 =	sld [smem:$0x3FB1]  }
0x2a: {  	p0 =	seq.s32 s5, $0x0;
	s5 =	sld [smem:$0x3FB2]  }
0x2b: {  	s6 =	sld [smem:$0x3FB3]  }
0x2c: {  	s7 =	sld [smem:$0x3FB4]  }
0x2d: {  	s3 =	simm.s32 $0x108;
	s8 =	sld [smem:$0x3FB5]  }
0x2e: {  	s3 =	simm.s32 @!p0 $0x1082;
	s9 =	sld [smem:$0x3FB6]  }
0x2f: {  	lr =	sadd.s32 s0, s3;
	s0 =	sld [smem:$0x3FAD]  }
0x30: {  	s3 =	sld [smem:$0x3FB0]  }
0x31: {  	[smem:$0x3FB9] =	sst s10  }
0x32: {  	s10 =	sld [smem:$0x3FB7];
	_ =	sdelay $0x3  }
0x33: {  	p0 =	seq.s32 s10, $0x1;
	s10 =	sld [smem:$0x3FB9];
	_ =	sdelay $0x3  }
0x34: {  	[smem:$0x3FB9] =	sst s10  }
0x35: {  	s10 =	sld [smem:$0x3FB8];
	_ =	sdelay $0x3  }
0x36: {  	p1 =	seq.s32 s10, $0x1;
	s10 =	sld [smem:$0x3FB9];
	_ =	sdelay $0x3  }
0x37: {  	[smem:$0x3FB9] =	sst s10  }
0x38: {  	s10 =	sld [smem:$0x3FBA]  }
0x39: {  	_ = 	snop;
	(pc) =	sbr.ind lr, $3  }
0x3a: {  	_ = 	snop  }
0x3b: {  	_ = 	snop  }
0x3c: {  	p2 =	seq.s32 s10, $0x1;
	s10 =	sld [smem:$0x3FB9]  }
0x3d: {  	_ =	shalt  }
0x3e: {  	_ =	shalt  }
0x3f: {  	_ =	shalt  }
0x40: {  	_ =	shalt  }
0x41: {  	_ =	shalt  }
0x42: {  	_ =	shalt  }
0x43: {  	_ =	shalt  }
0x44: {  	_ =	shalt  }
0x45: {  	_ =	shalt  }
0x46: {  	_ =	shalt  }
0x47: {  	_ =	shalt  }
0x48: {  	_ =	shalt  }
0x49: {  	_ =	shalt  }
0x4a: {  	_ =	shalt  }
0x4b: {  	_ =	shalt  }
0x4c: {  	_ =	shalt  }
0x4d: {  	_ =	shalt  }
0x4e: {  	_ =	shalt  }
0x4f: {  	_ =	shalt  }
0x50: {  	_ =	shalt  }
0x51: {  	_ =	shalt  }
0x52: {  	_ =	shalt  }
0x53: {  	_ =	shalt  }
0x54: {  	_ =	shalt  }
0x55: {  	_ =	shalt  }
0x56: {  	_ =	shalt  }
0x57: {  	_ =	shalt  }
0x58: {  	_ =	shalt  }
0x59: {  	_ =	shalt  }
0x5a: {  	_ =	shalt  }
0x5b: {  	_ =	shalt  }
0x5c: {  	_ =	shalt  }
0x5d: {  	_ =	shalt  }
0x5e: {  	_ =	shalt  }
0x5f: {  	_ =	shalt  }
0x60: {  	_ =	shalt  }
0x61: {  	_ =	shalt  }
0x62: {  	_ =	shalt  }
0x63: {  	_ =	shalt  }
0x64: {  	_ =	shalt  }
0x65: {  	_ =	shalt  }
0x66: {  	_ =	shalt  }
0x67: {  	_ =	shalt  }
0x68: {  	_ =	shalt  }
0x69: {  	_ =	shalt  }
0x6a: {  	_ =	shalt  }
0x6b: {  	_ =	shalt  }
0x6c: {  	_ =	shalt  }
0x6d: {  	_ =	shalt  }
0x6e: {  	_ =	shalt  }
0x6f: {  	_ =	shalt  }
0x70: {  	_ =	shalt  }
0x71: {  	_ =	shalt  }
0x72: {  	_ =	shalt  }
0x73: {  	_ =	shalt  }
0x74: {  	_ =	shalt  }
0x75: {  	_ =	shalt  }
0x76: {  	_ =	shalt  }
0x77: {  	_ =	shalt  }
0x78: {  	_ =	shalt  }
0x79: {  	_ =	shalt  }
0x7a: {  	_ =	shalt  }
0x7b: {  	_ =	shalt  }
0x7c: {  	_ =	shalt  }
0x7d: {  	_ =	shalt  }
0x7e: {  	_ =	shalt  }
0x7f: {  	_ =	shalt  }
0x80: {  	_ =	shalt  }
0x81: {  	_ =	shalt  }
0x82: {  	_ =	shalt  }
0x83: {  	_ =	shalt  }
0x84: {  	_ =	shalt  }
0x85: {  	_ =	shalt  }
0x86: {  	_ =	shalt  }
0x87: {  	_ =	shalt  }
.Lfunc_end0:
.L_simem_size_0:
called_computation_lowered:
.L_overlay_start_0:
0x88: {  	s2 =	sld [smem:$0x3FD9]  }
0x89: {  	s3 =	sld [smem:$0x3FFE];
	_ =	sdelay $0x1  }
0x8a: {  	s1 =	srdreg.scid  }
0x8b: {  	s0 =	sand.u32 $0x1, s1  }
0x8c: {  	s14 =	sshll.u32 s0, $0xA;
	s2 =	sadd.s32 s3, s2  }
0x8d: {  	s2 =	sadd.s32 s2, s14  }
0x8e: {  	[smem:$0x3FC5] =	sst s2  }
0x8f: {  	_ = 	snop  }
0x90: {  	s2 =	sld [smem:$0x3FD0];
	_ =	sdelay $0x2  }
0x91: {  	s15 =	simm.s32 $0xA;
	s4 =	simm.s32 $0x10  }
0x92: {  	[smem:s4], [sflag:s15] =	dma.local [hbm:s2], $0x1  }
0x93: {  	_ =	swait.eq [sflag:s15], $0x1  }
0x94: {  	[sflag:s15] =	ssyncset.done $0x0  }
0x95: {  	s16 =	sld [smem:$0x10];
	[sflag:s15] =	ssyncadd.s32 $0xFFFFFFFF  }
0x96: {  	s17 =	sld [smem:$0x11];
	(tm) =	ssettm $0x1  }
0x97: {  	s18 =	sld [smem:$0x3FFB];
	_ =	sdelay $0x3  }
0x98: {  	_ =	strace s18  }
0x99: {  	s4 =	sld [smem:$0x3FFC];
	_ =	sdelay $0x3  }
0x9a: {  	_ =	strace s4  }
0x9b: {  	s4 =	sld [smem:$0x3FFD];
	_ =	sdelay $0x3  }
0x9c: {  	_ =	strace s4  }
0x9d: {  	_ =	strace $0x8FFFFFFF  }
0x9e: {  	s19 =	sld [smem:$0x3FDB];
	_ =	sdelay $0x1  }
0x9f: {  	s5 =	simm.s32 $_scs_section_size  }
0xa0: {  	s6 =	simm.s32 $_size__tile_overlayer_lowered;
	s7 =	simm.s32 $_tile_overlayer_lowered  }
0xa1: {  	s22 =	simm.s32 $0x1BFF;
	s21 =	sshll.u32 s7, $0x1;
	s4 =	sadd.s32 s5, s19  }
0xa2: {  	s8 =	simm.s32 $0x0;
	s20 =	sshll.u32 s6, $0x1;
	s6 =	sadd.s32 s21, s4  }
0xa3: {  	[timem:s8], [sflag:s22] =	dma.local [hbm:s6], s20  }
0xa4: {  	_ =	swait.ge [sflag:s22], s20  }
0xa5: {  	s5 =	ssub.s32 $0x0, s20;
	[sflag:s22] =	ssyncset.done $0x0  }
0xa6: {  	[sflag:s22] =	ssyncadd.s32 s5;
	_ =	sdelay $0x1  }
0xa7: {  	s23 =	simm.s32 $0x1B8B  }
0xa8: {  	_ =	swait.ge [sflag:s23], $0x1  }
0xa9: {  	[sflag:s23] =	ssyncset.done $0x0  }
0xaa: {  	s25 =	simm.s32 $0x1B8E;
	s24 =	sld [smem:$0x3FFE];
	[sflag:s23] =	ssyncadd.s32 $0xFFFFFFFF  }
0xab: {  	s26 =	simm.s32 $execute0_lowered;
	[smem:$0x3FD2] =	sst s25  }
0xac: {  	s6 =	sshll.u32 s26, $0x1;
	_ =	strace $0x80000046;
	[dreg:$0x1] =	wrdreg $0xFFFFFFFF  }
0xad: {  	s28 =	simm.s32 $_size_execute0_lowered;
	s4 =	sadd.s32 s4, s6;
	[dreg:$0x0] =	wrdreg $0x0  }
0xae: {  	s6 =	sshll.u32 s28, $0x1;
	[dreg:$0x2] =	wrdreg s4  }
0xaf: {  	[dreg:$0x3] =	wrdreg s6  }
0xb0: {  	[dreg:$0x4] =	wrdreg $0xC0  }
0xb1: {  	_ =	task [dreg:s8], $0x5FFFF  }
0xb2: {  	[dreg:$0x1] =	wrdreg $0xFFFFFFFF  }
0xb3: {  	[dreg:$0x0] =	wrdreg $0x60  }
0xb4: {  	[dreg:$0x2] =	wrdreg s16  }
0xb5: {  	[dreg:$0x3] =	wrdreg s24  }
0xb6: {  	[dreg:$0x4] =	wrdreg s17  }
0xb7: {  	[dreg:$0x5] =	wrdreg $0x9  }
0xb8: {  	_ =	task.clear_ibuf [dreg:s8], $0x6FFFF;
	_ =	strace $0x90000046  }
0xb9: {  	s29 =	simm.s32 $0x9;
	_ =	strace $0x80000048  }
0xba: {  	_ =	swait.ge [sflag:s29], $0x1  }
0xbb: {  	[sflag:s29] =	ssyncadd.s32 $0xFFFFFFFF  }
0xbc: {  	_ =	strace $0x90000048  }
0xbd: {  	_ =	sfence  }
0xbe: {  	s30 =	sld [smem:$0x0];
	_ =	sdelay $0x2  }
0xbf: {  	s31 =	sshll.u32 s1, $0xD;
	s1 =	sshrl.u32 s1, $0x2  }
0xc0: {  	s3 =	sand.u32 $0x4000, s31;
	s1 =	sadd.s32 s1, s30  }
0xc1: {  	s0 =	sor.u32 s3, s0;
	s1 =	sshll.u32 s1, $0x11  }
0xc2: {  	s0 =	sor.u32 s1, s0  }
0xc3: {  	s0 =	sadd.s32 $0x8F2B, s0  }
0xc4: {  	[sflag:s0] =	ssyncadd.remote.s32 $0x1  }
0xc5: {  	_ =	sfence.sel $0xFFFF  }
0xc6: {  	[dreg:$0x0] =	wrdreg $0xFFFFFFFF;
	(pc) =	sbr.abs _section_cstart, $3  }
0xc7: {  	[dreg:$0x1] =	wrdreg $0xFFFFFFFF  }
0xc8: {  	_ =	task.clear_ibuf [dreg:s8], $0x2FFFF;
	_ =	strace $0x9FFFFFFF  }
0xc9: {  	(tm) =	ssettm $0x7FFFFFFF  }
tec
execute0_lowered:
.L_overlay_start_1:
0x0: {  	(tag) =	ssettag $0x1  }
0x1: {  	s3 =	rddreg [dreg:$0x0]  }
0x2: {  	s4 =	rddreg [dreg:$0x1]  }
0x3: {  	s5 =	rddreg [dreg:$0x2]  }
0x4: {  	s0 =	rddreg [dreg:$0x3];
	s6 =	srdreg.scid  }
0x5: {  	s1 =	stileid.u32;
	s2 =	simm.s32 $0x0;
	s12 =	simm.s32 $0x8000  }
0x6: {  	s13 =	simm.s32 $0x8100;
	s6 =	sand.u32 $0x1, s6;
	s7 =	sshll.u32 s1, $0x1  }
0x7: {  	s14 =	simm.s32 $0x0;
	[smem:$0x7FF] =	sst s2;
	s7 =	sor.u32 s6, s7  }
0x8: {  	_ =	strace $0x80000047;
	s6 =	ssub.s32 $0x2, s6;
	s8 =	sshll.u32 s7, $0xB  }
0x9: {  	s9 =	sshll.u32 s7, $0x5;
	s10 =	sshrl.u32 s6, $0x1;
	s31 =	sshll.u32 s7, $0x8  }
0xa: {  	s8 =	sadd.s32 s8, s4;
	s11 =	sadd.s32 s9, s4;
	s10 =	ssub.s32 s6, s10  }
0xb: {  	s3 =	sadd.s32 s3, s31;
	s5 =	sadd.s32 s5, s9;
	s9 =	simm.s32 $0x10000  }
0xc: {  	v1 =	vlaneseq.u32;
	s4 =	sadd.s32 $0x1000, s8;
	s6 =	sadd.s32 $0x11000, s11;
	s7 =	smax.u32 s10, $0x1  }
0xd: {  	v0 =	vimm.f32 $0.0e+00;
	v2 =	vimm.s32 $0x0;
	v1 =	vmul.u32 $0x40, v1;
	s8 =	simm.s32 $0x800;
	s10 =	simm.s32 $0x1;
	s11 =	simm.s32 $0x4000  }
.LBB2_1:
0xe: {  	[tilespmem:s2], [sflag:$0x1] =	stream.strided.gather [hbm4b:s3+s8], $0x4000, s9, s8, $0x38;
	[tilespmem:$0x8200] =	vst v63  }
0xf: {  	_ =	swait.ge [sflag:s10], $0x4000  }
0x10: {  	[sflag:s10] =	ssyncset.done $0x0  }
0x11: {  	s15 =	simm.s32 $0x4200;
	[sflag:s10] =	ssyncadd.s32 $0xFFFFC000  }
0x12: {  	[tilespmem:s15+$0xFFFFFE00] =	vst v0  }
0x13: {  	[tilespmem:s15+$0x1F0] =	vst v0  }
0x14: {  	[tilespmem:s15+$0x1E0] =	vst v0  }
0x15: {  	[tilespmem:s15+$0x1D0] =	vst v0  }
0x16: {  	[tilespmem:s15+$0x1C0] =	vst v0  }
0x17: {  	[tilespmem:s15+$0x1B0] =	vst v0  }
0x18: {  	[tilespmem:s15+$0x1A0] =	vst v0  }
0x19: {  	[tilespmem:s15+$0x190] =	vst v0  }
0x1a: {  	[tilespmem:s15+$0x180] =	vst v0  }
0x1b: {  	[tilespmem:s15+$0x170] =	vst v0  }
0x1c: {  	[tilespmem:s15+$0x160] =	vst v0  }
0x1d: {  	[tilespmem:s15+$0x150] =	vst v0  }
0x1e: {  	[tilespmem:s15+$0x140] =	vst v0  }
0x1f: {  	[tilespmem:s15+$0x130] =	vst v0  }
0x20: {  	[tilespmem:s15+$0x120] =	vst v0  }
0x21: {  	[tilespmem:s15+$0x110] =	vst v0  }
0x22: {  	[tilespmem:s15+$0x100] =	vst v0  }
0x23: {  	[tilespmem:s15+$0xF0] =	vst v0  }
0x24: {  	[tilespmem:s15+$0xE0] =	vst v0  }
0x25: {  	[tilespmem:s15+$0xD0] =	vst v0  }
0x26: {  	[tilespmem:s15+$0xC0] =	vst v0  }
0x27: {  	[tilespmem:s15+$0xB0] =	vst v0  }
0x28: {  	[tilespmem:s15+$0xA0] =	vst v0  }
0x29: {  	[tilespmem:s15+$0x90] =	vst v0  }
0x2a: {  	[tilespmem:s15+$0x80] =	vst v0  }
0x2b: {  	[tilespmem:s15+$0x70] =	vst v0  }
0x2c: {  	[tilespmem:s15+$0x60] =	vst v0  }
0x2d: {  	[tilespmem:s15+$0x50] =	vst v0  }
0x2e: {  	[tilespmem:s15+$0x40] =	vst v0  }
0x2f: {  	[tilespmem:s15+$0x30] =	vst v0  }
0x30: {  	[tilespmem:s15+$0x20] =	vst v0  }
0x31: {  	[tilespmem:s15+$0x10] =	vst v0  }
0x32: {  	[tilespmem:s15+$0x0] =	vst v0  }
0x33: {  	[tilespmem:s15+$0xFFFFFFF0] =	vst v0  }
0x34: {  	[tilespmem:s15+$0xFFFFFFE0] =	vst v0  }
0x35: {  	[tilespmem:s15+$0xFFFFFFD0] =	vst v0  }
0x36: {  	[tilespmem:s15+$0xFFFFFFC0] =	vst v0  }
0x37: {  	[tilespmem:s15+$0xFFFFFFB0] =	vst v0  }
0x38: {  	[tilespmem:s15+$0xFFFFFFA0] =	vst v0  }
0x39: {  	[tilespmem:s15+$0xFFFFFF90] =	vst v0  }
0x3a: {  	[tilespmem:s15+$0xFFFFFF80] =	vst v0  }
0x3b: {  	[tilespmem:s15+$0xFFFFFF70] =	vst v0  }
0x3c: {  	[tilespmem:s15+$0xFFFFFF60] =	vst v0  }
0x3d: {  	[tilespmem:s15+$0xFFFFFF50] =	vst v0  }
0x3e: {  	[tilespmem:s15+$0xFFFFFF40] =	vst v0  }
0x3f: {  	[tilespmem:s15+$0xFFFFFF30] =	vst v0  }
0x40: {  	[tilespmem:s15+$0xFFFFFF20] =	vst v0  }
0x41: {  	[tilespmem:s15+$0xFFFFFF10] =	vst v0  }
0x42: {  	[tilespmem:s15+$0xFFFFFF00] =	vst v0  }
0x43: {  	[tilespmem:s15+$0xFFFFFEF0] =	vst v0  }
0x44: {  	[tilespmem:s15+$0xFFFFFEE0] =	vst v0  }
0x45: {  	[tilespmem:s15+$0xFFFFFED0] =	vst v0  }
0x46: {  	[tilespmem:s15+$0xFFFFFEC0] =	vst v0  }
0x47: {  	[tilespmem:s15+$0xFFFFFEB0] =	vst v0  }
0x48: {  	[tilespmem:s15+$0xFFFFFEA0] =	vst v0  }
0x49: {  	[tilespmem:s15+$0xFFFFFE90] =	vst v0  }
0x4a: {  	[tilespmem:s15+$0xFFFFFE80] =	vst v0  }
0x4b: {  	[tilespmem:s15+$0xFFFFFE70] =	vst v0  }
0x4c: {  	[tilespmem:s15+$0xFFFFFE60] =	vst v0  }
0x4d: {  	[tilespmem:s15+$0xFFFFFE50] =	vst v0  }
0x4e: {  	[tilespmem:s15+$0xFFFFFE40] =	vst v0  }
0x4f: {  	[tilespmem:s15+$0xFFFFFE30] =	vst v0  }
0x50: {  	s16 =	sand.u32 $0x70, s2;
	s17 =	sand.u32 $0x400, s2;
	[tilespmem:s15+$0xFFFFFE20] =	vst v0  }
0x51: {  	s31 =	sor.u32 s16, s17;
	[tilespmem:s15+$0xFFFFFE10] =	vst v0  }
0x52: {  	v3 =	vld [tilespmem:s31+$0x0];
	_ =	sdelay $0x1  }
0x53: {  	v4 =	vld [tilespmem:s31+$0x80];
	_ =	sdelay $0x2  }
0x54: {  	vm0 =	vgt.f32 v3, $-Inf  }
0x55: {  	v5 =	vld [tilespmem:s31+$0x100];
	v3 =	vnsel vm0, $0xFF800000, v3  }
0x56: {  	vm14 =	vlt.f32 v4, $-Inf;
	vm1 =	vgt.f32 v4, $-Inf;
	vm2 =	vgt.f32 v4, v3  }
0x57: {  	vm0 =	vmor vm1, vm14;
	vm15 =	vmneg vm2  }
0x58: {  	vm7 =	vmand vm0, vm15  }
0x59: {  	v10 =	vsel vm15, v3, v4;
	v4 =	vnsel vm7, $0xFF800000, v4  }
0x5a: {  	v7 =	vld [tilespmem:s31+$0x180];
	vm9 =	vgt.f32 v5, v10;
	v3 =	vsel vm15, v4, v3  }
0x5b: {  	vm1 =	vmneg vm9;
	vm10 =	vgt.f32 v5, v3  }
0x5c: {  	v4 =	vimm.s32 $0x0;
	vm0 =	vmand vm1, vm10  }
0x5d: {  	v4 =	vsel vm0, $0xFFFFFFFF, v4  }
0x5e: {  	v3 =	vsel vm0, v5, v3;
	v5 =	vsel vm1, v10, v5;
	[tilespmem:$0x1FAC0] =	vst v4;
	v4 =	vld [tilespmem:s31+$0x200]  }
0x5f: {  	v3 =	vsel vm1, v3, v10;
	vm11 =	vgt.f32 v7, v5  }
0x60: {  	v6 =	vimm.s32 $0x0;
	vm0 =	vmneg vm11;
	vm12 =	vgt.f32 v7, v3  }
0x61: {  	v6 =	vsel vm2, $0xFFFFFFFF, v6;
	vm2 =	vmand vm0, vm12  }
0x62: {  	v12 =	vsel vm0, v5, v7;
	v3 =	vsel vm2, v7, v3  }
0x63: {  	v8 =	vld [tilespmem:s31+$0x280];
	v3 =	vsel vm0, v3, v5;
	vm13 =	vgt.f32 v4, v12  }
0x64: {  	v11 =	vimm.s32 $0x0;
	vm14 =	vgt.f32 v4, v3;
	vm6 =	vmneg vm13  }
0x65: {  	[tilespmem:$0x1FAB0] =	vst v6;
	v6 =	vsel vm2, $0xFFFFFFFF, v11;
	v5 =	vimm.s32 $0x0;
	vm2 =	vmand vm6, vm14  }
0x66: {  	v5 =	vsel vm2, $0xFFFFFFFF, v5  }
0x67: {  	v13 =	vld [tilespmem:s31+$0x300];
	v3 =	vsel vm2, v4, v3;
	[tilespmem:$0x1FAE0] =	vst v5;
	v5 =	vsel vm6, v12, v4  }
0x68: {  	v3 =	vsel vm6, v3, v12;
	vm15 =	vgt.f32 v8, v5  }
0x69: {  	vm4 =	vgt.f32 v8, v3;
	vm12 =	vmneg vm15  }
0x6a: {  	v4 =	vimm.s32 $0x0;
	vm2 =	vmand vm12, vm4  }
0x6b: {  	v14 =	vsel vm12, v5, v8;
	v4 =	vsel vm2, $0xFFFFFFFF, v4;
	v3 =	vsel vm2, v8, v3  }
0x6c: {  	vm5 =	vgt.f32 v13, v14;
	[tilespmem:$0x1FAF0] =	vst v4;
	v4 =	vld [tilespmem:s31+$0x380];
	v3 =	vsel vm12, v3, v5  }
0x6d: {  	vm2 =	vmneg vm5;
	vm3 =	vgt.f32 v13, v3  }
0x6e: {  	v5 =	vimm.s32 $0x0;
	vm3 =	vmand vm2, vm3  }
0x6f: {  	v5 =	vsel vm3, $0xFFFFFFFF, v5  }
0x70: {  	v15 =	vsel vm2, v14, v13;
	v3 =	vsel vm3, v13, v3;
	[tilespmem:$0x1FB00] =	vst v5;
	v5 =	vld [tilespmem:s31+$0x800]  }
0x71: {  	v3 =	vsel vm2, v3, v14;
	vm8 =	vgt.f32 v4, v15  }
0x72: {  	vm9 =	vgt.f32 v4, v3;
	vm8 =	vmneg vm8  }
0x73: {  	vm3 =	vmand vm8, vm9  }
0x74: {  	v17 =	vld [tilespmem:s31+$0x880];
	v18 =	vsel vm8, v15, v4;
	v3 =	vsel vm3, v4, v3  }
0x75: {  	vm10 =	vgt.f32 v5, v18;
	v3 =	vsel vm8, v3, v15  }
0x76: {  	v16 =	vimm.s32 $0x0;
	vm4 =	vmneg vm10;
	vm11 =	vgt.f32 v5, v3  }
0x77: {  	[tilespmem:$0x1FAD0] =	vst v6;
	v6 =	vsel vm3, $0xFFFFFFFF, v16;
	v4 =	vimm.s32 $0x0;
	vm3 =	vmand vm4, vm11  }
0x78: {  	v19 =	vsel vm4, v18, v5;
	v4 =	vsel vm3, $0xFFFFFFFF, v4;
	v3 =	vsel vm3, v5, v3  }
0x79: {  	vm13 =	vgt.f32 v17, v19;
	[tilespmem:$0x1FB20] =	vst v4;
	v4 =	vld [tilespmem:s31+$0x900];
	v3 =	vsel vm4, v3, v18  }
0x7a: {  	vm3 =	vmneg vm13;
	vm5 =	vgt.f32 v17, v3  }
0x7b: {  	v5 =	vimm.s32 $0x0;
	vm5 =	vmand vm3, vm5  }
0x7c: {  	v5 =	vsel vm5, $0xFFFFFFFF, v5  }
0x7d: {  	v20 =	vld [tilespmem:s31+$0x980];
	v3 =	vsel vm5, v17, v3;
	[tilespmem:$0x1FB30] =	vst v5;
	v5 =	vsel vm3, v19, v17  }
0x7e: {  	v3 =	vsel vm3, v3, v19;
	vm14 =	vgt.f32 v4, v5  }
0x7f: {  	vm15 =	vgt.f32 v4, v3;
	vm14 =	vmneg vm14  }
0x80: {  	vm5 =	vmand vm14, vm15  }
0x81: {  	v3 =	vsel vm5, v4, v3;
	v4 =	vsel vm14, v5, v4  }
0x82: {  	v22 =	vld [tilespmem:s31+$0xA00];
	vm9 =	vgt.f32 v20, v4  }
0x83: {  	v3 =	vsel vm14, v3, v5;
	v5 =	vimm.s32 $0x0;
	vm9 =	vmneg vm9  }
0x84: {  	v21 =	vimm.s32 $0x0;
	vm10 =	vgt.f32 v20, v3;
	v5 =	vsel vm9, $0xFFFFFFFF, v5  }
0x85: {  	v7 =	vsel vm5, $0xFFFFFFFF, v21;
	vm5 =	vmand vm9, vm10;
	[tilespmem:$0x1FB60] =	vst v5;
	v5 =	vimm.s32 $0x0  }
0x86: {  	v23 =	vsel vm9, v4, v20;
	v3 =	vsel vm5, v20, v3;
	v5 =	vsel vm5, $0xFFFFFFFF, v5  }
0x87: {  	vm11 =	vgt.f32 v22, v23;
	v3 =	vsel vm9, v3, v4;
	[tilespmem:$0x1FB50] =	vst v5;
	v5 =	vld [tilespmem:s31+$0xA80]  }
0x88: {  	vm5 =	vmneg vm11;
	vm9 =	vgt.f32 v22, v3  }
0x89: {  	v4 =	vimm.s32 $0x0;
	vm9 =	vmand vm5, vm9  }
0x8a: {  	v4 =	vsel vm9, $0xFFFFFFFF, v4  }
0x8b: {  	v24 =	vsel vm5, v23, v22;
	v3 =	vsel vm9, v22, v3;
	[tilespmem:$0x1FB70] =	vst v4;
	v4 =	vld [tilespmem:s31+$0xB00]  }
0x8c: {  	v3 =	vsel vm5, v3, v23;
	vm13 =	vgt.f32 v5, v24  }
0x8d: {  	vm15 =	vgt.f32 v5, v3;
	vm10 =	vmneg vm13  }
0x8e: {  	vm9 =	vmand vm10, vm15  }
0x8f: {  	v25 =	vimm.s32 $0x0;
	v28 =	vsel vm10, v24, v5;
	v3 =	vsel vm9, v5, v3  }
0x90: {  	v26 =	vimm.s32 $0x0;
	v27 =	vld [tilespmem:s31+$0xB80];
	vm13 =	vgt.f32 v4, v28;
	v3 =	vsel vm10, v3, v24  }
0x91: {  	[tilespmem:$0x1FB40] =	vst v7;
	v7 =	vsel vm10, $0xFFFFFFFF, v25;
	vm10 =	vmneg vm13;
	vm15 =	vgt.f32 v4, v3  }
0x92: {  	[tilespmem:$0x1FB90] =	vst v7;
	v7 =	vsel vm9, $0xFFFFFFFF, v26;
	v5 =	vimm.s32 $0x0;
	vm9 =	vmand vm10, vm15  }
0x93: {  	v29 =	vld [tilespmem:s31+$0x1000];
	v5 =	vsel vm9, $0xFFFFFFFF, v5  }
0x94: {  	v3 =	vsel vm9, v4, v3;
	[tilespmem:$0x1FBA0] =	vst v5;
	v5 =	vsel vm10, v28, v4  }
0x95: {  	v3 =	vsel vm10, v3, v28;
	vm13 =	vgt.f32 v27, v5  }
0x96: {  	vm15 =	vgt.f32 v27, v3;
	vm13 =	vmneg vm13  }
0x97: {  	v4 =	vimm.s32 $0x0;
	vm9 =	vmand vm13, vm15;
	v30 =	vsel vm13, v5, v27  }
0x98: {  	v4 =	vsel vm9, $0xFFFFFFFF, v4;
	v3 =	vsel vm9, v27, v3;
	vm15 =	vgt.f32 v29, v30  }
0x99: {  	v3 =	vsel vm13, v3, v5;
	vm11 =	vmneg vm15;
	v5 =	vimm.s32 $0x0  }
0x9a: {  	[tilespmem:$0x1FBB0] =	vst v4;
	v4 =	vld [tilespmem:s31+$0x1080];
	v5 =	vsel vm11, $0xFFFFFFFF, v5;
	vm15 =	vgt.f32 v29, v3  }
0x9b: {  	[tilespmem:$0x1FBD0] =	vst v5;
	vm9 =	vmand vm11, vm15;
	v5 =	vimm.s32 $0x0  }
0x9c: {  	v5 =	vsel vm9, $0xFFFFFFFF, v5  }
0x9d: {  	[tilespmem:$0x1FBC0] =	vst v5;
	v5 =	vld [tilespmem:s31+$0x1100]  }
0x9e: {  	v31 =	vsel vm11, v30, v29;
	v3 =	vsel vm9, v29, v3  }
0x9f: {  	v3 =	vsel vm11, v3, v30;
	vm15 =	vgt.f32 v4, v31  }
0xa0: {  	v32 =	vimm.s32 $0x0;
	vm11 =	vmneg vm15;
	vm15 =	vgt.f32 v4, v3  }
0xa1: {  	v33 =	vimm.s32 $0x0;
	v34 =	vld [tilespmem:s31+$0x1180];
	vm9 =	vmand vm11, vm15;
	v35 =	vsel vm11, v31, v4  }
0xa2: {  	[tilespmem:$0x1FB10] =	vst v6;
	v6 =	vsel vm11, $0xFFFFFFFF, v32;
	v3 =	vsel vm9, v4, v3;
	vm15 =	vgt.f32 v5, v35  }
0xa3: {  	v4 =	vimm.s32 $0x0;
	v3 =	vsel vm11, v3, v31;
	vm11 =	vmneg vm15  }
0xa4: {  	[tilespmem:$0x1FBF0] =	vst v6;
	v6 =	vsel vm9, $0xFFFFFFFF, v33;
	vm15 =	vgt.f32 v5, v3;
	v4 =	vsel vm11, $0xFFFFFFFF, v4  }
0xa5: {  	vm9 =	vmand vm11, vm15;
	v36 =	vsel vm11, v35, v5;
	[tilespmem:$0x1FC10] =	vst v4;
	v4 =	vimm.s32 $0x0  }
0xa6: {  	v3 =	vsel vm9, v5, v3;
	vm15 =	vgt.f32 v34, v36;
	v5 =	vimm.s32 $0x0  }
0xa7: {  	v4 =	vsel vm9, $0xFFFFFFFF, v4;
	v3 =	vsel vm11, v3, v35;
	vm11 =	vmneg vm15  }
0xa8: {  	[tilespmem:$0x1FC00] =	vst v4;
	v4 =	vld [tilespmem:s31+$0x1200];
	v5 =	vsel vm11, $0xFFFFFFFF, v5;
	vm15 =	vgt.f32 v34, v3  }
0xa9: {  	[tilespmem:$0x1FC30] =	vst v5;
	vm9 =	vmand vm11, vm15;
	v5 =	vimm.s32 $0x0  }
0xaa: {  	v5 =	vsel vm9, $0xFFFFFFFF, v5  }
0xab: {  	[tilespmem:$0x1FC20] =	vst v5;
	v5 =	vld [tilespmem:s31+$0x1280]  }
0xac: {  	v37 =	vsel vm11, v36, v34;
	v3 =	vsel vm9, v34, v3  }
0xad: {  	v3 =	vsel vm11, v3, v36;
	vm15 =	vgt.f32 v4, v37  }
0xae: {  	v38 =	vimm.s32 $0x0;
	vm11 =	vmneg vm15;
	vm15 =	vgt.f32 v4, v3  }
0xaf: {  	v39 =	vimm.s32 $0x0;
	v40 =	vld [tilespmem:s31+$0x1300];
	vm9 =	vmand vm11, vm15;
	v41 =	vsel vm11, v37, v4  }
0xb0: {  	[tilespmem:$0x1FBE0] =	vst v6;
	v6 =	vsel vm11, $0xFFFFFFFF, v38;
	v3 =	vsel vm9, v4, v3;
	vm15 =	vgt.f32 v5, v41  }
0xb1: {  	v4 =	vimm.s32 $0x0;
	v3 =	vsel vm11, v3, v37;
	vm11 =	vmneg vm15  }
0xb2: {  	[tilespmem:$0x1FC50] =	vst v6;
	v6 =	vsel vm9, $0xFFFFFFFF, v39;
	v4 =	vsel vm11, $0xFFFFFFFF, v4;
	vm15 =	vgt.f32 v5, v3  }
0xb3: {  	v42 =	vsel vm11, v41, v5;
	[tilespmem:$0x1FC70] =	vst v4;
	vm9 =	vmand vm11, vm15;
	v4 =	vimm.s32 $0x0  }
0xb4: {  	vm15 =	vgt.f32 v40, v42;
	v4 =	vsel vm9, $0xFFFFFFFF, v4;
	v3 =	vsel vm9, v5, v3  }
0xb5: {  	v5 =	vimm.s32 $0x0;
	[tilespmem:$0x1FC60] =	vst v4;
	v4 =	vld [tilespmem:s31+$0x1380];
	v3 =	vsel vm11, v3, v41;
	vm11 =	vmneg vm15  }
0xb6: {  	v5 =	vsel vm11, $0xFFFFFFFF, v5;
	vm15 =	vgt.f32 v40, v3  }
0xb7: {  	[tilespmem:$0x1FC90] =	vst v5;
	vm9 =	vmand vm11, vm15;
	v5 =	vimm.s32 $0x0  }
0xb8: {  	v5 =	vsel vm9, $0xFFFFFFFF, v5  }
0xb9: {  	v43 =	vsel vm11, v42, v40;
	v3 =	vsel vm9, v40, v3;
	[tilespmem:$0x1FC80] =	vst v5;
	v5 =	vld [tilespmem:s31+$0x1800]  }
0xba: {  	v3 =	vsel vm11, v3, v42;
	vm15 =	vgt.f32 v4, v43  }
0xbb: {  	vm11 =	vmneg vm15;
	vm15 =	vgt.f32 v4, v3  }
0xbc: {  	vm9 =	vmand vm11, vm15  }
0xbd: {  	v44 =	vimm.s32 $0x0;
	v45 =	vld [tilespmem:s31+$0x1880];
	v46 =	vsel vm11, v43, v4;
	v3 =	vsel vm9, v4, v3  }
0xbe: {  	[tilespmem:$0x1FC40] =	vst v6;
	v6 =	vsel vm9, $0xFFFFFFFF, v44;
	v3 =	vsel vm11, v3, v43;
	vm15 =	vgt.f32 v5, v46  }
0xbf: {  	v4 =	vimm.s32 $0x0;
	vm15 =	vmneg vm15;
	vm9 =	vgt.f32 v5, v3  }
0xc0: {  	v4 =	vsel vm15, $0xFFFFFFFF, v4;
	vm9 =	vmand vm15, vm9  }
0xc1: {  	v47 =	vsel vm15, v46, v5;
	[tilespmem:$0x1FCC0] =	vst v4;
	v4 =	vimm.s32 $0x0;
	v3 =	vsel vm9, v5, v3  }
0xc2: {  	v4 =	vsel vm9, $0xFFFFFFFF, v4;
	v3 =	vsel vm15, v3, v46;
	vm15 =	vgt.f32 v45, v47  }
0xc3: {  	v5 =	vimm.s32 $0x0;
	[tilespmem:$0x1FCB0] =	vst v4;
	v4 =	vld [tilespmem:s31+$0x1900];
	vm15 =	vmneg vm15  }
0xc4: {  	vm9 =	vgt.f32 v45, v3;
	v5 =	vsel vm15, $0xFFFFFFFF, v5  }
0xc5: {  	vm9 =	vmand vm15, vm9;
	[tilespmem:$0x1FCE0] =	vst v5;
	v5 =	vimm.s32 $0x0  }
0xc6: {  	v5 =	vsel vm9, $0xFFFFFFFF, v5  }
0xc7: {  	v48 =	vsel vm15, v47, v45;
	v3 =	vsel vm9, v45, v3;
	[tilespmem:$0x1FCD0] =	vst v5;
	v5 =	vld [tilespmem:s31+$0x1980]  }
0xc8: {  	v3 =	vsel vm15, v3, v47;
	vm15 =	vgt.f32 v4, v48  }
0xc9: {  	vm9 =	vgt.f32 v4, v3;
	vm15 =	vmneg vm15  }
0xca: {  	v49 =	vimm.s32 $0x0;
	v50 =	vimm.s32 $0x0;
	vm9 =	vmand vm15, vm9  }
0xcb: {  	v51 =	vld [tilespmem:s31+$0x1A00];
	[tilespmem:$0x1FCA0] =	vst v6;
	v6 =	vsel vm15, $0xFFFFFFFF, v49;
	v52 =	vsel vm15, v48, v4;
	v3 =	vsel vm9, v4, v3  }
0xcc: {  	[tilespmem:$0x1FD00] =	vst v6;
	v6 =	vsel vm9, $0xFFFFFFFF, v50;
	v3 =	vsel vm15, v3, v48;
	vm15 =	vgt.f32 v5, v52  }
0xcd: {  	v4 =	vimm.s32 $0x0;
	vm15 =	vmneg vm15;
	vm9 =	vgt.f32 v5, v3  }
0xce: {  	v55 =	vimm.s32 $0x0;
	v4 =	vsel vm15, $0xFFFFFFFF, v4;
	vm9 =	vmand vm15, vm9  }
0xcf: {  	v53 =	vsel vm15, v52, v5;
	[tilespmem:$0x1FD20] =	vst v4;
	v4 =	vimm.s32 $0x0;
	v3 =	vsel vm9, v5, v3  }
0xd0: {  	v4 =	vsel vm9, $0xFFFFFFFF, v4;
	v3 =	vsel vm15, v3, v52;
	vm15 =	vgt.f32 v51, v53  }
0xd1: {  	v56 =	vimm.s32 $0x0;
	v5 =	vimm.s32 $0x0;
	[tilespmem:$0x1FD10] =	vst v4;
	v4 =	vld [tilespmem:s31+$0x1A80];
	vm15 =	vmneg vm15  }
0xd2: {  	v63 =	vimm.s32 $0x0;
	vm9 =	vgt.f32 v51, v3;
	v5 =	vsel vm15, $0xFFFFFFFF, v5  }
0xd3: {  	v61 =	vsel vm7, $0x1, v2;
	vm9 =	vmand vm15, vm9;
	[tilespmem:$0x1FD40] =	vst v5;
	v5 =	vimm.s32 $0x0  }
0xd4: {  	v14 =	vimm.s32 $0x0;
	v16 =	vimm.s32 $0x0;
	v5 =	vsel vm9, $0xFFFFFFFF, v5  }
0xd5: {  	v19 =	vimm.s32 $0x0;
	v54 =	vsel vm15, v53, v51;
	v3 =	vsel vm9, v51, v3;
	[tilespmem:$0x1FD30] =	vst v5;
	v5 =	vld [tilespmem:s31+$0x1B00]  }
0xd6: {  	v22 =	vimm.s32 $0x0;
	v3 =	vsel vm15, v3, v53;
	vm15 =	vgt.f32 v4, v54  }
0xd7: {  	v23 =	vimm.s32 $0x0;
	vm9 =	vgt.f32 v4, v3;
	vm15 =	vmneg vm15  }
0xd8: {  	v27 =	vimm.s32 $0x0;
	v30 =	vimm.s32 $0x0;
	vm9 =	vmand vm15, vm9  }
0xd9: {  	v34 =	vimm.s32 $0x0;
	v58 =	vsel vm15, v54, v4;
	v3 =	vsel vm9, v4, v3  }
0xda: {  	v57 =	vld [tilespmem:s31+$0x1B80];
	[tilespmem:$0x1FCF0] =	vst v6;
	v6 =	vsel vm15, $0xFFFFFFFF, v55;
	v3 =	vsel vm15, v3, v54;
	vm15 =	vgt.f32 v5, v58  }
0xdb: {  	v38 =	vimm.s32 $0x0;
	v4 =	vimm.s32 $0x0;
	vm15 =	vmneg vm15  }
0xdc: {  	[tilespmem:$0x1FD60] =	vst v6;
	v6 =	vsel vm9, $0xFFFFFFFF, v56;
	vm9 =	vgt.f32 v5, v3;
	v4 =	vsel vm15, $0xFFFFFFFF, v4  }
0xdd: {  	v44 =	vimm.s32 $0x0;
	vm9 =	vmand vm15, vm9;
	[tilespmem:$0x1FD80] =	vst v4;
	v4 =	vimm.s32 $0x0  }
0xde: {  	v59 =	vsel vm15, v58, v5;
	v3 =	vsel vm9, v5, v3;
	v4 =	vsel vm9, $0xFFFFFFFF, v4  }
0xdf: {  	v43 =	vimm.s32 $0x0;
	v3 =	vsel vm15, v3, v58;
	vm15 =	vgt.f32 v57, v59;
	[tilespmem:$0x1FD70] =	vst v4;
	v4 =	vld [tilespmem:s31+$0x2000]  }
0xe0: {  	v62 =	vld [tilespmem:$0x1FAB0];
	v47 =	vimm.s32 $0x0;
	v5 =	vimm.s32 $0x0;
	vm15 =	vmneg vm15  }
0xe1: {  	v9 =	vld [tilespmem:$0x1FAC0];
	v52 =	vimm.s32 $0x0;
	vm9 =	vgt.f32 v57, v3;
	v5 =	vsel vm15, $0xFFFFFFFF, v5  }
0xe2: {  	v53 =	vimm.s32 $0x0;
	vm9 =	vmand vm15, vm9;
	[tilespmem:$0x1FDA0] =	vst v5;
	v5 =	vimm.s32 $0x0  }
0xe3: {  	v13 =	vld [tilespmem:$0x1FAD0];
	v60 =	vsel vm15, v59, v57;
	v3 =	vsel vm9, v57, v3;
	v5 =	vsel vm9, $0xFFFFFFFF, v5  }
0xe4: {  	v58 =	vimm.s32 $0x0;
	v3 =	vsel vm15, v3, v59;
	[tilespmem:$0x1FD90] =	vst v5;
	v5 =	vld [tilespmem:s31+$0x2080];
	vm15 =	vgt.f32 v4, v60  }
0xe5: {  	vm7 =	vgt.f32 v4, v3;
	vm9 =	vmneg vm15;
	vm15 =	vnez.u8 v62  }
0xe6: {  	[tilespmem:$0x1FB80] =	vst v7;
	v7 =	vsel vm15, $0x1, v2;
	vm15 =	vnez.u8 v9;
	vm7 =	vmand vm9, vm7  }
0xe7: {  	v10 =	vld [tilespmem:$0x1FAE0];
	[tilespmem:$0x1FD50] =	vst v6;
	v6 =	vsel vm15, $0x2, v61;
	v9 =	vsel vm7, $0xFFFFFFFF, v63;
	v3 =	vsel vm7, v4, v3  }
0xe8: {  	v4 =	vsel vm9, v60, v4;
	vm15 =	vnez.u8 v13;
	v6 =	vsel vm1, v6, v7  }
0xe9: {  	v12 =	vld [tilespmem:s31+$0x2100];
	v7 =	vnsel vm1, $0x2, v7;
	v3 =	vsel vm9, v3, v60;
	vm1 =	vgt.f32 v5, v4  }
0xea: {  	v17 =	vld [tilespmem:$0x1FAF0];
	v6 =	vsel vm15, $0x3, v6;
	vm7 =	vmneg vm1;
	vm15 =	vgt.f32 v5, v3  }
0xeb: {  	v63 =	vimm.s32 $0x0;
	v6 =	vsel vm0, v6, v7;
	vm1 =	vmand vm7, vm15  }
0xec: {  	v21 =	vld [tilespmem:$0x1FB00];
	v7 =	vnsel vm0, $0x3, v7;
	vm15 =	vnez.u8 v10;
	v8 =	vsel vm1, $0xFFFFFFFF, v14  }
0xed: {  	v3 =	vsel vm1, v5, v3;
	v5 =	vsel vm7, v4, v5;
	v6 =	vsel vm15, $0x4, v6  }
0xee: {  	v15 =	vld [tilespmem:s31+$0x2180];
	v18 =	vnsel vm6, $0x4, v7;
	v3 =	vsel vm7, v3, v4;
	vm15 =	vgt.f32 v12, v5  }
0xef: {  	v4 =	vsel vm6, v6, v7;
	vm1 =	vmneg vm15;
	vm15 =	vnez.u8 v17  }
0xf0: {  	v25 =	vld [tilespmem:$0x1FB10];
	vm0 =	vgt.f32 v12, v3;
	v6 =	vsel vm1, $0xFFFFFFFF, v16;
	v4 =	vsel vm15, $0x5, v4  }
0xf1: {  	[tilespmem:$0x1FDB0] =	vst v9;
	vm0 =	vmand vm1, vm0;
	v9 =	vsel vm1, v5, v12;
	vm15 =	vnez.u8 v21  }
0xf2: {  	v16 =	vimm.s32 $0x0;
	v7 =	vsel vm0, $0xFFFFFFFF, v19;
	v4 =	vsel vm12, v4, v18  }
0xf3: {  	v3 =	vsel vm0, v12, v3;
	vm6 =	vgt.f32 v15, v9;
	v12 =	vimm.s32 $0x0  }
0xf4: {  	v26 =	vld [tilespmem:$0x1FB20];
	v4 =	vsel vm15, $0x6, v4;
	v3 =	vsel vm1, v3, v5;
	v5 =	vnsel vm12, $0x5, v18  }
0xf5: {  	v20 =	vld [tilespmem:s31+$0x2200];
	vm12 =	vmneg vm6;
	vm6 =	vnez.u8 v25;
	v18 =	vimm.s32 $0x0  }
0xf6: {  	[tilespmem:$0x1FDE0] =	vst v6;
	v6 =	vsel vm12, $0xFFFFFFFF, v22;
	vm15 =	vgt.f32 v15, v3;
	v4 =	vsel vm2, v4, v5  }
0xf7: {  	[tilespmem:$0x1FDC0] =	vst v8;
	v5 =	vnsel vm2, $0x6, v5;
	v8 =	vsel vm12, v9, v15;
	vm0 =	vmand vm12, vm15  }
0xf8: {  	v29 =	vld [tilespmem:$0x1FB30];
	[tilespmem:$0x1FE00] =	vst v6;
	v4 =	vsel vm6, $0x7, v4;
	v6 =	vsel vm0, $0xFFFFFFFF, v23;
	v3 =	vsel vm0, v15, v3  }
0xf9: {  	v24 =	vld [tilespmem:s31+$0x2280];
	v4 =	vsel vm8, v4, v5;
	v5 =	vnsel vm8, $0x7, v5;
	vm8 =	vnez.u8 v26  }
0xfa: {  	v3 =	vsel vm12, v3, v9;
	vm12 =	vgt.f32 v20, v8;
	v4 =	vsel vm8, $0x8, v4  }
0xfb: {  	v32 =	vld [tilespmem:$0x1FB40];
	vm6 =	vmneg vm12;
	vm15 =	vgt.f32 v20, v3;
	v4 =	vsel vm4, v4, v5  }
0xfc: {  	v33 =	vld [tilespmem:$0x1FB50];
	[tilespmem:$0x1FDD0] =	vst v7;
	v5 =	vnsel vm4, $0x8, v5;
	vm0 =	vmand vm6, vm15;
	v7 =	vsel vm6, v8, v20  }
0xfd: {  	v28 =	vld [tilespmem:s31+$0x2300];
	vm15 =	vnez.u8 v29;
	v9 =	vsel vm0, $0xFFFFFFFF, v27;
	v3 =	vsel vm0, v20, v3  }
0xfe: {  	v36 =	vld [tilespmem:$0x1FB60];
	vm12 =	vgt.f32 v24, v7;
	v4 =	vsel vm15, $0x9, v4;
	v3 =	vsel vm6, v3, v8  }
0xff: {  	v37 =	vld [tilespmem:$0x1FB70];
	vm8 =	vmneg vm12;
	v4 =	vsel vm3, v4, v5;
	v5 =	vnsel vm3, $0x9, v5  }
0x100: {  	[tilespmem:$0x1FDF0] =	vst v6;
	vm12 =	vnez.u8 v32;
	vm4 =	vgt.f32 v24, v3;
	v6 =	vsel vm8, v7, v24  }
0x101: {  	v31 =	vld [tilespmem:s31+$0x2380];
	v4 =	vsel vm12, $0xA, v4;
	vm12 =	vnez.u8 v33;
	vm0 =	vmand vm8, vm4  }
0x102: {  	v40 =	vld [tilespmem:$0x1FB80];
	vm15 =	vgt.f32 v28, v6;
	v4 =	vsel vm14, v4, v5;
	v5 =	vnsel vm14, $0xA, v5  }
0x103: {  	vm14 =	vnez.u8 v36;
	v8 =	vsel vm0, $0xFFFFFFFF, v30;
	v3 =	vsel vm0, v24, v3  }
0x104: {  	vm3 =	vmneg vm15;
	v4 =	vsel vm12, $0xB, v4;
	vm15 =	vnez.u8 v37  }
0x105: {  	[tilespmem:$0x1FE10] =	vst v9;
	v3 =	vsel vm8, v3, v7;
	v4 =	vsel vm14, v4, v5;
	v9 =	vsel vm3, v6, v28  }
0x106: {  	v35 =	vld [tilespmem:s31+$0x2800];
	v5 =	vnsel vm14, $0xB, v5;
	vm4 =	vgt.f32 v28, v3;
	v4 =	vsel vm15, $0xC, v4  }
0x107: {  	v42 =	vld [tilespmem:$0x1FBA0];
	vm15 =	vnez.u8 v40;
	vm0 =	vmand vm3, vm4;
	vm4 =	vgt.f32 v31, v9  }
0x108: {  	v41 =	vld [tilespmem:$0x1FB90];
	v4 =	vsel vm5, v4, v5;
	v5 =	vnsel vm5, $0xC, v5;
	v3 =	vsel vm0, v28, v3  }
0x109: {  	v7 =	vsel vm0, $0xFFFFFFFF, v34;
	vm12 =	vmneg vm4;
	v3 =	vsel vm3, v3, v6  }
0x10a: {  	v39 =	vld [tilespmem:s31+$0x2880];
	[tilespmem:$0x1FE20] =	vst v8;
	v4 =	vsel vm15, $0xD, v4;
	v8 =	vsel vm12, v9, v31;
	vm14 =	vgt.f32 v31, v3  }
0x10b: {  	vm5 =	vmmov vm12;
	vm4 =	vgt.f32 v35, v8;
	vm0 =	vmand vm12, vm14  }
0x10c: {  	v46 =	vld [tilespmem:$0x1FBB0];
	vm14 =	vmneg vm4;
	vm4 =	vnez.u8 v42;
	v3 =	vsel vm0, v31, v3  }
0x10d: {  	v49 =	vld [tilespmem:$0x1FBC0];
	v6 =	vsel vm0, $0xFFFFFFFF, v38;
	v3 =	vsel vm12, v3, v9;
	vm12 =	vnez.u8 v41  }
0x10e: {  	v45 =	vld [tilespmem:s31+$0x2900];
	[tilespmem:$0x1FE30] =	vst v7;
	v7 =	vsel vm14, v8, v35;
	v9 =	vsel vm14, $0xFFFFFFFF, v43;
	v4 =	vsel vm12, v4, v5  }
0x10f: {  	vm15 =	vgt.f32 v35, v3;
	v5 =	vnsel vm12, $0xD, v5;
	vm12 =	vgt.f32 v39, v7  }
0x110: {  	v4 =	vsel vm4, $0xE, v4;
	vm0 =	vmand vm14, vm15;
	vm4 =	vmneg vm12  }
0x111: {  	v50 =	vld [tilespmem:$0x1FBD0];
	[tilespmem:$0x1FE60] =	vst v9;
	v9 =	vsel vm0, $0xFFFFFFFF, v44;
	v4 =	vsel vm10, v4, v5;
	v3 =	vsel vm0, v35, v3  }
0x112: {  	v51 =	vld [tilespmem:$0x1FBE0];
	[tilespmem:$0x1FE40] =	vst v6;
	v5 =	vnsel vm10, $0xE, v5;
	v6 =	vsel vm4, v7, v39;
	vm10 =	vnez.u8 v49  }
0x113: {  	v3 =	vsel vm14, v3, v8;
	vm14 =	vnez.u8 v46;
	vm12 =	vgt.f32 v45, v6  }
0x114: {  	v55 =	vld [tilespmem:$0x1FBF0];
	v4 =	vsel vm14, $0xF, v4;
	vm15 =	vgt.f32 v39, v3;
	vm14 =	vmneg vm12  }
0x115: {  	v56 =	vld [tilespmem:$0x1FC00];
	v4 =	vsel vm13, v4, v5;
	vm0 =	vmand vm4, vm15;
	v5 =	vnsel vm13, $0xF, v5  }
0x116: {  	v60 =	vld [tilespmem:$0x1FC20];
	[tilespmem:$0x1FE50] =	vst v9;
	vm13 =	vnez.u8 v50;
	v9 =	vsel vm14, v6, v45;
	v8 =	vsel vm0, $0xFFFFFFFF, v47  }
0x117: {  	v48 =	vld [tilespmem:s31+$0x2980];
	v3 =	vsel vm0, v39, v3;
	v4 =	vsel vm10, $0x10, v4;
	vm10 =	vnez.u8 v51  }
0x118: {  	v57 =	vld [tilespmem:$0x1FC10];
	v3 =	vsel vm4, v3, v7;
	v4 =	vsel vm13, v4, v5;
	v5 =	vnsel vm13, $0x10, v5  }
0x119: {  	vm13 =	vnez.u8 v55;
	vm15 =	vgt.f32 v45, v3;
	v4 =	vsel vm10, $0x11, v4  }
0x11a: {  	v62 =	vld [tilespmem:$0x1FC40];
	v7 =	vsel vm14, $0xFFFFFFFF, v52;
	vm12 =	vmand vm14, vm15;
	v4 =	vsel vm13, v4, v5  }
0x11b: {  	v61 =	vld [tilespmem:$0x1FC30];
	v5 =	vnsel vm13, $0x11, v5;
	vm15 =	vnez.u8 v56;
	vm13 =	vnez.u8 v60  }
0x11c: {  	v54 =	vld [tilespmem:s31+$0x2A00];
	[tilespmem:$0x1FE90] =	vst v7;
	v7 =	vsel vm12, $0xFFFFFFFF, v53;
	v3 =	vsel vm12, v45, v3;
	v4 =	vsel vm15, $0x12, v4  }
0x11d: {  	v14 =	vld [tilespmem:$0x1FC50];
	vm12 =	vnez.u8 v57;
	v3 =	vsel vm14, v3, v6;
	vm14 =	vgt.f32 v48, v9  }
0x11e: {  	v4 =	vsel vm12, v4, v5;
	v5 =	vnsel vm12, $0x12, v5;
	vm15 =	vmneg vm14  }
0x11f: {  	v15 =	vld [tilespmem:$0x1FC60];
	vm10 =	vgt.f32 v48, v3;
	v4 =	vsel vm13, $0x13, v4;
	vm13 =	vnez.u8 v62  }
0x120: {  	[tilespmem:$0x1FE70] =	vst v8;
	vm0 =	vmand vm15, vm10;
	v8 =	vsel vm15, v9, v48;
	vm10 =	vnez.u8 v61  }
0x121: {  	v59 =	vld [tilespmem:s31+$0x2A80];
	v6 =	vsel vm0, $0xFFFFFFFF, v58;
	v3 =	vsel vm0, v48, v3;
	vm14 =	vgt.f32 v54, v8  }
0x122: {  	v21 =	vld [tilespmem:$0x1FC80];
	v4 =	vsel vm10, v4, v5;
	v5 =	vnsel vm10, $0x13, v5;
	vm10 =	vnez.u8 v14  }
0x123: {  	v17 =	vld [tilespmem:$0x1FC70];
	v3 =	vsel vm15, v3, v9;
	vm2 =	vmneg vm14;
	v4 =	vsel vm13, $0x14, v4  }
0x124: {  	vm13 =	vnez.u8 v15;
	vm12 =	vgt.f32 v54, v3;
	v9 =	vsel vm2, $0xFFFFFFFF, v63  }
0x125: {  	v22 =	vld [tilespmem:$0x1FC90];
	[tilespmem:$0x1FE80] =	vst v7;
	v4 =	vsel vm10, v4, v5;
	v7 =	vsel vm2, v8, v54;
	v5 =	vnsel vm10, $0x14, v5  }
0x126: {  	v23 =	vld [tilespmem:$0x1FCA0];
	vm14 =	vmand vm2, vm12;
	vm12 =	vgt.f32 v59, v7;
	v4 =	vsel vm13, $0x15, v4  }
0x127: {  	[tilespmem:$0x1FEC0] =	vst v9;
	vm13 =	vnez.u8 v21;
	v9 =	vsel vm14, $0xFFFFFFFF, v12;
	v3 =	vsel vm14, v54, v3  }
0x128: {  	v13 =	vld [tilespmem:s31+$0x2B00];
	vm14 =	vmneg vm12;
	vm12 =	vnez.u8 v17;
	v3 =	vsel vm2, v3, v8  }
0x129: {  	v28 =	vld [tilespmem:$0x1FCC0];
	v8 =	vsel vm14, $0xFFFFFFFF, v16;
	v4 =	vsel vm12, v4, v5;
	v5 =	vnsel vm12, $0x15, v5  }
0x12a: {  	v27 =	vld [tilespmem:$0x1FCB0];
	v20 =	vsel vm14, v7, v59;
	vm10 =	vgt.f32 v59, v3;
	v4 =	vsel vm13, $0x16, v4  }
0x12b: {  	v30 =	vld [tilespmem:$0x1FCD0];
	vm13 =	vnez.u8 v23;
	vm0 =	vmand vm14, vm10;
	vm10 =	vnez.u8 v22  }
0x12c: {  	[tilespmem:$0x1FEE0] =	vst v8;
	v8 =	vsel vm0, $0xFFFFFFFF, v18;
	v3 =	vsel vm0, v59, v3;
	v4 =	vsel vm10, v4, v5  }
0x12d: {  	v19 =	vld [tilespmem:s31+$0x2B80];
	v5 =	vnsel vm10, $0x16, v5;
	v3 =	vsel vm14, v3, v7;
	vm14 =	vgt.f32 v13, v20  }
0x12e: {  	v4 =	vsel vm13, $0x17, v4;
	vm13 =	vnez.u8 v28;
	vm2 =	vmneg vm14  }
0x12f: {  	v32 =	vld [tilespmem:$0x1FCE0];
	vm12 =	vgt.f32 v13, v3;
	v4 =	vsel vm11, v4, v5;
	vm14 =	vnez.u8 v27  }
0x130: {  	v5 =	vnsel vm11, $0x17, v5;
	vm11 =	vnez.u8 v30;
	vm0 =	vmand vm2, vm12  }
0x131: {  	v26 =	vsel vm2, v20, v13;
	v4 =	vsel vm14, $0x18, v4;
	v3 =	vsel vm0, v13, v3  }
0x132: {  	vm10 =	vgt.f32 v19, v26;
	v4 =	vsel vm13, v4, v5;
	v3 =	vsel vm2, v3, v20  }
0x133: {  	v5 =	vnsel vm13, $0x18, v5;
	vm14 =	vmneg vm10;
	vm12 =	vgt.f32 v19, v3  }
0x134: {  	v4 =	vsel vm11, $0x19, v4;
	vm10 =	vmand vm14, vm12;
	vm12 =	vnez.u8 v32  }
0x135: {  	v10 =	vnsel vm12, $0x19, v5;
	v4 =	vsel vm12, v4, v5;
	v5 =	vld [tilespmem:$0x1FCF0];
	_ =	sdelay $0x1  }
0x136: {  	v25 =	vld [tilespmem:s31+$0x3000];
	_ =	sdelay $0x2  }
0x137: {  	vm11 =	vnez.u8 v5;
	v5 =	vld [tilespmem:$0x1FD00]  }
0x138: {  	v36 =	vld [tilespmem:$0x1FD10];
	[tilespmem:$0x1FED0] =	vst v8;
	v8 =	vsel vm14, v26, v19  }
0x139: {  	v29 =	vimm.s32 $0x0;
	v24 =	vimm.s32 $0x0;
	v37 =	vld [tilespmem:$0x1FD20];
	vm13 =	vgt.f32 v25, v8  }
0x13a: {  	v38 =	vld [tilespmem:$0x1FD30];
	[tilespmem:$0x1FEA0] =	vst v6;
	v6 =	vsel vm0, $0xFFFFFFFF, v24;
	v3 =	vsel vm10, v19, v3;
	vm13 =	vmneg vm13  }
0x13b: {  	v42 =	vld [tilespmem:$0x1FD40];
	[tilespmem:$0x1FEB0] =	vst v9;
	v9 =	vsel vm10, $0xFFFFFFFF, v29;
	v3 =	vsel vm14, v3, v26;
	v35 =	vsel vm13, v8, v25  }
0x13c: {  	vm10 =	vgt.f32 v25, v3;
	v4 =	vsel vm11, $0x1A, v4;
	vm12 =	vnez.u8 v5  }
0x13d: {  	vm0 =	vmand vm13, vm10;
	vm10 =	vnez.u8 v36;
	v4 =	vsel vm12, v4, v10  }
0x13e: {  	v5 =	vnsel vm12, $0x1A, v10;
	vm12 =	vnez.u8 v37;
	v4 =	vsel vm10, $0x1B, v4  }
0x13f: {  	v4 =	vsel vm12, v4, v5;
	v5 =	vnsel vm12, $0x1B, v5;
	vm12 =	vnez.u8 v38  }
0x140: {  	v31 =	vld [tilespmem:s31+$0x3080];
	v3 =	vsel vm0, v25, v3;
	v4 =	vsel vm12, $0x1C, v4;
	vm12 =	vnez.u8 v42  }
0x141: {  	v3 =	vsel vm13, v3, v8;
	v8 =	vnsel vm12, $0x1C, v5;
	v4 =	vsel vm12, v4, v5;
	v5 =	vld [tilespmem:$0x1FD50];
	_ =	sdelay $0x2  }
0x142: {  	v34 =	vld [tilespmem:s31+$0x3100]  }
0x143: {  	v33 =	vimm.s32 $0x0;
	vm11 =	vgt.f32 v31, v35  }
0x144: {  	vm10 =	vmneg vm11;
	vm11 =	vgt.f32 v31, v3;
	vm12 =	vnez.u8 v5;
	v5 =	vld [tilespmem:$0x1FD60]  }
0x145: {  	v40 =	vimm.s32 $0x0;
	v39 =	vimm.s32 $0x0;
	[tilespmem:$0x1FEF0] =	vst v6;
	vm11 =	vmand vm10, vm11  }
0x146: {  	[tilespmem:$0x1FF00] =	vst v9;
	v6 =	vsel vm10, $0xFFFFFFFF, v39;
	v9 =	vsel vm10, v35, v31;
	v3 =	vsel vm11, v31, v3  }
0x147: {  	[tilespmem:$0x1FF30] =	vst v6;
	v6 =	vsel vm11, $0xFFFFFFFF, v40;
	vm11 =	vgt.f32 v34, v9;
	v3 =	vsel vm10, v3, v35  }
0x148: {  	vm10 =	vgt.f32 v34, v3;
	v4 =	vsel vm12, $0x1D, v4;
	vm12 =	vmneg vm11  }
0x149: {  	vm10 =	vmand vm12, vm10;
	vm1 =	vnez.u8 v5;
	v5 =	vimm.s32 $0x0  }
0x14a: {  	v41 =	vld [tilespmem:s31+$0x3180];
	v46 =	vimm.s32 $0x0;
	v51 =	vimm.s32 $0x0;
	v5 =	vsel vm10, $0xFFFFFFFF, v5  }
0x14b: {  	v45 =	vimm.s32 $0x0;
	v57 =	vimm.s32 $0x0;
	v62 =	vimm.s32 $0x0;
	[tilespmem:$0x1FF40] =	vst v5;
	v5 =	vld [tilespmem:$0x1FD70]  }
0x14c: {  	v43 =	vld [tilespmem:$0x1FD80];
	v15 =	vimm.s32 $0x0;
	v21 =	vimm.s32 $0x0;
	v30 =	vimm.s32 $0x0  }
0x14d: {  	v44 =	vld [tilespmem:$0x1FD90];
	v26 =	vimm.s32 $0x0;
	v7 =	vsel vm0, $0xFFFFFFFF, v33;
	v3 =	vsel vm10, v34, v3  }
0x14e: {  	v36 =	vimm.s32 $0x0;
	[tilespmem:$0x1FF10] =	vst v7;
	v7 =	vsel vm12, v9, v34;
	v3 =	vsel vm12, v3, v9  }
0x14f: {  	v48 =	vld [tilespmem:$0x1FDA0];
	vm0 =	vgt.f32 v41, v3;
	v4 =	vsel vm1, v4, v8;
	vm10 =	vgt.f32 v41, v7  }
0x150: {  	v49 =	vld [tilespmem:$0x1FDB0];
	v8 =	vnsel vm1, $0x1D, v8;
	vm10 =	vmneg vm10;
	vm11 =	vnez.u8 v5  }
0x151: {  	vm1 =	vnez.u8 v43;
	v9 =	vsel vm10, $0xFFFFFFFF, v45;
	v5 =	vld [tilespmem:s31+$0x3200];
	v4 =	vsel vm11, $0x1E, v4  }
0x152: {  	[tilespmem:$0x1FF20] =	vst v6;
	v6 =	vsel vm10, v7, v41;
	vm11 =	vnez.u8 v44;
	v4 =	vsel vm1, v4, v8  }
0x153: {  	v52 =	vld [tilespmem:$0x1FDC0];
	v8 =	vnsel vm1, $0x1E, v8;
	vm1 =	vmand vm10, vm0;
	v4 =	vsel vm11, $0x1F, v4  }
0x154: {  	[tilespmem:$0x1FF60] =	vst v9;
	v9 =	vsel vm1, $0xFFFFFFFF, v46;
	vm11 =	vnez.u8 v48;
	v3 =	vsel vm1, v41, v3  }
0x155: {  	v56 =	vld [tilespmem:$0x1FDE0];
	v41 =	vimm.s32 $0x0;
	v10 =	vnsel vm11, $0x1F, v8;
	v4 =	vsel vm11, v4, v8  }
0x156: {  	v47 =	vld [tilespmem:s31+$0x3280];
	v3 =	vsel vm10, v3, v7;
	vm11 =	vnez.u8 v49;
	vm10 =	vgt.f32 v5, v6  }
0x157: {  	v55 =	vld [tilespmem:$0x1FDD0];
	v4 =	vsel vm11, $0x20, v4;
	v50 =	vnsel vm9, $0x20, v10;
	vm11 =	vmneg vm10  }
0x158: {  	v59 =	vld [tilespmem:$0x1FDF0];
	vm10 =	vgt.f32 v5, v3;
	v4 =	vsel vm9, v4, v10;
	vm9 =	vnez.u8 v52  }
0x159: {  	vm10 =	vmand vm11, vm10;
	v4 =	vsel vm9, $0x21, v4;
	v54 =	vsel vm11, v6, v5  }
0x15a: {  	v53 =	vld [tilespmem:s31+$0x3300];
	vm9 =	vnez.u8 v56;
	v8 =	vsel vm10, $0xFFFFFFFF, v51;
	v3 =	vsel vm10, v5, v3  }
0x15b: {  	v60 =	vld [tilespmem:$0x1FE00];
	v5 =	vnsel vm7, $0x21, v50;
	vm10 =	vgt.f32 v47, v54;
	v4 =	vsel vm7, v4, v50  }
0x15c: {  	v61 =	vld [tilespmem:$0x1FE10];
	vm7 =	vnez.u8 v55;
	v3 =	vsel vm11, v3, v6;
	vm10 =	vmneg vm10  }
0x15d: {  	v4 =	vsel vm7, $0x22, v4;
	v6 =	vnsel vm9, $0x22, v5;
	vm7 =	vnez.u8 v59  }
0x15e: {  	v13 =	vld [tilespmem:$0x1FE20];
	vm0 =	vgt.f32 v47, v3;
	v4 =	vsel vm9, v4, v5;
	v58 =	vsel vm10, v54, v47  }
0x15f: {  	vm0 =	vmand vm10, vm0;
	v4 =	vsel vm7, $0x23, v4;
	vm9 =	vgt.f32 v53, v58  }
0x160: {  	v5 =	vld [tilespmem:s31+$0x3380];
	vm7 =	vnez.u8 v60;
	v7 =	vsel vm0, $0xFFFFFFFF, v57;
	v3 =	vsel vm0, v47, v3  }
0x161: {  	v4 =	vsel vm7, v4, v6;
	v6 =	vnsel vm7, $0x23, v6;
	vm7 =	vnez.u8 v61  }
0x162: {  	v16 =	vld [tilespmem:$0x1FE30];
	vm9 =	vmneg vm9;
	v3 =	vsel vm10, v3, v54;
	v4 =	vsel vm7, $0x24, v4  }
0x163: {  	[tilespmem:$0x1FF70] =	vst v8;
	v12 =	vnsel vm6, $0x24, v6;
	v8 =	vsel vm9, v58, v53;
	vm7 =	vnez.u8 v13  }
0x164: {  	v19 =	vld [tilespmem:$0x1FE40];
	vm0 =	vgt.f32 v53, v3;
	v4 =	vsel vm6, v4, v6;
	v14 =	vnsel vm8, $0x25, v12  }
0x165: {  	v23 =	vld [tilespmem:$0x1FE50];
	vm0 =	vmand vm9, vm0;
	vm6 =	vgt.f32 v5, v8;
	v4 =	vsel vm7, $0x25, v4  }
0x166: {  	v63 =	vld [tilespmem:s31+$0x3800];
	[tilespmem:$0x1FF50] =	vst v9;
	v9 =	vsel vm0, $0xFFFFFFFF, v62;
	v3 =	vsel vm0, v53, v3;
	vm7 =	vmneg vm6  }
0x167: {  	v4 =	vsel vm8, v4, v12;
	vm8 =	vnez.u8 v16;
	v3 =	vsel vm9, v3, v58  }
0x168: {  	v4 =	vsel vm8, $0x26, v4;
	v18 =	vsel vm7, v8, v5;
	vm6 =	vgt.f32 v5, v3  }
0x169: {  	v24 =	vld [tilespmem:$0x1FE60];
	vm8 =	vnez.u8 v19;
	v4 =	vsel vm3, v4, v14;
	vm6 =	vmand vm7, vm6  }
0x16a: {  	v17 =	vld [tilespmem:s31+$0x3880];
	[tilespmem:$0x1FF80] =	vst v7;
	v4 =	vsel vm8, $0x27, v4;
	vm8 =	vnez.u8 v23;
	v7 =	vsel vm6, $0xFFFFFFFF, v15  }
0x16b: {  	v25 =	vld [tilespmem:$0x1FE70];
	v3 =	vsel vm6, v5, v3;
	vm6 =	vgt.f32 v63, v18;
	v5 =	vnsel vm3, $0x26, v14  }
0x16c: {  	v28 =	vld [tilespmem:$0x1FE80];
	v3 =	vsel vm7, v3, v8;
	vm6 =	vmneg vm6;
	v20 =	vnsel vm5, $0x27, v5  }
0x16d: {  	v4 =	vsel vm5, v4, v5;
	vm0 =	vgt.f32 v63, v3;
	v22 =	vsel vm6, v18, v63  }
0x16e: {  	v5 =	vld [tilespmem:s31+$0x3900];
	v4 =	vsel vm8, $0x28, v4;
	vm8 =	vnez.u8 v24;
	vm0 =	vmand vm6, vm0  }
0x16f: {  	vm5 =	vgt.f32 v17, v22;
	v4 =	vsel vm8, v4, v20;
	v6 =	vnsel vm8, $0x28, v20  }
0x170: {  	v29 =	vld [tilespmem:$0x1FE90];
	vm8 =	vnez.u8 v25;
	v8 =	vsel vm0, $0xFFFFFFFF, v21;
	v3 =	vsel vm0, v63, v3  }
0x171: {  	vm5 =	vmneg vm5;
	v4 =	vsel vm8, $0x29, v4;
	vm8 =	vnez.u8 v28  }
0x172: {  	v31 =	vld [tilespmem:$0x1FEA0];
	[tilespmem:$0x1FFA0] =	vst v7;
	v3 =	vsel vm6, v3, v18;
	v4 =	vsel vm4, v4, v6;
	v7 =	vsel vm5, v22, v17  }
0x173: {  	v27 =	vld [tilespmem:s31+$0x3980];
	vm0 =	vgt.f32 v17, v3;
	v4 =	vsel vm8, $0x2A, v4;
	vm8 =	vgt.f32 v5, v7  }
0x174: {  	v6 =	vnsel vm4, $0x29, v6;
	vm0 =	vmand vm5, vm0;
	vm4 =	vmneg vm8  }
0x175: {  	v34 =	vld [tilespmem:$0x1FEB0];
	[tilespmem:$0x1FF90] =	vst v9;
	vm8 =	vnez.u8 v29;
	v9 =	vsel vm0, $0xFFFFFFFF, v26;
	v3 =	vsel vm0, v17, v3  }
0x176: {  	v50 =	vld [tilespmem:$0x1FF30];
	[tilespmem:$0x1FFB0] =	vst v8;
	v8 =	vnsel vm8, $0x2A, v6;
	v4 =	vsel vm8, v4, v6;
	v3 =	vsel vm5, v3, v22  }
0x177: {  	v35 =	vld [tilespmem:$0x1FEC0];
	vm8 =	vnez.u8 v31;
	v33 =	vsel vm4, v7, v5;
	vm0 =	vgt.f32 v5, v3  }
0x178: {  	v38 =	vld [tilespmem:$0x1FED0];
	v4 =	vsel vm8, $0x2B, v4;
	vm8 =	vgt.f32 v27, v33;
	vm1 =	vmand vm4, vm0  }
0x179: {  	v39 =	vld [tilespmem:$0x1FEE0];
	v4 =	vsel vm15, v4, v8;
	v6 =	vsel vm1, $0xFFFFFFFF, v30;
	v3 =	vsel vm1, v5, v3  }
0x17a: {  	v32 =	vld [tilespmem:s31+$0x3A00];
	v5 =	vnsel vm15, $0x2B, v8;
	vm15 =	vmneg vm8;
	vm8 =	vnez.u8 v34  }
0x17b: {  	v40 =	vld [tilespmem:$0x1FEF0];
	vm1 =	vnez.u8 v50;
	v3 =	vsel vm4, v3, v7;
	v4 =	vsel vm8, $0x2C, v4  }
0x17c: {  	vm8 =	vnez.u8 v35;
	v37 =	vsel vm15, v33, v27;
	vm0 =	vgt.f32 v27, v3  }
0x17d: {  	v44 =	vld [tilespmem:$0x1FF00];
	v7 =	vnsel vm8, $0x2C, v5;
	v4 =	vsel vm8, v4, v5;
	vm8 =	vnez.u8 v38  }
0x17e: {  	vm0 =	vmand vm15, vm0;
	v4 =	vsel vm8, $0x2D, v4;
	vm8 =	vnez.u8 v39  }
0x17f: {  	v8 =	vsel vm0, $0xFFFFFFFF, v36;
	v3 =	vsel vm0, v27, v3;
	vm0 =	vgt.f32 v32, v37  }
0x180: {  	v5 =	vld [tilespmem:s31+$0x3A80];
	v4 =	vsel vm8, v4, v7;
	v7 =	vnsel vm8, $0x2D, v7;
	vm8 =	vnez.u8 v40  }
0x181: {  	v3 =	vsel vm15, v3, v33;
	vm3 =	vmneg vm0;
	v4 =	vsel vm8, $0x2E, v4  }
0x182: {  	v46 =	vld [tilespmem:$0x1FF10];
	v43 =	vnsel vm2, $0x2E, v7;
	vm8 =	vnez.u8 v44;
	vm0 =	vgt.f32 v32, v3  }
0x183: {  	v11 =	vsel vm3, v37, v32;
	v4 =	vsel vm2, v4, v7;
	vm0 =	vmand vm3, vm0  }
0x184: {  	v42 =	vld [tilespmem:s31+$0x3B00];
	v45 =	vnsel vm14, $0x2F, v43;
	v4 =	vsel vm8, $0x2F, v4;
	v3 =	vsel vm0, v32, v3  }
0x185: {  	v49 =	vld [tilespmem:$0x1FF20];
	[tilespmem:$0x1FFC0] =	vst v9;
	v9 =	vsel vm0, $0xFFFFFFFF, v41;
	vm0 =	vgt.f32 v5, v11;
	v3 =	vsel vm3, v3, v37  }
0x186: {  	v4 =	vsel vm14, v4, v43;
	vm2 =	vmneg vm0;
	vm8 =	vgt.f32 v5, v3  }
0x187: {  	v51 =	vld [tilespmem:$0x1FF40];
	v48 =	vsel vm2, v11, v5;
	vm14 =	vmand vm2, vm8;
	vm8 =	vnez.u8 v46  }
0x188: {  	v47 =	vld [tilespmem:s31+$0x3B80];
	v4 =	vsel vm8, $0x30, v4;
	v3 =	vsel vm14, v5, v3;
	v5 =	vnsel vm13, $0x30, v45  }
0x189: {  	vm8 =	vgt.f32 v42, v48;
	v3 =	vsel vm2, v3, v11;
	v4 =	vsel vm13, v4, v45  }
0x18a: {  	v52 =	vld [tilespmem:$0x1FF50];
	vm13 =	vmneg vm8;
	vm8 =	vnez.u8 v49;
	vm0 =	vgt.f32 v42, v3  }
0x18b: {  	[tilespmem:$0x1FFD0] =	vst v6;
	v6 =	vnsel vm1, $0x31, v5;
	v4 =	vsel vm8, $0x31, v4;
	vm8 =	vmand vm13, vm0  }
0x18c: {  	v4 =	vsel vm1, v4, v5;
	v5 =	vsel vm13, v48, v42;
	vm0 =	vnez.u8 v51  }
0x18d: {  	v3 =	vsel vm8, v42, v3;
	v4 =	vsel vm0, $0x32, v4;
	vm0 =	vgt.f32 v47, v5  }
0x18e: {  	v3 =	vsel vm13, v3, v48;
	v4 =	vsel vm12, v4, v6;
	vm0 =	vmneg vm0  }
0x18f: {  	v53 =	vld [tilespmem:$0x1FF60];
	v6 =	vnsel vm12, $0x32, v6;
	vm12 =	vnez.u8 v52;
	vm1 =	vgt.f32 v47, v3  }
0x190: {  	v54 =	vld [tilespmem:$0x1FF70];
	v4 =	vsel vm12, $0x33, v4;
	vm12 =	vmand vm0, vm1  }
0x191: {  	v3 =	vsel vm12, v47, v3  }
0x192: {  	v55 =	vsel vm0, v5, v47;
	v3 =	vsel vm0, v3, v5;
	v5 =	vld [tilespmem:$0x1FF80];
	_ =	sdelay $0x1  }
0x193: {  	v56 =	vld [tilespmem:$0x1FF90];
	vm1 =	vnez.u8 v53  }
0x194: {  	[tilespmem:$0x1FFE0] =	vst v8;
	v8 =	vnsel vm1, $0x33, v6;
	v4 =	vsel vm1, v4, v6;
	vm1 =	vnez.u8 v54  }
0x195: {  	v4 =	vsel vm1, $0x34, v4;
	v3 =	vsub.f32 v3, v55  }
0x196: {  	v4 =	vsel vm11, v4, v8;
	vm1 =	vnez.u8 v5  }
0x197: {  	v3 =	vmul.f32 $1.442695020e+00, v3;
	v5 =	vnsel vm11, $0x34, v8;
	v4 =	vsel vm1, $0x35, v4  }
0x198: {  	v4 =	vsel vm10, v4, v5;
	v5 =	vnsel vm10, $0x35, v5;
	vm10 =	vnez.u8 v56  }
0x199: {  	v4 =	vsel vm10, $0x36, v4  }
0x19a: {  	(erf) = vpow2.f32 v3;
	v3 =	vnsel vm9, $0x36, v5;
	v4 =	vsel vm9, v4, v5;
	v5 =	vld [tilespmem:$0x1FFA0];
	_ =	sdelay $0x4  }
0x19b: {  	vm11 =	vnez.u8 v5;
	v5 =	vld [tilespmem:$0x1FFB0];
	_ =	sdelay $0x3  }
0x19c: {  	v4 =	vsel vm11, $0x37, v4  }
0x19d: {  	v4 =	vsel vm7, v4, v3;
	v3 =	vnsel vm7, $0x37, v3;
	vm7 =	vnez.u8 v5;
	v5 =	vld [tilespmem:$0x1FFC0];
	_ =	sdelay $0x4  }
0x19e: {  	vm9 =	vnez.u8 v5;
	v5 =	vld [tilespmem:$0x1FFD0];
	_ =	sdelay $0x4  }
0x19f: {  	v4 =	vsel vm7, $0x38, v4;
	vm10 =	vnez.u8 v5;
	v5 =	vld [tilespmem:$0x1FFE0]  }
0x1a0: {  	[tilespmem:$0x1FFF0] =	vst v9;
	v4 =	vsel vm6, v4, v3  }
0x1a1: {  	v58 =	vld [tilespmem:$0x1FFF0];
	v3 =	vnsel vm6, $0x38, v3;
	v4 =	vsel vm9, $0x39, v4  }
0x1a2: {  	v4 =	vsel vm5, v4, v3  }
0x1a3: {  	v3 =	vnsel vm5, $0x39, v3;
	v4 =	vsel vm10, $0x3A, v4  }
0x1a4: {  	v4 =	vsel vm4, v4, v3;
	vm11 =	vnez.u8 v5;
	v5 =	vpop (erf)  }
0x1a5: {  	v3 =	vnsel vm4, $0x3A, v3;
	v4 =	vsel vm11, $0x3B, v4;
	v57 =	vadd.f32 $1.000000000e+00, v5  }
0x1a6: {  	v4 =	vsel vm15, v4, v3;
	v3 =	vnsel vm15, $0x3B, v3;
	vm15 =	vnez.u8 v58  }
0x1a7: {  	v4 =	vsel vm15, $0x3C, v4  }
0x1a8: {  	(erf) = vrcp.f32 v57;
	v4 =	vsel vm3, v4, v3  }
0x1a9: {  	v3 =	vnsel vm3, $0x3C, v3;
	v4 =	vsel vm14, $0x3D, v4  }
0x1aa: {  	v4 =	vsel vm2, v4, v3  }
0x1ab: {  	v59 =	vmov s2;
	v3 =	vnsel vm2, $0x3D, v3;
	v4 =	vsel vm8, $0x3E, v4  }
0x1ac: {  	v60 =	vnsel vm13, $0x3E, v3;
	v3 =	vsel vm13, v4, v3;
	v4 =	vshll.u32 v59, $0x6  }
0x1ad: {  	v61 =	vnsel vm0, $0x3F, v60;
	v3 =	vsel vm12, $0x3F, v3;
	v4 =	vor.u32 v1, v4  }
0x1ae: {  	v3 =	vsel vm0, v3, v60;
	v62 =	vadd.s32 v4, v61  }
0x1af: {  	v4 =	vadd.s32 v4, v3;
	_ =	sdelay $0x1  }
0x1b0: {  	v63 =	vpop (erf)  }
0x1b1: {  	v5 =	vmul.f32 v63, v5  }
0x1b2: {  	[tilespmem:v62+s11+$0x0] =	vst.idx.msk $0xffff, v63  }
0x1b3: {  	s18 =	simm.s32 $0x0;
	s19 =	simm.s32 $0x8000;
	[tilespmem:v4+s11+$0x0] =	vst.idx.msk $0xffff, v5  }
0x1b4: {  	s16 =	simm.s32 $0x4600;
	s17 =	simm.s32 $0x8100;
	s15 =	simm.s32 $0x10;
	[tilespmem:s12+$0x0] =	vst v61  }
.LBB2_2:
0x1b5: {  	[tilespmem:s17+$0x0] =	vst v3;
	s18 =	sadd.s32 $0x80, s18;
	s19 =	sadd.s32 $0x10, s19;
	s17 =	sadd.s32 $0x10, s17  }
0x1b6: {  	p0 =	sne.s32 s15, $0xF0;
	s20 =	smov.u32 s15;
	s15 =	sadd.s32 $0x10, s15;
	[tilespmem:s16+$0xFFFFFE00] =	vst v0  }
0x1b7: {  	[tilespmem:s16+$0x1F0] =	vst v0  }
0x1b8: {  	[tilespmem:s16+$0x1E0] =	vst v0  }
0x1b9: {  	[tilespmem:s16+$0x1D0] =	vst v0  }
0x1ba: {  	[tilespmem:s16+$0x1C0] =	vst v0  }
0x1bb: {  	[tilespmem:s16+$0x1B0] =	vst v0  }
0x1bc: {  	[tilespmem:s16+$0x1A0] =	vst v0  }
0x1bd: {  	[tilespmem:s16+$0x190] =	vst v0  }
0x1be: {  	[tilespmem:s16+$0x180] =	vst v0  }
0x1bf: {  	[tilespmem:s16+$0x170] =	vst v0  }
0x1c0: {  	[tilespmem:s16+$0x160] =	vst v0  }
0x1c1: {  	[tilespmem:s16+$0x150] =	vst v0  }
0x1c2: {  	[tilespmem:s16+$0x140] =	vst v0  }
0x1c3: {  	[tilespmem:s16+$0x130] =	vst v0  }
0x1c4: {  	[tilespmem:s16+$0x120] =	vst v0  }
0x1c5: {  	[tilespmem:s16+$0x110] =	vst v0  }
0x1c6: {  	[tilespmem:s16+$0x100] =	vst v0  }
0x1c7: {  	[tilespmem:s16+$0xF0] =	vst v0  }
0x1c8: {  	[tilespmem:s16+$0xE0] =	vst v0  }
0x1c9: {  	[tilespmem:s16+$0xD0] =	vst v0  }
0x1ca: {  	[tilespmem:s16+$0xC0] =	vst v0  }
0x1cb: {  	[tilespmem:s16+$0xB0] =	vst v0  }
0x1cc: {  	[tilespmem:s16+$0xA0] =	vst v0  }
0x1cd: {  	[tilespmem:s16+$0x90] =	vst v0  }
0x1ce: {  	[tilespmem:s16+$0x80] =	vst v0  }
0x1cf: {  	[tilespmem:s16+$0x70] =	vst v0  }
0x1d0: {  	[tilespmem:s16+$0x60] =	vst v0  }
0x1d1: {  	[tilespmem:s16+$0x50] =	vst v0  }
0x1d2: {  	[tilespmem:s16+$0x40] =	vst v0  }
0x1d3: {  	[tilespmem:s16+$0x30] =	vst v0  }
0x1d4: {  	[tilespmem:s16+$0x20] =	vst v0  }
0x1d5: {  	[tilespmem:s16+$0x10] =	vst v0  }
0x1d6: {  	[tilespmem:s16+$0x0] =	vst v0  }
0x1d7: {  	[tilespmem:s16+$0xFFFFFFF0] =	vst v0  }
0x1d8: {  	[tilespmem:s16+$0xFFFFFFE0] =	vst v0  }
0x1d9: {  	[tilespmem:s16+$0xFFFFFFD0] =	vst v0  }
0x1da: {  	[tilespmem:s16+$0xFFFFFFC0] =	vst v0  }
0x1db: {  	[tilespmem:s16+$0xFFFFFFB0] =	vst v0  }
0x1dc: {  	[tilespmem:s16+$0xFFFFFFA0] =	vst v0  }
0x1dd: {  	[tilespmem:s16+$0xFFFFFF90] =	vst v0  }
0x1de: {  	[tilespmem:s16+$0xFFFFFF80] =	vst v0  }
0x1df: {  	[tilespmem:s16+$0xFFFFFF70] =	vst v0  }
0x1e0: {  	[tilespmem:s16+$0xFFFFFF60] =	vst v0  }
0x1e1: {  	[tilespmem:s16+$0xFFFFFF50] =	vst v0  }
0x1e2: {  	[tilespmem:s16+$0xFFFFFF40] =	vst v0  }
0x1e3: {  	[tilespmem:s16+$0xFFFFFF30] =	vst v0  }
0x1e4: {  	[tilespmem:s16+$0xFFFFFF20] =	vst v0  }
0x1e5: {  	[tilespmem:s16+$0xFFFFFF10] =	vst v0  }
0x1e6: {  	[tilespmem:s16+$0xFFFFFF00] =	vst v0  }
0x1e7: {  	[tilespmem:s16+$0xFFFFFEF0] =	vst v0  }
0x1e8: {  	[tilespmem:s16+$0xFFFFFEE0] =	vst v0  }
0x1e9: {  	[tilespmem:s16+$0xFFFFFED0] =	vst v0  }
0x1ea: {  	[tilespmem:s16+$0xFFFFFEC0] =	vst v0  }
0x1eb: {  	[tilespmem:s16+$0xFFFFFEB0] =	vst v0  }
0x1ec: {  	[tilespmem:s16+$0xFFFFFEA0] =	vst v0  }
0x1ed: {  	[tilespmem:s16+$0xFFFFFE90] =	vst v0  }
0x1ee: {  	[tilespmem:s16+$0xFFFFFE80] =	vst v0  }
0x1ef: {  	[tilespmem:s16+$0xFFFFFE70] =	vst v0  }
0x1f0: {  	[tilespmem:s16+$0xFFFFFE60] =	vst v0  }
0x1f1: {  	[tilespmem:s16+$0xFFFFFE50] =	vst v0  }
0x1f2: {  	[tilespmem:s16+$0xFFFFFE40] =	vst v0  }
0x1f3: {  	[tilespmem:s16+$0xFFFFFE30] =	vst v0  }
0x1f4: {  	s21 =	sand.u32 $0x70, s20;
	s22 =	sand.u32 $0x400, s18;
	[tilespmem:s16+$0xFFFFFE20] =	vst v0  }
0x1f5: {  	s21 =	sor.u32 s21, s22;
	[tilespmem:s16+$0xFFFFFE10] =	vst v0  }
0x1f6: {  	v3 =	vld [tilespmem:s21+$0x0]  }
0x1f7: {  	v4 =	vld [tilespmem:s21+$0x80]  }
0x1f8: {  	v49 =	vld [tilespmem:s21+$0x1080]  }
0x1f9: {  	v48 =	vld [tilespmem:s21+$0x1100]  }
0x1fa: {  	v47 =	vld [tilespmem:s21+$0x1180]  }
0x1fb: {  	vm0 =	vgt.f32 v3, $-Inf;
	v5 =	vld [tilespmem:s21+$0x100]  }
0x1fc: {  	v3 =	vnsel vm0, $0xFF800000, v3;
	vm0 =	vlt.f32 v4, $-Inf;
	vm1 =	vgt.f32 v4, $-Inf;
	v46 =	vld [tilespmem:s21+$0x1200]  }
0x1fd: {  	vm2 =	vgt.f32 v4, v3;
	vm0 =	vmor vm1, vm0;
	v45 =	vld [tilespmem:s21+$0x1280]  }
0x1fe: {  	vm1 =	vmneg vm2;
	v44 =	vld [tilespmem:s21+$0x1300]  }
0x1ff: {  	vm0 =	vmand vm0, vm1;
	v6 =	vsel vm1, v3, v4;
	v43 =	vld [tilespmem:s21+$0x1380]  }
0x200: {  	v7 =	vsel vm0, $0x1, v2;
	v4 =	vnsel vm0, $0xFF800000, v4;
	vm0 =	vgt.f32 v5, v6;
	v8 =	vld [tilespmem:s21+$0x180]  }
0x201: {  	v3 =	vsel vm1, v4, v3;
	v42 =	vld [tilespmem:s21+$0x1800]  }
0x202: {  	vm0 =	vmneg vm0;
	vm1 =	vgt.f32 v5, v3;
	v41 =	vld [tilespmem:s21+$0x1880]  }
0x203: {  	v4 =	vsel vm2, $0x1, v2;
	vm1 =	vmand vm0, vm1;
	v9 =	vld [tilespmem:s21+$0x200]  }
0x204: {  	v7 =	vsel vm1, $0x2, v7;
	v3 =	vsel vm1, v5, v3;
	v5 =	vsel vm0, v6, v5;
	v40 =	vld [tilespmem:s21+$0x1900]  }
0x205: {  	v7 =	vsel vm0, v7, v4;
	v3 =	vsel vm0, v3, v6;
	vm1 =	vgt.f32 v8, v5;
	v39 =	vld [tilespmem:s21+$0x1980]  }
0x206: {  	vm1 =	vmneg vm1;
	vm2 =	vgt.f32 v8, v3;
	v38 =	vld [tilespmem:s21+$0x1A00]  }
0x207: {  	v4 =	vnsel vm0, $0x2, v4;
	vm0 =	vmand vm1, vm2;
	v6 =	vsel vm1, v5, v8;
	v10 =	vld [tilespmem:s21+$0x280]  }
0x208: {  	v7 =	vsel vm0, $0x3, v7;
	v3 =	vsel vm0, v8, v3;
	vm0 =	vgt.f32 v9, v6;
	v37 =	vld [tilespmem:s21+$0x1A80]  }
0x209: {  	v7 =	vsel vm1, v7, v4;
	v3 =	vsel vm1, v3, v5;
	v4 =	vnsel vm1, $0x3, v4;
	v36 =	vld [tilespmem:s21+$0x1B00]  }
0x20a: {  	vm0 =	vmneg vm0;
	vm1 =	vgt.f32 v9, v3;
	v35 =	vld [tilespmem:s21+$0x1B80]  }
0x20b: {  	v5 =	vsel vm0, v6, v9;
	vm1 =	vmand vm0, vm1;
	v8 =	vld [tilespmem:s21+$0x300]  }
0x20c: {  	v7 =	vsel vm1, $0x4, v7;
	v3 =	vsel vm1, v9, v3;
	vm1 =	vgt.f32 v10, v5;
	v34 =	vld [tilespmem:s21+$0x2000]  }
0x20d: {  	v7 =	vsel vm0, v7, v4;
	v3 =	vsel vm0, v3, v6;
	v33 =	vld [tilespmem:s21+$0x2080]  }
0x20e: {  	vm1 =	vmneg vm1;
	vm2 =	vgt.f32 v10, v3;
	v6 =	vld [tilespmem:s21+$0x380]  }
0x20f: {  	v9 =	vsel vm1, v5, v10;
	vm2 =	vmand vm1, vm2;
	v32 =	vld [tilespmem:s21+$0x2100]  }
0x210: {  	v7 =	vsel vm2, $0x5, v7;
	v3 =	vsel vm2, v10, v3;
	vm2 =	vgt.f32 v8, v9;
	v31 =	vld [tilespmem:s21+$0x2180]  }
0x211: {  	v3 =	vsel vm1, v3, v5;
	v5 =	vld [tilespmem:s21+$0x800]  }
0x212: {  	v4 =	vnsel vm0, $0x4, v4;
	vm0 =	vmneg vm2;
	vm2 =	vgt.f32 v8, v3;
	v30 =	vld [tilespmem:s21+$0x2200]  }
0x213: {  	v7 =	vsel vm1, v7, v4;
	v10 =	vsel vm0, v9, v8;
	vm2 =	vmand vm0, vm2;
	v29 =	vld [tilespmem:s21+$0x2280]  }
0x214: {  	v7 =	vsel vm2, $0x6, v7;
	v3 =	vsel vm2, v8, v3;
	vm2 =	vgt.f32 v6, v10;
	v8 =	vld [tilespmem:s21+$0x880]  }
0x215: {  	v4 =	vnsel vm1, $0x5, v4;
	v3 =	vsel vm0, v3, v9;
	v28 =	vld [tilespmem:s21+$0x2300]  }
0x216: {  	v9 =	vnsel vm0, $0x6, v4;
	vm1 =	vmneg vm2;
	vm2 =	vgt.f32 v6, v3;
	v27 =	vld [tilespmem:s21+$0x2380]  }
0x217: {  	v4 =	vsel vm0, v7, v4;
	v7 =	vsel vm1, v10, v6;
	vm0 =	vmand vm1, vm2;
	v11 =	vld [tilespmem:s21+$0x900]  }
0x218: {  	v4 =	vsel vm0, $0x7, v4;
	v3 =	vsel vm0, v6, v3;
	vm0 =	vgt.f32 v5, v7;
	v26 =	vld [tilespmem:s21+$0x2800]  }
0x219: {  	v6 =	vnsel vm1, $0x7, v9;
	v4 =	vsel vm1, v4, v9;
	v3 =	vsel vm1, v3, v10;
	v25 =	vld [tilespmem:s21+$0x2880]  }
0x21a: {  	vm0 =	vmneg vm0;
	vm1 =	vgt.f32 v5, v3;
	v24 =	vld [tilespmem:s21+$0x2900]  }
0x21b: {  	v9 =	vnsel vm0, $0x8, v6;
	v10 =	vsel vm0, v7, v5;
	vm1 =	vmand vm0, vm1;
	v23 =	vld [tilespmem:s21+$0x2980]  }
0x21c: {  	v4 =	vsel vm1, $0x8, v4;
	v3 =	vsel vm1, v5, v3;
	vm1 =	vgt.f32 v8, v10;
	v22 =	vld [tilespmem:s21+$0x2A00]  }
0x21d: {  	v4 =	vsel vm0, v4, v6;
	v3 =	vsel vm0, v3, v7;
	v21 =	vld [tilespmem:s21+$0x2A80]  }
0x21e: {  	vm1 =	vmneg vm1;
	vm0 =	vgt.f32 v8, v3;
	v20 =	vld [tilespmem:s21+$0x2B00]  }
0x21f: {  	v5 =	vsel vm1, v10, v8;
	vm0 =	vmand vm1, vm0;
	v19 =	vld [tilespmem:s21+$0x2B80]  }
0x220: {  	v4 =	vsel vm0, $0x9, v4;
	v3 =	vsel vm0, v8, v3;
	vm0 =	vgt.f32 v11, v5;
	v6 =	vld [tilespmem:s21+$0x980]  }
0x221: {  	v4 =	vsel vm1, v4, v9;
	v3 =	vsel vm1, v3, v10;
	v18 =	vld [tilespmem:s21+$0x3000]  }
0x222: {  	vm0 =	vmneg vm0;
	vm2 =	vgt.f32 v11, v3;
	v17 =	vld [tilespmem:s21+$0x3080]  }
0x223: {  	v7 =	vnsel vm1, $0x9, v9;
	vm1 =	vmand vm0, vm2;
	v8 =	vld [tilespmem:s21+$0xA00]  }
0x224: {  	v9 =	vsel vm0, v5, v11;
	v4 =	vsel vm1, $0xA, v4;
	v3 =	vsel vm1, v11, v3;
	v16 =	vld [tilespmem:s21+$0x3100]  }
0x225: {  	v4 =	vsel vm0, v4, v7;
	v3 =	vsel vm0, v3, v5;
	vm1 =	vgt.f32 v6, v9;
	v15 =	vld [tilespmem:s21+$0x3180]  }
0x226: {  	vm1 =	vmneg vm1;
	vm2 =	vgt.f32 v6, v3;
	v5 =	vld [tilespmem:s21+$0xA80]  }
0x227: {  	vm2 =	vmand vm1, vm2;
	v10 =	vsel vm1, v9, v6;
	v14 =	vld [tilespmem:s21+$0x3200]  }
0x228: {  	v3 =	vsel vm2, v6, v3;
	vm3 =	vgt.f32 v8, v10;
	v13 =	vld [tilespmem:s21+$0x3280]  }
0x229: {  	v4 =	vsel vm2, $0xB, v4;
	v3 =	vsel vm1, v3, v9;
	v50 =	vld [tilespmem:s21+$0xB00]  }
0x22a: {  	v6 =	vnsel vm0, $0xA, v7;
	vm0 =	vmneg vm3;
	vm2 =	vgt.f32 v8, v3;
	v12 =	vld [tilespmem:s21+$0x3300]  }
0x22b: {  	v4 =	vsel vm1, v4, v6;
	v51 =	vsel vm0, v10, v8;
	vm2 =	vmand vm0, vm2;
	v11 =	vld [tilespmem:s21+$0x3380]  }
0x22c: {  	v4 =	vsel vm2, $0xC, v4;
	v3 =	vsel vm2, v8, v3;
	vm2 =	vgt.f32 v5, v51;
	v52 =	vld [tilespmem:s21+$0xB80]  }
0x22d: {  	v6 =	vnsel vm1, $0xB, v6;
	v3 =	vsel vm0, v3, v10;
	v10 =	vld [tilespmem:s21+$0x3800]  }
0x22e: {  	v4 =	vsel vm0, v4, v6;
	vm1 =	vmneg vm2;
	vm2 =	vgt.f32 v5, v3;
	v9 =	vld [tilespmem:s21+$0x3880]  }
0x22f: {  	v53 =	vnsel vm0, $0xC, v6;
	v54 =	vsel vm1, v51, v5;
	vm0 =	vmand vm1, vm2;
	v8 =	vld [tilespmem:s21+$0x3900]  }
0x230: {  	v4 =	vsel vm0, $0xD, v4;
	v3 =	vsel vm0, v5, v3;
	vm0 =	vgt.f32 v50, v54;
	v7 =	vld [tilespmem:s21+$0x3980]  }
0x231: {  	v5 =	vsel vm1, v4, v53;
	v3 =	vsel vm1, v3, v51;
	v6 =	vld [tilespmem:s21+$0x3A00]  }
0x232: {  	vm0 =	vmneg vm0;
	vm2 =	vgt.f32 v50, v3;
	v4 =	vld [tilespmem:s21+$0x3A80]  }
0x233: {  	v51 =	vnsel vm1, $0xD, v53;
	v53 =	vsel vm0, v54, v50;
	vm1 =	vmand vm0, vm2;
	v55 =	vld [tilespmem:s21+$0x1000]  }
0x234: {  	v56 =	vsel vm1, $0xE, v5;
	v3 =	vsel vm1, v50, v3;
	vm1 =	vgt.f32 v52, v53;
	v5 =	vld [tilespmem:s21+$0x3B00]  }
0x235: {  	v50 =	vsel vm0, v56, v51;
	v54 =	vsel vm0, v3, v54;
	v3 =	vld [tilespmem:s21+$0x3B80]  }
0x236: {  	vm1 =	vmneg vm1;
	vm2 =	vgt.f32 v52, v54  }
0x237: {  	v51 =	vnsel vm0, $0xE, v51;
	v56 =	vsel vm1, v53, v52;
	vm0 =	vmand vm1, vm2  }
0x238: {  	v50 =	vsel vm0, $0xF, v50;
	v52 =	vsel vm0, v52, v54;
	vm0 =	vgt.f32 v55, v56  }
0x239: {  	v50 =	vsel vm1, v50, v51;
	v52 =	vsel vm1, v52, v53;
	v51 =	vnsel vm1, $0xF, v51  }
0x23a: {  	vm0 =	vmneg vm0;
	vm1 =	vgt.f32 v55, v52  }
0x23b: {  	v53 =	vnsel vm0, $0x10, v51;
	v54 =	vsel vm0, v56, v55;
	vm1 =	vmand vm0, vm1  }
0x23c: {  	v50 =	vsel vm1, $0x10, v50;
	v52 =	vsel vm1, v55, v52;
	vm1 =	vgt.f32 v49, v54  }
0x23d: {  	v50 =	vsel vm0, v50, v51;
	v51 =	vsel vm0, v52, v56  }
0x23e: {  	vm0 =	vmneg vm1;
	vm1 =	vgt.f32 v49, v51  }
0x23f: {  	v52 =	vnsel vm0, $0x11, v53;
	v55 =	vsel vm0, v54, v49;
	vm1 =	vmand vm0, vm1  }
0x240: {  	v50 =	vsel vm1, $0x11, v50;
	v49 =	vsel vm1, v49, v51;
	vm1 =	vgt.f32 v48, v55  }
0x241: {  	v50 =	vsel vm0, v50, v53;
	v49 =	vsel vm0, v49, v54  }
0x242: {  	vm0 =	vmneg vm1;
	vm1 =	vgt.f32 v48, v49  }
0x243: {  	v51 =	vnsel vm0, $0x12, v52;
	v53 =	vsel vm0, v55, v48;
	vm1 =	vmand vm0, vm1  }
0x244: {  	v50 =	vsel vm1, $0x12, v50;
	v48 =	vsel vm1, v48, v49;
	vm1 =	vgt.f32 v47, v53  }
0x245: {  	v49 =	vsel vm0, v50, v52;
	v48 =	vsel vm0, v48, v55  }
0x246: {  	vm0 =	vmneg vm1;
	vm1 =	vgt.f32 v47, v48  }
0x247: {  	v50 =	vsel vm0, v53, v47;
	vm1 =	vmand vm0, vm1  }
0x248: {  	v49 =	vsel vm1, $0x13, v49;
	v47 =	vsel vm1, v47, v48;
	vm1 =	vgt.f32 v46, v50  }
0x249: {  	v48 =	vsel vm0, v49, v51;
	v47 =	vsel vm0, v47, v53  }
0x24a: {  	vm1 =	vmneg vm1;
	vm2 =	vgt.f32 v46, v47  }
0x24b: {  	v49 =	vnsel vm0, $0x13, v51;
	v51 =	vsel vm1, v50, v46;
	vm0 =	vmand vm1, vm2  }
0x24c: {  	v48 =	vsel vm0, $0x14, v48;
	v46 =	vsel vm0, v46, v47;
	vm0 =	vgt.f32 v45, v51  }
0x24d: {  	v47 =	vsel vm1, v48, v49;
	v46 =	vsel vm1, v46, v50  }
0x24e: {  	vm0 =	vmneg vm0;
	vm2 =	vgt.f32 v45, v46  }
0x24f: {  	v48 =	vnsel vm1, $0x14, v49;
	v49 =	vsel vm0, v51, v45;
	vm1 =	vmand vm0, vm2  }
0x250: {  	v47 =	vsel vm1, $0x15, v47;
	v45 =	vsel vm1, v45, v46;
	vm1 =	vgt.f32 v44, v49  }
0x251: {  	v46 =	vsel vm0, v47, v48;
	v45 =	vsel vm0, v45, v51;
	v47 =	vnsel vm0, $0x15, v48  }
0x252: {  	vm0 =	vmneg vm1;
	vm1 =	vgt.f32 v44, v45  }
0x253: {  	v48 =	vsel vm0, v49, v44;
	vm1 =	vmand vm0, vm1  }
0x254: {  	v46 =	vsel vm1, $0x16, v46;
	v44 =	vsel vm1, v44, v45;
	vm1 =	vgt.f32 v43, v48  }
0x255: {  	v45 =	vsel vm0, v46, v47;
	v44 =	vsel vm0, v44, v49  }
0x256: {  	vm1 =	vmneg vm1;
	vm2 =	vgt.f32 v43, v44  }
0x257: {  	v46 =	vnsel vm0, $0x16, v47;
	v47 =	vsel vm1, v48, v43;
	vm0 =	vmand vm1, vm2  }
0x258: {  	v45 =	vsel vm0, $0x17, v45;
	v43 =	vsel vm0, v43, v44;
	vm0 =	vgt.f32 v42, v47  }
0x259: {  	v44 =	vsel vm1, v45, v46;
	v43 =	vsel vm1, v43, v48  }
0x25a: {  	vm0 =	vmneg vm0;
	vm2 =	vgt.f32 v42, v43  }
0x25b: {  	v45 =	vsel vm0, v47, v42;
	vm2 =	vmand vm0, vm2  }
0x25c: {  	v44 =	vsel vm2, $0x18, v44;
	v42 =	vsel vm2, v42, v43;
	vm2 =	vgt.f32 v41, v45  }
0x25d: {  	v42 =	vsel vm0, v42, v47  }
0x25e: {  	vm2 =	vmneg vm2;
	vm3 =	vgt.f32 v41, v42  }
0x25f: {  	v43 =	vsel vm2, v45, v41;
	vm3 =	vmand vm2, vm3  }
0x260: {  	v46 =	vnsel vm1, $0x17, v46;
	vm1 =	vgt.f32 v40, v43;
	v41 =	vsel vm3, v41, v42  }
0x261: {  	v42 =	vsel vm0, v44, v46;
	v44 =	vnsel vm0, $0x18, v46;
	v41 =	vsel vm2, v41, v45  }
0x262: {  	vm0 =	vmneg vm1;
	v45 =	vnsel vm2, $0x19, v44;
	vm1 =	vgt.f32 v40, v41  }
0x263: {  	v42 =	vsel vm3, $0x19, v42;
	v46 =	vsel vm0, v43, v40;
	vm1 =	vmand vm0, vm1  }
0x264: {  	v42 =	vsel vm2, v42, v44;
	vm2 =	vgt.f32 v39, v46;
	v40 =	vsel vm1, v40, v41  }
0x265: {  	v41 =	vsel vm1, $0x1A, v42;
	v42 =	vnsel vm0, $0x1A, v45;
	v40 =	vsel vm0, v40, v43  }
0x266: {  	v41 =	vsel vm0, v41, v45;
	vm0 =	vmneg vm2;
	vm1 =	vgt.f32 v39, v40  }
0x267: {  	v43 =	vnsel vm0, $0x1B, v42;
	v44 =	vsel vm0, v46, v39;
	vm1 =	vmand vm0, vm1  }
0x268: {  	v41 =	vsel vm1, $0x1B, v41;
	v39 =	vsel vm1, v39, v40;
	vm1 =	vgt.f32 v38, v44  }
0x269: {  	v40 =	vsel vm0, v41, v42;
	v39 =	vsel vm0, v39, v46  }
0x26a: {  	vm0 =	vmneg vm1;
	vm1 =	vgt.f32 v38, v39  }
0x26b: {  	v41 =	vnsel vm0, $0x1C, v43;
	v42 =	vsel vm0, v44, v38;
	vm1 =	vmand vm0, vm1  }
0x26c: {  	v40 =	vsel vm1, $0x1C, v40;
	v38 =	vsel vm1, v38, v39;
	vm1 =	vgt.f32 v37, v42  }
0x26d: {  	v39 =	vsel vm0, v40, v43;
	v38 =	vsel vm0, v38, v44  }
0x26e: {  	vm0 =	vmneg vm1;
	vm1 =	vgt.f32 v37, v38  }
0x26f: {  	v40 =	vsel vm0, v42, v37;
	vm1 =	vmand vm0, vm1  }
0x270: {  	v39 =	vsel vm1, $0x1D, v39;
	v37 =	vsel vm1, v37, v38;
	vm1 =	vgt.f32 v36, v40  }
0x271: {  	v38 =	vsel vm0, v39, v41;
	v37 =	vsel vm0, v37, v42  }
0x272: {  	vm5 =	vmneg vm1;
	vm1 =	vgt.f32 v36, v37  }
0x273: {  	v39 =	vsel vm5, v40, v36;
	vm7 =	vmand vm5, vm1  }
0x274: {  	vm1 =	vgt.f32 v35, v39;
	v36 =	vsel vm7, v36, v37  }
0x275: {  	v36 =	vsel vm5, v36, v40  }
0x276: {  	vm1 =	vmneg vm1;
	vm2 =	vgt.f32 v35, v36  }
0x277: {  	v37 =	vsel vm1, v39, v35;
	vm4 =	vmand vm1, vm2  }
0x278: {  	vm2 =	vgt.f32 v34, v37;
	v35 =	vsel vm4, v35, v36  }
0x279: {  	v35 =	vsel vm1, v35, v39  }
0x27a: {  	vm3 =	vmneg vm2;
	vm2 =	vgt.f32 v34, v35  }
0x27b: {  	v36 =	vsel vm3, v37, v34;
	vm6 =	vmand vm3, vm2  }
0x27c: {  	vm2 =	vgt.f32 v33, v36;
	v34 =	vsel vm6, v34, v35  }
0x27d: {  	v34 =	vsel vm3, v34, v37  }
0x27e: {  	vm2 =	vmneg vm2;
	vm8 =	vgt.f32 v33, v34  }
0x27f: {  	v35 =	vsel vm7, $0x1E, v38;
	v37 =	vsel vm2, v36, v33;
	vm7 =	vmand vm2, vm8  }
0x280: {  	v38 =	vnsel vm0, $0x1D, v41;
	vm0 =	vgt.f32 v32, v37;
	v33 =	vsel vm7, v33, v34  }
0x281: {  	v34 =	vsel vm5, v35, v38;
	v35 =	vnsel vm5, $0x1E, v38;
	v33 =	vsel vm2, v33, v36  }
0x282: {  	vm0 =	vmneg vm0;
	v36 =	vnsel vm1, $0x1F, v35;
	vm5 =	vgt.f32 v32, v33  }
0x283: {  	v39 =	vsel vm0, v37, v32;
	v38 =	vnsel vm3, $0x20, v36;
	vm5 =	vmand vm0, vm5  }
0x284: {  	vm8 =	vgt.f32 v31, v39;
	v40 =	vnsel vm2, $0x21, v38;
	v32 =	vsel vm5, v32, v33  }
0x285: {  	v33 =	vsel vm4, $0x1F, v34;
	v34 =	vnsel vm0, $0x22, v40;
	v32 =	vsel vm0, v32, v37  }
0x286: {  	v33 =	vsel vm1, v33, v35;
	vm1 =	vmneg vm8;
	vm4 =	vgt.f32 v31, v32  }
0x287: {  	v33 =	vsel vm6, $0x20, v33;
	vm4 =	vmand vm1, vm4  }
0x288: {  	v33 =	vsel vm3, v33, v36;
	v32 =	vsel vm4, v31, v32;
	v31 =	vsel vm1, v39, v31  }
0x289: {  	v33 =	vsel vm7, $0x21, v33;
	v32 =	vsel vm1, v32, v39;
	vm3 =	vgt.f32 v30, v31  }
0x28a: {  	v35 =	vnsel vm1, $0x23, v34;
	vm3 =	vmneg vm3;
	vm6 =	vgt.f32 v30, v32  }
0x28b: {  	v33 =	vsel vm2, v33, v38;
	vm2 =	vmand vm3, vm6;
	v36 =	vnsel vm3, $0x24, v35  }
0x28c: {  	v33 =	vsel vm5, $0x22, v33;
	v32 =	vsel vm2, v30, v32;
	v30 =	vsel vm3, v31, v30  }
0x28d: {  	v33 =	vsel vm0, v33, v40;
	v31 =	vsel vm3, v32, v31;
	vm0 =	vgt.f32 v29, v30  }
0x28e: {  	v32 =	vsel vm4, $0x23, v33;
	vm0 =	vmneg vm0;
	vm4 =	vgt.f32 v29, v31  }
0x28f: {  	v32 =	vsel vm1, v32, v34;
	vm1 =	vmand vm0, vm4;
	v33 =	vsel vm0, v30, v29  }
0x290: {  	v32 =	vsel vm2, $0x24, v32;
	v29 =	vsel vm1, v29, v31;
	vm2 =	vgt.f32 v28, v33  }
0x291: {  	v31 =	vsel vm3, v32, v35;
	v29 =	vsel vm0, v29, v30;
	v30 =	vnsel vm0, $0x25, v36  }
0x292: {  	v31 =	vsel vm1, $0x25, v31;
	vm1 =	vmneg vm2;
	vm2 =	vgt.f32 v28, v29  }
0x293: {  	v31 =	vsel vm0, v31, v36;
	v32 =	vsel vm1, v33, v28;
	vm0 =	vmand vm1, vm2  }
0x294: {  	v31 =	vsel vm0, $0x26, v31;
	v28 =	vsel vm0, v28, v29;
	vm0 =	vgt.f32 v27, v32  }
0x295: {  	v29 =	vsel vm1, v31, v30;
	v28 =	vsel vm1, v28, v33  }
0x296: {  	v30 =	vnsel vm1, $0x26, v30;
	vm0 =	vmneg vm0;
	vm1 =	vgt.f32 v27, v28  }
0x297: {  	v31 =	vnsel vm0, $0x27, v30;
	v33 =	vsel vm0, v32, v27;
	vm1 =	vmand vm0, vm1  }
0x298: {  	v29 =	vsel vm1, $0x27, v29;
	v27 =	vsel vm1, v27, v28;
	vm1 =	vgt.f32 v26, v33  }
0x299: {  	v28 =	vsel vm0, v29, v30;
	v27 =	vsel vm0, v27, v32  }
0x29a: {  	vm0 =	vmneg vm1;
	vm1 =	vgt.f32 v26, v27  }
0x29b: {  	v29 =	vnsel vm0, $0x28, v31;
	v30 =	vsel vm0, v33, v26;
	vm1 =	vmand vm0, vm1  }
0x29c: {  	v28 =	vsel vm1, $0x28, v28;
	v26 =	vsel vm1, v26, v27  }
0x29d: {  	v27 =	vsel vm0, v28, v31;
	v26 =	vsel vm0, v26, v33;
	vm0 =	vgt.f32 v25, v30  }
0x29e: {  	vm0 =	vmneg vm0;
	vm1 =	vgt.f32 v25, v26  }
0x29f: {  	vm1 =	vmand vm0, vm1  }
0x2a0: {  	v27 =	vsel vm1, $0x29, v27;
	v26 =	vsel vm1, v25, v26;
	v25 =	vsel vm0, v30, v25  }
0x2a1: {  	v27 =	vsel vm0, v27, v29;
	v26 =	vsel vm0, v26, v30;
	vm1 =	vgt.f32 v24, v25  }
0x2a2: {  	vm3 =	vmneg vm1;
	vm1 =	vgt.f32 v24, v26  }
0x2a3: {  	vm5 =	vmand vm3, vm1  }
0x2a4: {  	v26 =	vsel vm5, v24, v26;
	v24 =	vsel vm3, v25, v24  }
0x2a5: {  	v25 =	vsel vm3, v26, v25;
	vm1 =	vgt.f32 v23, v24  }
0x2a6: {  	vm1 =	vmneg vm1;
	vm2 =	vgt.f32 v23, v25  }
0x2a7: {  	vm4 =	vmand vm1, vm2;
	v26 =	vsel vm1, v24, v23  }
0x2a8: {  	v23 =	vsel vm4, v23, v25;
	vm2 =	vgt.f32 v22, v26  }
0x2a9: {  	v23 =	vsel vm1, v23, v24  }
0x2aa: {  	vm2 =	vmneg vm2;
	vm6 =	vgt.f32 v22, v23  }
0x2ab: {  	v24 =	vsel vm2, v26, v22;
	vm6 =	vmand vm2, vm6  }
0x2ac: {  	vm7 =	vgt.f32 v21, v24;
	v22 =	vsel vm6, v22, v23  }
0x2ad: {  	v22 =	vsel vm2, v22, v26  }
0x2ae: {  	v23 =	vsel vm5, $0x2A, v27;
	vm5 =	vmneg vm7;
	vm7 =	vgt.f32 v21, v22  }
0x2af: {  	v25 =	vnsel vm0, $0x29, v29;
	v26 =	vsel vm5, v24, v21;
	vm7 =	vmand vm5, vm7  }
0x2b0: {  	v27 =	vnsel vm3, $0x2A, v25;
	vm0 =	vgt.f32 v20, v26;
	v21 =	vsel vm7, v21, v22  }
0x2b1: {  	v22 =	vsel vm3, v23, v25;
	v23 =	vnsel vm1, $0x2B, v27;
	v21 =	vsel vm5, v21, v24  }
0x2b2: {  	vm0 =	vmneg vm0;
	v24 =	vnsel vm2, $0x2C, v23;
	vm3 =	vgt.f32 v20, v21  }
0x2b3: {  	v28 =	vsel vm0, v26, v20;
	v25 =	vnsel vm5, $0x2D, v24;
	vm3 =	vmand vm0, vm3  }
0x2b4: {  	v22 =	vsel vm4, $0x2B, v22;
	vm4 =	vgt.f32 v19, v28;
	v20 =	vsel vm3, v20, v21  }
0x2b5: {  	v21 =	vsel vm1, v22, v27;
	v22 =	vnsel vm0, $0x2E, v25;
	v20 =	vsel vm0, v20, v26  }
0x2b6: {  	vm1 =	vmneg vm4;
	v21 =	vsel vm6, $0x2C, v21;
	vm4 =	vgt.f32 v19, v20  }
0x2b7: {  	v21 =	vsel vm2, v21, v23;
	vm2 =	vmand vm1, vm4  }
0x2b8: {  	v21 =	vsel vm7, $0x2D, v21;
	v20 =	vsel vm2, v19, v20;
	v19 =	vsel vm1, v28, v19  }
0x2b9: {  	v21 =	vsel vm5, v21, v24;
	v20 =	vsel vm1, v20, v28;
	vm4 =	vgt.f32 v18, v19  }
0x2ba: {  	v21 =	vsel vm3, $0x2E, v21;
	vm3 =	vmneg vm4;
	vm4 =	vgt.f32 v18, v20  }
0x2bb: {  	v23 =	vnsel vm1, $0x2F, v22;
	vm4 =	vmand vm3, vm4;
	v24 =	vsel vm3, v19, v18  }
0x2bc: {  	v21 =	vsel vm0, v21, v25;
	v18 =	vsel vm4, v18, v20;
	vm0 =	vgt.f32 v17, v24  }
0x2bd: {  	v20 =	vsel vm2, $0x2F, v21;
	v18 =	vsel vm3, v18, v19  }
0x2be: {  	v19 =	vsel vm1, v20, v22;
	vm0 =	vmneg vm0;
	vm1 =	vgt.f32 v17, v18  }
0x2bf: {  	v20 =	vnsel vm3, $0x30, v23;
	v19 =	vsel vm4, $0x30, v19;
	vm1 =	vmand vm0, vm1  }
0x2c0: {  	v19 =	vsel vm3, v19, v23;
	v18 =	vsel vm1, v17, v18;
	v17 =	vsel vm0, v24, v17  }
0x2c1: {  	v19 =	vsel vm1, $0x31, v19;
	v18 =	vsel vm0, v18, v24;
	vm1 =	vgt.f32 v16, v17  }
0x2c2: {  	v21 =	vnsel vm0, $0x31, v20;
	vm1 =	vmneg vm1;
	vm2 =	vgt.f32 v16, v18  }
0x2c3: {  	v19 =	vsel vm0, v19, v20;
	vm0 =	vmand vm1, vm2;
	v20 =	vnsel vm1, $0x32, v21  }
0x2c4: {  	v19 =	vsel vm0, $0x32, v19;
	v18 =	vsel vm0, v16, v18;
	v16 =	vsel vm1, v17, v16  }
0x2c5: {  	v19 =	vsel vm1, v19, v21;
	v17 =	vsel vm1, v18, v17;
	vm0 =	vgt.f32 v15, v16  }
0x2c6: {  	vm0 =	vmneg vm0;
	vm1 =	vgt.f32 v15, v17  }
0x2c7: {  	vm1 =	vmand vm0, vm1;
	v18 =	vnsel vm0, $0x33, v20  }
0x2c8: {  	v19 =	vsel vm1, $0x33, v19;
	v17 =	vsel vm1, v15, v17;
	v15 =	vsel vm0, v16, v15  }
0x2c9: {  	v19 =	vsel vm0, v19, v20;
	v16 =	vsel vm0, v17, v16;
	vm0 =	vgt.f32 v14, v15  }
0x2ca: {  	vm0 =	vmneg vm0;
	vm1 =	vgt.f32 v14, v16  }
0x2cb: {  	vm1 =	vmand vm0, vm1;
	v17 =	vsel vm0, v15, v14  }
0x2cc: {  	v19 =	vsel vm1, $0x34, v19;
	v14 =	vsel vm1, v14, v16  }
0x2cd: {  	vm1 =	vgt.f32 v13, v17;
	v16 =	vsel vm0, v19, v18;
	v14 =	vsel vm0, v14, v15  }
0x2ce: {  	vm3 =	vmneg vm1;
	vm1 =	vgt.f32 v13, v14  }
0x2cf: {  	vm4 =	vmand vm3, vm1  }
0x2d0: {  	v14 =	vsel vm4, v13, v14;
	v13 =	vsel vm3, v17, v13  }
0x2d1: {  	v14 =	vsel vm3, v14, v17;
	vm1 =	vgt.f32 v12, v13  }
0x2d2: {  	vm1 =	vmneg vm1;
	vm2 =	vgt.f32 v12, v14  }
0x2d3: {  	vm5 =	vmand vm1, vm2  }
0x2d4: {  	v14 =	vsel vm5, v12, v14;
	v12 =	vsel vm1, v13, v12  }
0x2d5: {  	v13 =	vsel vm1, v14, v13;
	vm2 =	vgt.f32 v11, v12  }
0x2d6: {  	vm2 =	vmneg vm2;
	vm6 =	vgt.f32 v11, v13  }
0x2d7: {  	v14 =	vsel vm4, $0x35, v16;
	vm4 =	vmand vm2, vm6;
	v15 =	vsel vm2, v12, v11  }
0x2d8: {  	v16 =	vnsel vm0, $0x34, v18;
	v11 =	vsel vm4, v11, v13;
	vm0 =	vgt.f32 v10, v15  }
0x2d9: {  	v13 =	vsel vm3, v14, v16;
	v14 =	vnsel vm3, $0x35, v16;
	v11 =	vsel vm2, v11, v12  }
0x2da: {  	v12 =	vnsel vm1, $0x36, v14;
	vm0 =	vmneg vm0;
	vm3 =	vgt.f32 v10, v11  }
0x2db: {  	v13 =	vsel vm5, $0x36, v13;
	v16 =	vnsel vm2, $0x37, v12;
	vm3 =	vmand vm0, vm3  }
0x2dc: {  	v17 =	vnsel vm0, $0x38, v16;
	v11 =	vsel vm3, v10, v11;
	v10 =	vsel vm0, v15, v10  }
0x2dd: {  	v13 =	vsel vm1, v13, v14;
	v11 =	vsel vm0, v11, v15;
	vm1 =	vgt.f32 v9, v10  }
0x2de: {  	v13 =	vsel vm4, $0x37, v13;
	vm1 =	vmneg vm1;
	vm4 =	vgt.f32 v9, v11  }
0x2df: {  	v12 =	vsel vm2, v13, v12;
	vm2 =	vmand vm1, vm4;
	v13 =	vnsel vm1, $0x39, v17  }
0x2e0: {  	v12 =	vsel vm3, $0x38, v12;
	v11 =	vsel vm2, v9, v11;
	v9 =	vsel vm1, v10, v9  }
0x2e1: {  	v12 =	vsel vm0, v12, v16;
	v10 =	vsel vm1, v11, v10;
	vm0 =	vgt.f32 v8, v9  }
0x2e2: {  	v11 =	vsel vm2, $0x39, v12;
	vm0 =	vmneg vm0;
	vm2 =	vgt.f32 v8, v10  }
0x2e3: {  	vm2 =	vmand vm0, vm2;
	v12 =	vnsel vm0, $0x3A, v13;
	v14 =	vsel vm0, v9, v8  }
0x2e4: {  	v8 =	vsel vm2, v8, v10;
	vm3 =	vgt.f32 v7, v14  }
0x2e5: {  	v10 =	vsel vm1, v11, v17;
	v8 =	vsel vm0, v8, v9;
	vm1 =	vmneg vm3  }
0x2e6: {  	vm3 =	vgt.f32 v7, v8;
	v9 =	vnsel vm1, $0x3B, v12;
	v11 =	vsel vm1, v14, v7  }
0x2e7: {  	v10 =	vsel vm2, $0x3A, v10;
	vm2 =	vmand vm1, vm3;
	vm3 =	vgt.f32 v6, v11  }
0x2e8: {  	v10 =	vsel vm0, v10, v13;
	v7 =	vsel vm2, v7, v8;
	vm0 =	vmneg vm3  }
0x2e9: {  	v8 =	vsel vm2, $0x3B, v10;
	v7 =	vsel vm1, v7, v14;
	v10 =	vsel vm0, v11, v6  }
0x2ea: {  	v8 =	vsel vm1, v8, v12;
	vm1 =	vgt.f32 v6, v7;
	vm2 =	vgt.f32 v4, v10  }
0x2eb: {  	vm3 =	vmand vm0, vm1;
	vm1 =	vmneg vm2  }
0x2ec: {  	v8 =	vsel vm3, $0x3C, v8;
	v6 =	vsel vm3, v6, v7;
	v7 =	vsel vm1, v10, v4  }
0x2ed: {  	v8 =	vsel vm0, v8, v9;
	v6 =	vsel vm0, v6, v11;
	vm2 =	vgt.f32 v5, v7  }
0x2ee: {  	vm3 =	vgt.f32 v4, v6;
	vm2 =	vmneg vm2  }
0x2ef: {  	vm3 =	vmand vm1, vm3;
	v11 =	vsel vm2, v7, v5  }
0x2f0: {  	v8 =	vsel vm3, $0x3D, v8;
	v4 =	vsel vm3, v4, v6;
	vm3 =	vgt.f32 v3, v11  }
0x2f1: {  	v4 =	vsel vm1, v4, v10  }
0x2f2: {  	vm4 =	vgt.f32 v5, v4  }
0x2f3: {  	vm4 =	vmand vm2, vm4  }
0x2f4: {  	v4 =	vsel vm4, v5, v4  }
0x2f5: {  	v4 =	vsel vm2, v4, v7  }
0x2f6: {  	v5 =	vnsel vm0, $0x3C, v9;
	vm0 =	vmneg vm3;
	vm3 =	vgt.f32 v3, v4  }
0x2f7: {  	v6 =	vnsel vm1, $0x3D, v5;
	v7 =	vsel vm0, v11, v3;
	vm3 =	vmand vm0, vm3  }
0x2f8: {  	v5 =	vsel vm1, v8, v5;
	v8 =	vnsel vm2, $0x3E, v6;
	v3 =	vsel vm3, v3, v4  }
0x2f9: {  	v4 =	vsel vm4, $0x3E, v5;
	v5 =	vnsel vm0, $0x3F, v8;
	v3 =	vsel vm0, v3, v11  }
0x2fa: {  	v4 =	vsel vm2, v4, v6;
	v6 =	vsub.f32 v3, v7  }
0x2fb: {  	v3 =	vsel vm3, $0x3F, v4  }
0x2fc: {  	v3 =	vsel vm0, v3, v8;
	v4 =	vmul.f32 $1.442695020e+00, v6;
	_ =	sdelay $0x1  }
0x2fd: {  	(erf) = vpow2.f32 v4;
	_ =	sdelay $0x8  }
0x2fe: {  	v4 =	vpop (erf)  }
0x2ff: {  	v6 =	vadd.f32 $1.000000000e+00, v4;
	_ =	sdelay $0x1  }
0x300: {  	(erf) = vrcp.f32 v6;
	_ =	sdelay $0x1  }
0x301: {  	v6 =	vmov s20  }
0x302: {  	v6 =	vshll.u32 v6, $0x6  }
0x303: {  	v6 =	vor.u32 v1, v6  }
0x304: {  	v7 =	vadd.s32 v6, v5;
	_ =	sdelay $0x1  }
0x305: {  	v6 =	vadd.s32 v6, v3;
	_ =	sdelay $0x1  }
.Ltmp0:
0x306: {  	v8 =	vpop (erf);
	(pc) =	sbr.rel @p0 .LBB2_2-.Ltmp0, $3  }
0x307: {  	v4 =	vmul.f32 v8, v4;
	[tilespmem:v7+s11+$0x0] =	vst.idx.msk $0xffff, v8;
	_ =	sdelay $0x1  }
0x308: {  	[tilespmem:v6+s11+$0x0] =	vst.idx.msk $0xffff, v4  }
0x309: {  	s16 =	sadd.s32 $0x400, s16;
	[tilespmem:s19+$0x0] =	vst v5  }
0x30a: {  	[tilespmem:s17+$0x0] =	vst v3  }
0x30b: {  	[hbm4b:s4+s2] =	stream.linear.scatter [tilespmem:s11], [sflag:$0x1], $0x4000, $0x38;
	[tilespmem:$0x8200] =	vst v63  }
0x30c: {  	_ =	swait.ge [sflag:s10], $0x4000  }
0x30d: {  	[sflag:s10] =	ssyncset.done $0x0  }
0x30e: {  	[sflag:s10] =	ssyncadd.s32 $0xFFFFC000  }
0x30f: {  	[hbm4b:s5+s2] =	stream.linear.scatter [tilespmem:s12], [sflag:$0x1], $0x100, $0x38;
	[tilespmem:$0x8200] =	vst v63  }
0x310: {  	s14 =	sadd.s32 $0x1, s14;
	_ =	swait.ge [sflag:s10], $0x100  }
0x311: {  	p0 =	sne.s32 s14, s7;
	[sflag:s10] =	ssyncset.done $0x0  }
.Ltmp1:
0x312: {  	[sflag:s10] =	ssyncadd.s32 $0xFFFFFF00;
	(pc) =	sbr.rel @p0 .LBB2_1-.Ltmp1, $4  }
0x313: {  	[hbm4b:s6+s2] =	stream.linear.scatter [tilespmem:s13], [sflag:$0x1], $0x100, $0x38;
	[tilespmem:$0x8200] =	vst v63  }
0x314: {  	_ =	swait.ge [sflag:s10], $0x100  }
0x315: {  	[sflag:s10] =	ssyncset.done $0x0  }
0x316: {  	[sflag:s10] =	ssyncadd.s32 $0xFFFFFF00  }
0x317: {  	_ =	sfence.sel $0x180000  }
0x318: {  	[bflag:$0x0] =	sbarrier.arrive $0xFFFF  }
0x319: {  	p0 =	sne.s32 s1, $0x0;
	_ =	strace $0x90000047  }
0x31a: {  	s0 =	sadd.s32 @!p0 $0x100000, s0;
	[bflag:$0x2] =	sbarrier.arrive $0xFFFF  }
0x31b: {  	[sflag:s0] =	ssyncadd.tile.s32 @!p0 $0x1;
	_ =	shalt  }
.Lfunc_end2:
_tile_overlayer_lowered:
.L_overlay_start_2:
0x31c: {  	(tag) =	ssettag $0x2  }
0x31d: {  	s0 =	rddreg [dreg:$0x0];
	s2 =	stileid.u32  }
0x31e: {  	s1 =	rddreg [dreg:$0x1];
	p0 =	sne.s32 s2, $0x0  }
0x31f: {  	s3 =	rddreg [dreg:$0x2];
	[bflag:$0x3] =	sbarrier.arrive $0xFFFF;
	s2 =	simm.s32 @!p0 $0x1C01  }
0x320: {  	[timem:s3], [sflag:s2] =	dma.local @!p0 [hbm:s0], s1  }
0x321: {  	s0 =	simm.s32 @!p0 $0x1  }
0x322: {  	_ =	swait.ge @!p0 [sflag:s0], s1  }
0x323: {  	s1 =	ssub.s32 @!p0 $0x0, s1;
	[sflag:s0] =	ssyncset.done @!p0 $0x0  }
0x324: {  	[sflag:s0] =	ssyncadd.s32 @!p0 s1  }
0x325: {  	[bflag:$0x3] =	sbarrier.arrive $0xFFFF  }
0x326: {  	_ =	shalt  }

</sc_bundles>
